<compile_context>
chip_gen: v7x
topology: tpu7x:2x2x1
jax: 0.10.2.dev20260603
libtpu: 0.0.44.dev20260713+nightly
codegen_flags: <defaults>
</compile_context>

<pallas_src>
import functools

import jax
import jax.numpy as jnp
from jax import lax
from jax.experimental import pallas as pl
from jax.experimental.pallas import tpu as pltpu
from jax.experimental.pallas import tpu_sc as plsc

B, G, M, T, D, H, V = 8, 4, 512, 1024, 256, 256, 50000
BG = B * G
N_IDX = BG * M + BG * T



def _sc_gather2(table, cid, rel):
    n0, n1 = cid.shape[0], rel.shape[0]
    d = table.shape[1]
    info = plsc.get_sparse_core_info()
    nc, ns = info.num_cores, info.num_subcores
    nw = nc * ns
    chunk = 128
    nch0 = n0 // (nw * chunk)
    nch1 = n1 // (nw * chunk)
    nbuf = 3
    mesh = plsc.VectorSubcoreMesh(core_axis_name="c", subcore_axis_name="s")

    @functools.partial(
        pl.kernel,
        mesh=mesh,
        out_type=(jax.ShapeDtypeStruct((n0, d), jnp.float32),
                  jax.ShapeDtypeStruct((n1, d), jnp.float32)),
        scratch_types=[
            pltpu.VMEM((nch0, chunk), jnp.int32),
            pltpu.VMEM((nch1, chunk), jnp.int32),
        ]
        + [pltpu.VMEM((chunk, d), jnp.float32) for _ in range(nbuf)]
        + [pltpu.SemaphoreType.DMA for _ in range(nbuf)],
    )
    def k(table_hbm, cid_hbm, rel_hbm, out0_hbm, out1_hbm,
          idx0_v, idx1_v, *bufs_and_sems):
        bufs = bufs_and_sems[:nbuf]
        sems = bufs_and_sems[nbuf:]
        wid = lax.axis_index("s") * nc + lax.axis_index("c")
        pltpu.sync_copy(cid_hbm.at[wid], idx0_v)
        pltpu.sync_copy(rel_hbm.at[wid], idx1_v)
        jobs = ([(idx0_v, i, out0_hbm, nch0) for i in range(nch0)]
                + [(idx1_v, i, out1_hbm, nch1) for i in range(nch1)])

        def fire(j, b):
            idx_v, i, _, _ = jobs[j]
            return pltpu.async_copy(table_hbm.at[idx_v.at[i]], bufs[b],
                                    sems[b])

        copies = {}
        for j in range(nbuf):
            copies[j] = fire(j, j)
        for j in range(len(jobs)):
            b = j % nbuf
            _, i, out_hbm, n_ch = jobs[j]
            copies[j].wait()
            pltpu.sync_copy(bufs[b],
                            out_hbm.at[pl.ds((wid * n_ch + i) * chunk, chunk)])
            if j + nbuf < len(jobs):
                copies[j + nbuf] = fire(j + nbuf, b)

    return k(table, cid.reshape(nw, nch0, chunk), rel.reshape(nw, nch1, chunk))



BPS = 2


def _abuild_body(hd_ref, tl_ref, lbl_ref, wr0_ref, wr1_ref, wtr_ref,
                 ac_ref, pc_ref, wtrf_ref):
    bf16 = jnp.bfloat16
    dotf = functools.partial(jnp.dot, preferred_element_type=jnp.float32)

    @pl.when(pl.program_id(0) == 0)
    def _():
        wtrf_ref[...] = dotf(wr0_ref[...], dotf(wr1_ref[...], wtr_ref[...]))

    for s in range(BPS):
        hd = hd_ref[s, 0, :]
        tl = tl_ref[s, 0, :]
        lbl = lbl_ref[s, 0, :]
        cnt = (lbl != -1).astype(bf16)
        iota_tm = lax.broadcasted_iota(jnp.int32, (T, M), 1)
        iota_mt = lax.broadcasted_iota(jnp.int32, (M, T), 0)
        sh_p = (iota_tm == hd[:, None]).astype(bf16)
        st_p = (iota_tm == tl[:, None]).astype(bf16)
        shm_t = (iota_mt == hd[None, :]).astype(bf16) * cnt[None, :]
        stm_t = (iota_mt == tl[None, :]).astype(bf16) * cnt[None, :]
        dot = functools.partial(jnp.dot, preferred_element_type=jnp.float32)
        a = dot(stm_t, sh_p) + dot(shm_t, st_p)
        ac_ref[s] = a.astype(bf16)
        pc_ref[s] = stm_t + shm_t


def _abuild_call(hd3, tl3, lbl3, wr0, wr1, wtr):
    full = lambda shp: pl.BlockSpec(shp, lambda b: (0,) * len(shp))
    batch3 = lambda shp: pl.BlockSpec((BPS,) + shp, lambda b: (b, 0, 0))
    return pl.pallas_call(
        _abuild_body,
        grid=(BG // BPS,),
        in_specs=[batch3((1, T)), batch3((1, T)), batch3((1, T)),
                  full((D, D)), full((D, D)), full((D, D))],
        out_specs=[batch3((M, M)), batch3((M, T)), full((D, D))],
        out_shape=[
            jax.ShapeDtypeStruct((BG, M, M), jnp.bfloat16),
            jax.ShapeDtypeStruct((BG, M, T), jnp.bfloat16),
            jax.ShapeDtypeStruct((D, D), jnp.float32),
        ],
    )(hd3, tl3, lbl3, wr0, wr1, wtr)


def _gcn_body(ch_ref, rh_ref, hd_ref, tl_ref, ac_ref, pc_ref,
              ws0_ref, wn0_ref, ws1_ref, wn1_ref, wr0_ref,
              wt_h_ref, wt_rf_ref, wt_t_ref, llin_ref,
              triple_ref, cause_ref):
    for s in range(BPS):
        _gcn_one(s, ch_ref, rh_ref, hd_ref, tl_ref, ac_ref, pc_ref,
                 ws0_ref, wn0_ref, ws1_ref, wn1_ref, wr0_ref,
                 wt_h_ref, wt_rf_ref, wt_t_ref, llin_ref,
                 triple_ref, cause_ref)


def _gcn_one(s, ch_ref, rh_ref, hd_ref, tl_ref, ac_ref, pc_ref,
             ws0_ref, wn0_ref, ws1_ref, wn1_ref, wr0_ref,
             wt_h_ref, wt_rf_ref, wt_t_ref, llin_ref,
             triple_ref, cause_ref):
    f32 = jnp.float32
    bf16 = jnp.bfloat16
    hd = hd_ref[s, 0, :]
    tl = tl_ref[s, 0, :]

    iota_tm = lax.broadcasted_iota(jnp.int32, (T, M), 1)
    sh_p = (iota_tm == hd[:, None]).astype(bf16)
    st_p = (iota_tm == tl[:, None]).astype(bf16)

    dot = functools.partial(jnp.dot, preferred_element_type=f32)
    dotb = dot

    a_c = ac_ref[s]
    p_c = pc_ref[s]
    rh_f = rh_ref[s]
    rh0 = rh_f.astype(bf16)

    c = jnp.maximum(jnp.sum(a_c.astype(f32), axis=1), 1.0)[:, None]
    ch = ch_ref[s]
    r0 = dotb(p_c, rh0)
    upd = dotb(a_c, ch.astype(bf16)) - r0
    ch = jax.nn.relu(dot(ch, ws0_ref[...]) + dot(upd, wn0_ref[...]) / c)
    r1 = dot(r0, wr0_ref[...])
    upd = dotb(a_c, ch.astype(bf16)) - r1
    ch = jax.nn.relu(dot(ch, ws1_ref[...]) + dot(upd, wn1_ref[...]) / c)

    triple = (dotb(sh_p, dot(ch, wt_h_ref[...]).astype(bf16))
              + dotb(rh0, wt_rf_ref[...].astype(bf16))
              + dotb(st_p, dot(ch, wt_t_ref[...]).astype(bf16)))
    triple_ref[s] = triple
    cause_ref[s] = dot(jnp.sum(triple, axis=0, keepdims=True), llin_ref[...])


def _gcn_call(ch0, rh0, hd3, tl3, ac, pc, ws0, wn0, ws1, wn1, wr0,
              wt_h, wt_rf, wt_t, llin):
    full = lambda shp: pl.BlockSpec(shp, lambda b: (0,) * len(shp))
    batch3 = lambda shp: pl.BlockSpec((BPS,) + shp, lambda b: (b, 0, 0))
    return pl.pallas_call(
        _gcn_body,
        grid=(BG // BPS,),
        in_specs=[
            batch3((M, D)), batch3((T, D)),
            batch3((1, T)), batch3((1, T)),
            batch3((M, M)), batch3((M, T)),
            full((D, D)), full((D, D)), full((D, D)), full((D, D)),
            full((D, D)),
            full((D, D)), full((D, D)), full((D, D)), full((D, D)),
        ],
        out_specs=[batch3((T, D)), batch3((1, D))],
        out_shape=[
            jax.ShapeDtypeStruct((BG, T, D), jnp.float32),
            jax.ShapeDtypeStruct((BG, 1, D), jnp.float32),
        ],
    )(ch0, rh0, hd3, tl3, ac, pc, ws0, wn0, ws1, wn1, wr0,
      wt_h, wt_rf, wt_t, llin)



def _gru_body(xs_ref, wih_f_ref, whh_f_ref, bih_f_ref, bhh_f_ref,
              wih_b_ref, whh_b_ref, bih_b_ref, bhh_b_ref,
              lc_b_ref, lc_f_ref, out_ref):
    dot = functools.partial(jnp.dot, preferred_element_type=jnp.float32)

    def run(step_ids, wih, whh, bih, bhh):
        h = jnp.zeros((B, H), jnp.float32)
        for g in step_ids:
            xt = xs_ref[g]
            gx = dot(xt, wih[...]) + bih[...]
            gh = dot(h, whh[...]) + bhh[...]
            r = jax.nn.sigmoid(gx[:, 0:H] + gh[:, 0:H])
            z = jax.nn.sigmoid(gx[:, H:2 * H] + gh[:, H:2 * H])
            n = jnp.tanh(gx[:, 2 * H:] + r * gh[:, 2 * H:])
            h = (1.0 - z) * n + z * h
        return h

    h_f = run(range(G), wih_f_ref, whh_f_ref, bih_f_ref, bhh_f_ref)
    h_b = run(range(G - 1, -1, -1), wih_b_ref, whh_b_ref, bih_b_ref, bhh_b_ref)
    out_ref[...] = jnp.tanh(dot(h_b, lc_b_ref[...]) + dot(h_f, lc_f_ref[...]))


def _gru_call(xs, wih_f, whh_f, bih_f, bhh_f, wih_b, whh_b, bih_b, bhh_b,
              lc_b, lc_f):
    return pl.pallas_call(
        _gru_body,
        out_shape=jax.ShapeDtypeStruct((B, H), jnp.float32),
    )(xs, wih_f, whh_f, bih_f, bhh_f, wih_b, whh_b, bih_b, bhh_b, lc_b, lc_f)



def kernel(concept_ids, relation, head, tail, triple_label, emb_table,
           W_s0, W_s1, W_n0, W_n1, W_r0, W_r1, W_triple, L_lin,
           Wih_f, Whh_f, bih_f, bhh_f, Wih_b, Whh_b, bih_b, bhh_b, L_cause):
    cid = concept_ids.reshape(BG * M).astype(jnp.int32)
    rel = relation.reshape(BG * T).astype(jnp.int32)

    ch0_flat, rh0_flat = _sc_gather2(emb_table, cid, rel)
    ch0 = ch0_flat.reshape(BG, M, D)
    rh0 = rh0_flat.reshape(BG, T, D)

    hd3 = head.reshape(BG, 1, T).astype(jnp.int32)
    tl3 = tail.reshape(BG, 1, T).astype(jnp.int32)
    lbl3 = triple_label.reshape(BG, 1, T).astype(jnp.int32)

    wt_h = W_triple[0:D]
    wt_t = W_triple[2 * D:]

    ac, pc, wt_rf = _abuild_call(hd3, tl3, lbl3, W_r0, W_r1,
                                 W_triple[D:2 * D])
    triple, cause = _gcn_call(ch0, rh0, hd3, tl3, ac, pc,
                              W_s0, W_n0, W_s1, W_n1, W_r0,
                              wt_h, wt_rf, wt_t, L_lin)

    xs = cause.reshape(B, G, D).transpose(1, 0, 2)

    encoded = _gru_call(xs, Wih_f.T, Whh_f.T, bih_f.reshape(1, 3 * H),
                        bhh_f.reshape(1, 3 * H), Wih_b.T, Whh_b.T,
                        bih_b.reshape(1, 3 * H), bhh_b.reshape(1, 3 * H),
                        L_cause[0:H], L_cause[H:])

    return (triple, encoded)

# --- scband reference (transcript-rebuilt; emitter-appended) ---
"""Pipeline reference for scband-glstm-68822555951308 (READ-ONLY COPY).

The authoritative reference and input builder live on the scoring server;
editing this copy changes nothing except your own understanding.
"""

import jax, jax.numpy as jnp
import numpy as np

B, G, M, T, D, H, V = 8, 4, 512, 1024, 256, 256, 50000
BG = B * G


def setup_inputs(seed=0):
    key = jax.random.key(seed)
    ks = jax.random.split(key, 24)
    s = 0.05
    inp = {}
    inp['concept_ids'] = jax.random.randint(ks[0], (B, G, M), 0, V)
    inp['relation'] = jax.random.randint(ks[1], (B, G, T), 0, V)
    inp['head'] = jax.random.randint(ks[2], (B, G, T), 0, M)
    inp['tail'] = jax.random.randint(ks[3], (B, G, T), 0, M)
    inp['triple_label'] = jax.random.randint(ks[4], (B, G, T), 0, 2)
    inp['emb_table'] = jax.random.normal(ks[5], (V, D)) * s
    for i, n in enumerate(['W_s0', 'W_s1', 'W_n0', 'W_n1', 'W_r0', 'W_r1']):
        inp[n] = jax.random.normal(ks[6 + i], (D, D)) * s
    inp['W_triple'] = jax.random.normal(ks[12], (3 * D, D)) * s
    inp['L_lin'] = jax.random.normal(ks[13], (D, D)) * s
    inp['Wih_f'] = jax.random.normal(ks[14], (3 * H, D)) * s
    inp['Whh_f'] = jax.random.normal(ks[15], (3 * H, H)) * s
    inp['bih_f'] = jax.random.normal(ks[16], (3 * H,)) * s
    inp['bhh_f'] = jax.random.normal(ks[17], (3 * H,)) * s
    inp['Wih_b'] = jax.random.normal(ks[18], (3 * H, D)) * s
    inp['Whh_b'] = jax.random.normal(ks[19], (3 * H, H)) * s
    inp['bih_b'] = jax.random.normal(ks[20], (3 * H,)) * s
    inp['bhh_b'] = jax.random.normal(ks[21], (3 * H,)) * s
    inp['L_cause'] = jax.random.normal(ks[22], (2 * H, H)) * s
    return inp


def _gather(x, idx):
    return jnp.take_along_axis(x, idx[..., None], axis=1)


def _gru_dir(xs, Wih, Whh, bih, bhh):
    def step(h, xt):
        gx = xt @ Wih.T + bih
        gh = h @ Whh.T + bhh
        xr, xz, xn = jnp.split(gx, 3, axis=-1)
        hr, hz, hn = jnp.split(gh, 3, axis=-1)
        r = jax.nn.sigmoid(xr + hr)
        z = jax.nn.sigmoid(xz + hz)
        n = jnp.tanh(xn + r * hn)
        hn2 = (1.0 - z) * n + z * h
        return hn2, hn2
    h0 = jnp.zeros((xs.shape[1], Whh.shape[1]), dtype=xs.dtype)
    hT, _ = jax.lax.scan(step, h0, xs)
    return hT


def _forward(concept_ids, relation, head, tail, triple_label, emb_table, W_s0, W_s1, W_n0, W_n1, W_r0, W_r1, W_triple, L_lin, Wih_f, Whh_f, bih_f, bhh_f, Wih_b, Whh_b, bih_b, bhh_b, L_cause):
    cid = concept_ids.reshape(BG, M)
    rel = relation.reshape(BG, T)
    hd = head.reshape(BG, T)
    tl = tail.reshape(BG, T)
    lbl = triple_label.reshape(BG, T)
    ch = emb_table[cid]
    rh = emb_table[rel]
    bidx = jnp.arange(BG)[:, None]
    mask = lbl == -1
    mask3 = mask[..., None]
    cnt = jnp.where(mask, 0.0, 1.0)
    for Ws, Wn, Wr in ((W_s0, W_n0, W_r0), (W_s1, W_n1, W_r1)):
        rh_m = jnp.where(mask3, 0.0, rh)
        upd = jnp.zeros_like(ch)
        cnt_out = jnp.zeros((BG, M), dtype=ch.dtype)
        o = jnp.where(mask3, 0.0, _gather(ch, hd))
        upd = upd.at[bidx, tl].add(o)
        upd = upd.at[bidx, tl].add(-rh_m)
        cnt_out = cnt_out.at[bidx, tl].add(cnt)
        o = jnp.where(mask3, 0.0, _gather(ch, tl))
        upd = upd.at[bidx, hd].add(o)
        upd = upd.at[bidx, hd].add(-rh_m)
        cnt_out = cnt_out.at[bidx, hd].add(cnt)
        ch = jax.nn.relu(ch @ Ws + (upd @ Wn) / jnp.clip(cnt_out, 1.0, None)[..., None])
        rh = rh @ Wr
    head_repr = _gather(ch, hd)
    tail_repr = _gather(ch, tl)
    triple_repr = jnp.concatenate([head_repr, rh, tail_repr], axis=-1) @ W_triple
    cause = triple_repr.reshape(B, G, T, D).sum(axis=2)
    cause = cause @ L_lin
    xs = jnp.transpose(cause, (1, 0, 2))
    h_fwd = _gru_dir(xs, Wih_f, Whh_f, bih_f, bhh_f)
    h_bwd = _gru_dir(xs[::-1], Wih_b, Whh_b, bih_b, bhh_b)
    cause_hid = jnp.concatenate([h_bwd, h_fwd], axis=-1)
    encoded_cause = jnp.tanh(cause_hid @ L_cause)
    return (triple_repr, encoded_cause)


def reference(concept_ids, relation, head, tail, triple_label, emb_table, W_s0, W_s1, W_n0, W_n1, W_r0, W_r1, W_triple, L_lin, Wih_f, Whh_f, bih_f, bhh_f, Wih_b, Whh_b, bih_b, bhh_b, L_cause):
    return _forward(concept_ids, relation, head, tail, triple_label, emb_table, W_s0, W_s1, W_n0, W_n1, W_r0, W_r1, W_triple, L_lin, Wih_f, Whh_f, bih_f, bhh_f, Wih_b, Whh_b, bih_b, bhh_b, L_cause)

if __name__ == "__main__":
    import jax
    _d = setup_inputs()
    print(jax.jit(kernel)(*tuple(_d.values())))

</pallas_src>

<mosaic_0001>
#map = affine_map<(d0, d1) -> (0, 0)>
#map1 = affine_map<(d0, d1) -> (0, 0, 0)>
module attributes {stable_mosaic.version = 14 : i64} {
  func.func @k(%arg0: i32, %arg1: i32, %arg2: memref<50000x256xf32, #tpu.memory_space<hbm>>, %arg3: memref<32x4x128xi32, #tpu.memory_space<hbm>>, %arg4: memref<32x8x128xi32, #tpu.memory_space<hbm>>, %arg5: memref<16384x256xf32, #tpu.memory_space<hbm>>, %arg6: memref<32768x256xf32, #tpu.memory_space<hbm>>, %arg7: memref<4x128xi32, #tpu.memory_space<vmem>>, %arg8: memref<8x128xi32, #tpu.memory_space<vmem>>, %arg9: memref<128x256xf32, #tpu.memory_space<vmem>>, %arg10: memref<128x256xf32, #tpu.memory_space<vmem>>, %arg11: memref<128x256xf32, #tpu.memory_space<vmem>>, %arg12: memref<!tpu.dma_semaphore, #tpu.memory_space<semaphore_mem>>, %arg13: memref<!tpu.dma_semaphore, #tpu.memory_space<semaphore_mem>>, %arg14: memref<!tpu.dma_semaphore, #tpu.memory_space<semaphore_mem>>) attributes {dimension_semantics = [#tpu.dimension_semantics<core_parallel>, #tpu.dimension_semantics<subcore_parallel>], iteration_bounds = array<i64: 2, 16>, scalar_prefetch = 0 : i64, scratch_operands = 8 : i64, tpu.core_type = #tpu.core_type<sc_vector_subcore>, window_params = [{transform_indices = #map}, {transform_indices = #map1}, {transform_indices = #map1}, {transform_indices = #map}, {transform_indices = #map}]} {
    %mul3A = arith.constant 2 : i32
    %mul3A_0 = arith.muli %arg1, %mul3A : i32
    %add3A = arith.addi %mul3A_0, %arg0 : i32
    "tpu.region"() ({
      %run_scoped3A = tpu.sem_alloc : memref<!tpu.dma_semaphore, #tpu.memory_space<semaphore_mem>>
      %dma_start3A_239 = arith.constant 0 : i32
      %dma_start3A_240 = arith.constant 0 : i32
      %dma_start3A_241 = tpu.memref_slice %arg3[%add3A, %dma_start3A_239, %dma_start3A_240] : memref<32x4x128xi32, #tpu.memory_space<hbm>> -> memref<1x4x128xi32, #tpu.memory_space<hbm>>
      %dma_start3A_242 = tpu.memref_squeeze %dma_start3A_241 : memref<1x4x128xi32, #tpu.memory_space<hbm>> -> memref<4x128xi32, #tpu.memory_space<hbm>>
      %dma_start3A_243 = arith.constant 0 : i32
      %dma_start3A_244 = arith.constant 0 : i32
      %dma_start3A_245 = tpu.memref_slice %arg3[%add3A, %dma_start3A_243, %dma_start3A_244] : memref<32x4x128xi32, #tpu.memory_space<hbm>> -> memref<1x4x128xi32, #tpu.memory_space<hbm>>
      %dma_start3A_246 = tpu.memref_squeeze %dma_start3A_245 : memref<1x4x128xi32, #tpu.memory_space<hbm>> -> memref<4x128xi32, #tpu.memory_space<hbm>>
      tpu.enqueue_dma source(%dma_start3A_246 : memref<4x128xi32, #tpu.memory_space<hbm>>) target(%arg7 : memref<4x128xi32, #tpu.memory_space<vmem>>) target_semaphore(%run_scoped3A : memref<!tpu.dma_semaphore, #tpu.memory_space<semaphore_mem>>)
      %dma_wait3A_247 = arith.constant 0 : i32
      %dma_wait3A_248 = arith.constant 0 : i32
      %dma_wait3A_249 = tpu.memref_slice %arg3[%add3A, %dma_wait3A_247, %dma_wait3A_248] : memref<32x4x128xi32, #tpu.memory_space<hbm>> -> memref<1x4x128xi32, #tpu.memory_space<hbm>>
      %dma_wait3A_250 = tpu.memref_squeeze %dma_wait3A_249 : memref<1x4x128xi32, #tpu.memory_space<hbm>> -> memref<4x128xi32, #tpu.memory_space<hbm>>
      %dma_wait3A_251 = arith.constant 0 : i32
      %dma_wait3A_252 = arith.constant 0 : i32
      %dma_wait3A_253 = tpu.memref_slice %arg3[%add3A, %dma_wait3A_251, %dma_wait3A_252] : memref<32x4x128xi32, #tpu.memory_space<hbm>> -> memref<1x4x128xi32, #tpu.memory_space<hbm>>
      %dma_wait3A_254 = tpu.memref_squeeze %dma_wait3A_253 : memref<1x4x128xi32, #tpu.memory_space<hbm>> -> memref<4x128xi32, #tpu.memory_space<hbm>>
      tpu.wait_dma2 semaphore(%run_scoped3A : memref<!tpu.dma_semaphore, #tpu.memory_space<semaphore_mem>>) src(%dma_wait3A_254 : memref<4x128xi32, #tpu.memory_space<hbm>>) dst(%arg7 : memref<4x128xi32, #tpu.memory_space<vmem>>)
      tpu.yield
    }) : () -> ()
    "tpu.region"() ({
      %run_scoped3A = tpu.sem_alloc : memref<!tpu.dma_semaphore, #tpu.memory_space<semaphore_mem>>
      %dma_start3A_239 = arith.constant 0 : i32
      %dma_start3A_240 = arith.constant 0 : i32
      %dma_start3A_241 = tpu.memref_slice %arg4[%add3A, %dma_start3A_239, %dma_start3A_240] : memref<32x8x128xi32, #tpu.memory_space<hbm>> -> memref<1x8x128xi32, #tpu.memory_space<hbm>>
      %dma_start3A_242 = tpu.memref_squeeze %dma_start3A_241 : memref<1x8x128xi32, #tpu.memory_space<hbm>> -> memref<8x128xi32, #tpu.memory_space<hbm>>
      %dma_start3A_243 = arith.constant 0 : i32
      %dma_start3A_244 = arith.constant 0 : i32
      %dma_start3A_245 = tpu.memref_slice %arg4[%add3A, %dma_start3A_243, %dma_start3A_244] : memref<32x8x128xi32, #tpu.memory_space<hbm>> -> memref<1x8x128xi32, #tpu.memory_space<hbm>>
      %dma_start3A_246 = tpu.memref_squeeze %dma_start3A_245 : memref<1x8x128xi32, #tpu.memory_space<hbm>> -> memref<8x128xi32, #tpu.memory_space<hbm>>
      tpu.enqueue_dma source(%dma_start3A_246 : memref<8x128xi32, #tpu.memory_space<hbm>>) target(%arg8 : memref<8x128xi32, #tpu.memory_space<vmem>>) target_semaphore(%run_scoped3A : memref<!tpu.dma_semaphore, #tpu.memory_space<semaphore_mem>>)
      %dma_wait3A_247 = arith.constant 0 : i32
      %dma_wait3A_248 = arith.constant 0 : i32
      %dma_wait3A_249 = tpu.memref_slice %arg4[%add3A, %dma_wait3A_247, %dma_wait3A_248] : memref<32x8x128xi32, #tpu.memory_space<hbm>> -> memref<1x8x128xi32, #tpu.memory_space<hbm>>
      %dma_wait3A_250 = tpu.memref_squeeze %dma_wait3A_249 : memref<1x8x128xi32, #tpu.memory_space<hbm>> -> memref<8x128xi32, #tpu.memory_space<hbm>>
      %dma_wait3A_251 = arith.constant 0 : i32
      %dma_wait3A_252 = arith.constant 0 : i32
      %dma_wait3A_253 = tpu.memref_slice %arg4[%add3A, %dma_wait3A_251, %dma_wait3A_252] : memref<32x8x128xi32, #tpu.memory_space<hbm>> -> memref<1x8x128xi32, #tpu.memory_space<hbm>>
      %dma_wait3A_254 = tpu.memref_squeeze %dma_wait3A_253 : memref<1x8x128xi32, #tpu.memory_space<hbm>> -> memref<8x128xi32, #tpu.memory_space<hbm>>
      tpu.wait_dma2 semaphore(%run_scoped3A : memref<!tpu.dma_semaphore, #tpu.memory_space<semaphore_mem>>) src(%dma_wait3A_254 : memref<8x128xi32, #tpu.memory_space<hbm>>) dst(%arg8 : memref<8x128xi32, #tpu.memory_space<vmem>>)
      tpu.yield
    }) : () -> ()
    %dma_start3A = arith.constant 0 : i32
    %dma_start3A_1 = arith.constant 0 : i32
    %dma_start3A_2 = tpu.memref_slice %arg7[%dma_start3A, %dma_start3A_1] : memref<4x128xi32, #tpu.memory_space<vmem>> -> memref<1x128xi32, #tpu.memory_space<vmem>>
    %dma_start3A_3 = tpu.memref_squeeze %dma_start3A_2 : memref<1x128xi32, #tpu.memory_space<vmem>> -> memref<128xi32, #tpu.memory_space<vmem>>
    %dma_start3A_4 = arith.constant 0 : i32
    %dma_start3A_5 = arith.constant 0 : i32
    %dma_start3A_6 = tpu.memref_slice %arg2[%dma_start3A_4, %dma_start3A_5] : memref<50000x256xf32, #tpu.memory_space<hbm>> -> memref<50000x256xf32, #tpu.memory_space<hbm>>
    tpu.enqueue_indirect_dma source(%dma_start3A_6 : memref<50000x256xf32, #tpu.memory_space<hbm>>) target(%arg9 : memref<128x256xf32, #tpu.memory_space<vmem>>) offsets(%dma_start3A_3 : memref<128xi32, #tpu.memory_space<vmem>>) semaphore(%arg12 : memref<!tpu.dma_semaphore, #tpu.memory_space<semaphore_mem>>)
    %dma_start3A_7 = arith.constant 1 : i32
    %dma_start3A_8 = arith.constant 0 : i32
    %dma_start3A_9 = tpu.memref_slice %arg7[%dma_start3A_7, %dma_start3A_8] : memref<4x128xi32, #tpu.memory_space<vmem>> -> memref<1x128xi32, #tpu.memory_space<vmem>>
    %dma_start3A_10 = tpu.memref_squeeze %dma_start3A_9 : memref<1x128xi32, #tpu.memory_space<vmem>> -> memref<128xi32, #tpu.memory_space<vmem>>
    %dma_start3A_11 = arith.constant 0 : i32
    %dma_start3A_12 = arith.constant 0 : i32
    %dma_start3A_13 = tpu.memref_slice %arg2[%dma_start3A_11, %dma_start3A_12] : memref<50000x256xf32, #tpu.memory_space<hbm>> -> memref<50000x256xf32, #tpu.memory_space<hbm>>
    tpu.enqueue_indirect_dma source(%dma_start3A_13 : memref<50000x256xf32, #tpu.memory_space<hbm>>) target(%arg10 : memref<128x256xf32, #tpu.memory_space<vmem>>) offsets(%dma_start3A_10 : memref<128xi32, #tpu.memory_space<vmem>>) semaphore(%arg13 : memref<!tpu.dma_semaphore, #tpu.memory_space<semaphore_mem>>)
    %dma_start3A_14 = arith.constant 2 : i32
    %dma_start3A_15 = arith.constant 0 : i32
    %dma_start3A_16 = tpu.memref_slice %arg7[%dma_start3A_14, %dma_start3A_15] : memref<4x128xi32, #tpu.memory_space<vmem>> -> memref<1x128xi32, #tpu.memory_space<vmem>>
    %dma_start3A_17 = tpu.memref_squeeze %dma_start3A_16 : memref<1x128xi32, #tpu.memory_space<vmem>> -> memref<128xi32, #tpu.memory_space<vmem>>
    %dma_start3A_18 = arith.constant 0 : i32
    %dma_start3A_19 = arith.constant 0 : i32
    %dma_start3A_20 = tpu.memref_slice %arg2[%dma_start3A_18, %dma_start3A_19] : memref<50000x256xf32, #tpu.memory_space<hbm>> -> memref<50000x256xf32, #tpu.memory_space<hbm>>
    tpu.enqueue_indirect_dma source(%dma_start3A_20 : memref<50000x256xf32, #tpu.memory_space<hbm>>) target(%arg11 : memref<128x256xf32, #tpu.memory_space<vmem>>) offsets(%dma_start3A_17 : memref<128xi32, #tpu.memory_space<vmem>>) semaphore(%arg14 : memref<!tpu.dma_semaphore, #tpu.memory_space<semaphore_mem>>)
    %dma_wait3A = arith.constant 0 : i32
    %dma_wait3A_21 = arith.constant 0 : i32
    %dma_wait3A_22 = tpu.memref_slice %arg7[%dma_wait3A, %dma_wait3A_21] : memref<4x128xi32, #tpu.memory_space<vmem>> -> memref<1x128xi32, #tpu.memory_space<vmem>>
    %dma_wait3A_23 = tpu.memref_squeeze %dma_wait3A_22 : memref<1x128xi32, #tpu.memory_space<vmem>> -> memref<128xi32, #tpu.memory_space<vmem>>
    %dma_wait3A_24 = arith.constant 0 : i32
    %dma_wait3A_25 = arith.constant 0 : i32
    %dma_wait3A_26 = tpu.memref_slice %arg2[%dma_wait3A_24, %dma_wait3A_25] : memref<50000x256xf32, #tpu.memory_space<hbm>> -> memref<50000x256xf32, #tpu.memory_space<hbm>>
    tpu.wait_indirect_dma semaphore(%arg12 : memref<!tpu.dma_semaphore, #tpu.memory_space<semaphore_mem>>) src(%dma_wait3A_26 : memref<50000x256xf32, #tpu.memory_space<hbm>>) dst(%arg9 : memref<128x256xf32, #tpu.memory_space<vmem>>)
    %mul3A_27 = arith.constant 4 : i32
    %mul3A_28 = arith.muli %add3A, %mul3A_27 : i32
    %add3A_29 = arith.constant 0 : i32
    %add3A_30 = arith.addi %mul3A_28, %add3A_29 : i32
    %mul3A_31 = arith.constant 128 : i32
    %mul3A_32 = arith.muli %add3A_30, %mul3A_31 : i32
    "tpu.region"() ({
      %run_scoped3A = tpu.sem_alloc : memref<!tpu.dma_semaphore, #tpu.memory_space<semaphore_mem>>
      %dma_start3A_239 = arith.constant 0 : i32
      %dma_start3A_240 = tpu.memref_slice %arg5[%mul3A_32, %dma_start3A_239] : memref<16384x256xf32, #tpu.memory_space<hbm>> -> memref<128x256xf32, #tpu.memory_space<hbm>>
      %dma_start3A_241 = arith.constant 0 : i32
      %dma_start3A_242 = tpu.memref_slice %arg5[%mul3A_32, %dma_start3A_241] : memref<16384x256xf32, #tpu.memory_space<hbm>> -> memref<128x256xf32, #tpu.memory_space<hbm>>
      tpu.enqueue_dma source(%arg9 : memref<128x256xf32, #tpu.memory_space<vmem>>) target(%dma_start3A_242 : memref<128x256xf32, #tpu.memory_space<hbm>>) target_semaphore(%run_scoped3A : memref<!tpu.dma_semaphore, #tpu.memory_space<semaphore_mem>>)
      %dma_wait3A_243 = arith.constant 0 : i32
      %dma_wait3A_244 = tpu.memref_slice %arg5[%mul3A_32, %dma_wait3A_243] : memref<16384x256xf32, #tpu.memory_space<hbm>> -> memref<128x256xf32, #tpu.memory_space<hbm>>
      %dma_wait3A_245 = arith.constant 0 : i32
      %dma_wait3A_246 = tpu.memref_slice %arg5[%mul3A_32, %dma_wait3A_245] : memref<16384x256xf32, #tpu.memory_space<hbm>> -> memref<128x256xf32, #tpu.memory_space<hbm>>
      tpu.wait_dma2 semaphore(%run_scoped3A : memref<!tpu.dma_semaphore, #tpu.memory_space<semaphore_mem>>) src(%arg9 : memref<128x256xf32, #tpu.memory_space<vmem>>) dst(%dma_wait3A_246 : memref<128x256xf32, #tpu.memory_space<hbm>>)
      tpu.yield
    }) : () -> ()
    %dma_start3A_33 = arith.constant 3 : i32
    %dma_start3A_34 = arith.constant 0 : i32
    %dma_start3A_35 = tpu.memref_slice %arg7[%dma_start3A_33, %dma_start3A_34] : memref<4x128xi32, #tpu.memory_space<vmem>> -> memref<1x128xi32, #tpu.memory_space<vmem>>
    %dma_start3A_36 = tpu.memref_squeeze %dma_start3A_35 : memref<1x128xi32, #tpu.memory_space<vmem>> -> memref<128xi32, #tpu.memory_space<vmem>>
    %dma_start3A_37 = arith.constant 0 : i32
    %dma_start3A_38 = arith.constant 0 : i32
    %dma_start3A_39 = tpu.memref_slice %arg2[%dma_start3A_37, %dma_start3A_38] : memref<50000x256xf32, #tpu.memory_space<hbm>> -> memref<50000x256xf32, #tpu.memory_space<hbm>>
    tpu.enqueue_indirect_dma source(%dma_start3A_39 : memref<50000x256xf32, #tpu.memory_space<hbm>>) target(%arg9 : memref<128x256xf32, #tpu.memory_space<vmem>>) offsets(%dma_start3A_36 : memref<128xi32, #tpu.memory_space<vmem>>) semaphore(%arg12 : memref<!tpu.dma_semaphore, #tpu.memory_space<semaphore_mem>>)
    %dma_wait3A_40 = arith.constant 1 : i32
    %dma_wait3A_41 = arith.constant 0 : i32
    %dma_wait3A_42 = tpu.memref_slice %arg7[%dma_wait3A_40, %dma_wait3A_41] : memref<4x128xi32, #tpu.memory_space<vmem>> -> memref<1x128xi32, #tpu.memory_space<vmem>>
    %dma_wait3A_43 = tpu.memref_squeeze %dma_wait3A_42 : memref<1x128xi32, #tpu.memory_space<vmem>> -> memref<128xi32, #tpu.memory_space<vmem>>
    %dma_wait3A_44 = arith.constant 0 : i32
    %dma_wait3A_45 = arith.constant 0 : i32
    %dma_wait3A_46 = tpu.memref_slice %arg2[%dma_wait3A_44, %dma_wait3A_45] : memref<50000x256xf32, #tpu.memory_space<hbm>> -> memref<50000x256xf32, #tpu.memory_space<hbm>>
    tpu.wait_indirect_dma semaphore(%arg13 : memref<!tpu.dma_semaphore, #tpu.memory_space<semaphore_mem>>) src(%dma_wait3A_46 : memref<50000x256xf32, #tpu.memory_space<hbm>>) dst(%arg10 : memref<128x256xf32, #tpu.memory_space<vmem>>)
    %mul3A_47 = arith.constant 4 : i32
    %mul3A_48 = arith.muli %add3A, %mul3A_47 : i32
    %add3A_49 = arith.constant 1 : i32
    %add3A_50 = arith.addi %mul3A_48, %add3A_49 : i32
    %mul3A_51 = arith.constant 128 : i32
    %mul3A_52 = arith.muli %add3A_50, %mul3A_51 : i32
    "tpu.region"() ({
      %run_scoped3A = tpu.sem_alloc : memref<!tpu.dma_semaphore, #tpu.memory_space<semaphore_mem>>
      %dma_start3A_239 = arith.constant 0 : i32
      %dma_start3A_240 = tpu.memref_slice %arg5[%mul3A_52, %dma_start3A_239] : memref<16384x256xf32, #tpu.memory_space<hbm>> -> memref<128x256xf32, #tpu.memory_space<hbm>>
      %dma_start3A_241 = arith.constant 0 : i32
      %dma_start3A_242 = tpu.memref_slice %arg5[%mul3A_52, %dma_start3A_241] : memref<16384x256xf32, #tpu.memory_space<hbm>> -> memref<128x256xf32, #tpu.memory_space<hbm>>
      tpu.enqueue_dma source(%arg10 : memref<128x256xf32, #tpu.memory_space<vmem>>) target(%dma_start3A_242 : memref<128x256xf32, #tpu.memory_space<hbm>>) target_semaphore(%run_scoped3A : memref<!tpu.dma_semaphore, #tpu.memory_space<semaphore_mem>>)
      %dma_wait3A_243 = arith.constant 0 : i32
      %dma_wait3A_244 = tpu.memref_slice %arg5[%mul3A_52, %dma_wait3A_243] : memref<16384x256xf32, #tpu.memory_space<hbm>> -> memref<128x256xf32, #tpu.memory_space<hbm>>
      %dma_wait3A_245 = arith.constant 0 : i32
      %dma_wait3A_246 = tpu.memref_slice %arg5[%mul3A_52, %dma_wait3A_245] : memref<16384x256xf32, #tpu.memory_space<hbm>> -> memref<128x256xf32, #tpu.memory_space<hbm>>
      tpu.wait_dma2 semaphore(%run_scoped3A : memref<!tpu.dma_semaphore, #tpu.memory_space<semaphore_mem>>) src(%arg10 : memref<128x256xf32, #tpu.memory_space<vmem>>) dst(%dma_wait3A_246 : memref<128x256xf32, #tpu.memory_space<hbm>>)
      tpu.yield
    }) : () -> ()
    %dma_start3A_53 = arith.constant 0 : i32
    %dma_start3A_54 = arith.constant 0 : i32
    %dma_start3A_55 = tpu.memref_slice %arg8[%dma_start3A_53, %dma_start3A_54] : memref<8x128xi32, #tpu.memory_space<vmem>> -> memref<1x128xi32, #tpu.memory_space<vmem>>
    %dma_start3A_56 = tpu.memref_squeeze %dma_start3A_55 : memref<1x128xi32, #tpu.memory_space<vmem>> -> memref<128xi32, #tpu.memory_space<vmem>>
    %dma_start3A_57 = arith.constant 0 : i32
    %dma_start3A_58 = arith.constant 0 : i32
    %dma_start3A_59 = tpu.memref_slice %arg2[%dma_start3A_57, %dma_start3A_58] : memref<50000x256xf32, #tpu.memory_space<hbm>> -> memref<50000x256xf32, #tpu.memory_space<hbm>>
    tpu.enqueue_indirect_dma source(%dma_start3A_59 : memref<50000x256xf32, #tpu.memory_space<hbm>>) target(%arg10 : memref<128x256xf32, #tpu.memory_space<vmem>>) offsets(%dma_start3A_56 : memref<128xi32, #tpu.memory_space<vmem>>) semaphore(%arg13 : memref<!tpu.dma_semaphore, #tpu.memory_space<semaphore_mem>>)
    %dma_wait3A_60 = arith.constant 2 : i32
    %dma_wait3A_61 = arith.constant 0 : i32
    %dma_wait3A_62 = tpu.memref_slice %arg7[%dma_wait3A_60, %dma_wait3A_61] : memref<4x128xi32, #tpu.memory_space<vmem>> -> memref<1x128xi32, #tpu.memory_space<vmem>>
    %dma_wait3A_63 = tpu.memref_squeeze %dma_wait3A_62 : memref<1x128xi32, #tpu.memory_space<vmem>> -> memref<128xi32, #tpu.memory_space<vmem>>
    %dma_wait3A_64 = arith.constant 0 : i32
    %dma_wait3A_65 = arith.constant 0 : i32
    %dma_wait3A_66 = tpu.memref_slice %arg2[%dma_wait3A_64, %dma_wait3A_65] : memref<50000x256xf32, #tpu.memory_space<hbm>> -> memref<50000x256xf32, #tpu.memory_space<hbm>>
    tpu.wait_indirect_dma semaphore(%arg14 : memref<!tpu.dma_semaphore, #tpu.memory_space<semaphore_mem>>) src(%dma_wait3A_66 : memref<50000x256xf32, #tpu.memory_space<hbm>>) dst(%arg11 : memref<128x256xf32, #tpu.memory_space<vmem>>)
    %mul3A_67 = arith.constant 4 : i32
    %mul3A_68 = arith.muli %add3A, %mul3A_67 : i32
    %add3A_69 = arith.constant 2 : i32
    %add3A_70 = arith.addi %mul3A_68, %add3A_69 : i32
    %mul3A_71 = arith.constant 128 : i32
    %mul3A_72 = arith.muli %add3A_70, %mul3A_71 : i32
    "tpu.region"() ({
      %run_scoped3A = tpu.sem_alloc : memref<!tpu.dma_semaphore, #tpu.memory_space<semaphore_mem>>
      %dma_start3A_239 = arith.constant 0 : i32
      %dma_start3A_240 = tpu.memref_slice %arg5[%mul3A_72, %dma_start3A_239] : memref<16384x256xf32, #tpu.memory_space<hbm>> -> memref<128x256xf32, #tpu.memory_space<hbm>>
      %dma_start3A_241 = arith.constant 0 : i32
      %dma_start3A_242 = tpu.memref_slice %arg5[%mul3A_72, %dma_start3A_241] : memref<16384x256xf32, #tpu.memory_space<hbm>> -> memref<128x256xf32, #tpu.memory_space<hbm>>
      tpu.enqueue_dma source(%arg11 : memref<128x256xf32, #tpu.memory_space<vmem>>) target(%dma_start3A_242 : memref<128x256xf32, #tpu.memory_space<hbm>>) target_semaphore(%run_scoped3A : memref<!tpu.dma_semaphore, #tpu.memory_space<semaphore_mem>>)
      %dma_wait3A_243 = arith.constant 0 : i32
      %dma_wait3A_244 = tpu.memref_slice %arg5[%mul3A_72, %dma_wait3A_243] : memref<16384x256xf32, #tpu.memory_space<hbm>> -> memref<128x256xf32, #tpu.memory_space<hbm>>
      %dma_wait3A_245 = arith.constant 0 : i32
      %dma_wait3A_246 = tpu.memref_slice %arg5[%mul3A_72, %dma_wait3A_245] : memref<16384x256xf32, #tpu.memory_space<hbm>> -> memref<128x256xf32, #tpu.memory_space<hbm>>
      tpu.wait_dma2 semaphore(%run_scoped3A : memref<!tpu.dma_semaphore, #tpu.memory_space<semaphore_mem>>) src(%arg11 : memref<128x256xf32, #tpu.memory_space<vmem>>) dst(%dma_wait3A_246 : memref<128x256xf32, #tpu.memory_space<hbm>>)
      tpu.yield
    }) : () -> ()
    %dma_start3A_73 = arith.constant 1 : i32
    %dma_start3A_74 = arith.constant 0 : i32
    %dma_start3A_75 = tpu.memref_slice %arg8[%dma_start3A_73, %dma_start3A_74] : memref<8x128xi32, #tpu.memory_space<vmem>> -> memref<1x128xi32, #tpu.memory_space<vmem>>
    %dma_start3A_76 = tpu.memref_squeeze %dma_start3A_75 : memref<1x128xi32, #tpu.memory_space<vmem>> -> memref<128xi32, #tpu.memory_space<vmem>>
    %dma_start3A_77 = arith.constant 0 : i32
    %dma_start3A_78 = arith.constant 0 : i32
    %dma_start3A_79 = tpu.memref_slice %arg2[%dma_start3A_77, %dma_start3A_78] : memref<50000x256xf32, #tpu.memory_space<hbm>> -> memref<50000x256xf32, #tpu.memory_space<hbm>>
    tpu.enqueue_indirect_dma source(%dma_start3A_79 : memref<50000x256xf32, #tpu.memory_space<hbm>>) target(%arg11 : memref<128x256xf32, #tpu.memory_space<vmem>>) offsets(%dma_start3A_76 : memref<128xi32, #tpu.memory_space<vmem>>) semaphore(%arg14 : memref<!tpu.dma_semaphore, #tpu.memory_space<semaphore_mem>>)
    %dma_wait3A_80 = arith.constant 3 : i32
    %dma_wait3A_81 = arith.constant 0 : i32
    %dma_wait3A_82 = tpu.memref_slice %arg7[%dma_wait3A_80, %dma_wait3A_81] : memref<4x128xi32, #tpu.memory_space<vmem>> -> memref<1x128xi32, #tpu.memory_space<vmem>>
    %dma_wait3A_83 = tpu.memref_squeeze %dma_wait3A_82 : memref<1x128xi32, #tpu.memory_space<vmem>> -> memref<128xi32, #tpu.memory_space<vmem>>
    %dma_wait3A_84 = arith.constant 0 : i32
    %dma_wait3A_85 = arith.constant 0 : i32
    %dma_wait3A_86 = tpu.memref_slice %arg2[%dma_wait3A_84, %dma_wait3A_85] : memref<50000x256xf32, #tpu.memory_space<hbm>> -> memref<50000x256xf32, #tpu.memory_space<hbm>>
    tpu.wait_indirect_dma semaphore(%arg12 : memref<!tpu.dma_semaphore, #tpu.memory_space<semaphore_mem>>) src(%dma_wait3A_86 : memref<50000x256xf32, #tpu.memory_space<hbm>>) dst(%arg9 : memref<128x256xf32, #tpu.memory_space<vmem>>)
    %mul3A_87 = arith.constant 4 : i32
    %mul3A_88 = arith.muli %add3A, %mul3A_87 : i32
    %add3A_89 = arith.constant 3 : i32
    %add3A_90 = arith.addi %mul3A_88, %add3A_89 : i32
    %mul3A_91 = arith.constant 128 : i32
    %mul3A_92 = arith.muli %add3A_90, %mul3A_91 : i32
    "tpu.region"() ({
      %run_scoped3A = tpu.sem_alloc : memref<!tpu.dma_semaphore, #tpu.memory_space<semaphore_mem>>
      %dma_start3A_239 = arith.constant 0 : i32
      %dma_start3A_240 = tpu.memref_slice %arg5[%mul3A_92, %dma_start3A_239] : memref<16384x256xf32, #tpu.memory_space<hbm>> -> memref<128x256xf32, #tpu.memory_space<hbm>>
      %dma_start3A_241 = arith.constant 0 : i32
      %dma_start3A_242 = tpu.memref_slice %arg5[%mul3A_92, %dma_start3A_241] : memref<16384x256xf32, #tpu.memory_space<hbm>> -> memref<128x256xf32, #tpu.memory_space<hbm>>
      tpu.enqueue_dma source(%arg9 : memref<128x256xf32, #tpu.memory_space<vmem>>) target(%dma_start3A_242 : memref<128x256xf32, #tpu.memory_space<hbm>>) target_semaphore(%run_scoped3A : memref<!tpu.dma_semaphore, #tpu.memory_space<semaphore_mem>>)
      %dma_wait3A_243 = arith.constant 0 : i32
      %dma_wait3A_244 = tpu.memref_slice %arg5[%mul3A_92, %dma_wait3A_243] : memref<16384x256xf32, #tpu.memory_space<hbm>> -> memref<128x256xf32, #tpu.memory_space<hbm>>
      %dma_wait3A_245 = arith.constant 0 : i32
      %dma_wait3A_246 = tpu.memref_slice %arg5[%mul3A_92, %dma_wait3A_245] : memref<16384x256xf32, #tpu.memory_space<hbm>> -> memref<128x256xf32, #tpu.memory_space<hbm>>
      tpu.wait_dma2 semaphore(%run_scoped3A : memref<!tpu.dma_semaphore, #tpu.memory_space<semaphore_mem>>) src(%arg9 : memref<128x256xf32, #tpu.memory_space<vmem>>) dst(%dma_wait3A_246 : memref<128x256xf32, #tpu.memory_space<hbm>>)
      tpu.yield
    }) : () -> ()
    %dma_start3A_93 = arith.constant 2 : i32
    %dma_start3A_94 = arith.constant 0 : i32
    %dma_start3A_95 = tpu.memref_slice %arg8[%dma_start3A_93, %dma_start3A_94] : memref<8x128xi32, #tpu.memory_space<vmem>> -> memref<1x128xi32, #tpu.memory_space<vmem>>
    %dma_start3A_96 = tpu.memref_squeeze %dma_start3A_95 : memref<1x128xi32, #tpu.memory_space<vmem>> -> memref<128xi32, #tpu.memory_space<vmem>>
    %dma_start3A_97 = arith.constant 0 : i32
    %dma_start3A_98 = arith.constant 0 : i32
    %dma_start3A_99 = tpu.memref_slice %arg2[%dma_start3A_97, %dma_start3A_98] : memref<50000x256xf32, #tpu.memory_space<hbm>> -> memref<50000x256xf32, #tpu.memory_space<hbm>>
    tpu.enqueue_indirect_dma source(%dma_start3A_99 : memref<50000x256xf32, #tpu.memory_space<hbm>>) target(%arg9 : memref<128x256xf32, #tpu.memory_space<vmem>>) offsets(%dma_start3A_96 : memref<128xi32, #tpu.memory_space<vmem>>) semaphore(%arg12 : memref<!tpu.dma_semaphore, #tpu.memory_space<semaphore_mem>>)
    %dma_wait3A_100 = arith.constant 0 : i32
    %dma_wait3A_101 = arith.constant 0 : i32
    %dma_wait3A_102 = tpu.memref_slice %arg8[%dma_wait3A_100, %dma_wait3A_101] : memref<8x128xi32, #tpu.memory_space<vmem>> -> memref<1x128xi32, #tpu.memory_space<vmem>>
    %dma_wait3A_103 = tpu.memref_squeeze %dma_wait3A_102 : memref<1x128xi32, #tpu.memory_space<vmem>> -> memref<128xi32, #tpu.memory_space<vmem>>
    %dma_wait3A_104 = arith.constant 0 : i32
    %dma_wait3A_105 = arith.constant 0 : i32
    %dma_wait3A_106 = tpu.memref_slice %arg2[%dma_wait3A_104, %dma_wait3A_105] : memref<50000x256xf32, #tpu.memory_space<hbm>> -> memref<50000x256xf32, #tpu.memory_space<hbm>>
    tpu.wait_indirect_dma semaphore(%arg13 : memref<!tpu.dma_semaphore, #tpu.memory_space<semaphore_mem>>) src(%dma_wait3A_106 : memref<50000x256xf32, #tpu.memory_space<hbm>>) dst(%arg10 : memref<128x256xf32, #tpu.memory_space<vmem>>)
    %mul3A_107 = arith.constant 8 : i32
    %mul3A_108 = arith.muli %add3A, %mul3A_107 : i32
    %add3A_109 = arith.constant 0 : i32
    %add3A_110 = arith.addi %mul3A_108, %add3A_109 : i32
    %mul3A_111 = arith.constant 128 : i32
    %mul3A_112 = arith.muli %add3A_110, %mul3A_111 : i32
    "tpu.region"() ({
      %run_scoped3A = tpu.sem_alloc : memref<!tpu.dma_semaphore, #tpu.memory_space<semaphore_mem>>
      %dma_start3A_239 = arith.constant 0 : i32
      %dma_start3A_240 = tpu.memref_slice %arg6[%mul3A_112, %dma_start3A_239] : memref<32768x256xf32, #tpu.memory_space<hbm>> -> memref<128x256xf32, #tpu.memory_space<hbm>>
      %dma_start3A_241 = arith.constant 0 : i32
      %dma_start3A_242 = tpu.memref_slice %arg6[%mul3A_112, %dma_start3A_241] : memref<32768x256xf32, #tpu.memory_space<hbm>> -> memref<128x256xf32, #tpu.memory_space<hbm>>
      tpu.enqueue_dma source(%arg10 : memref<128x256xf32, #tpu.memory_space<vmem>>) target(%dma_start3A_242 : memref<128x256xf32, #tpu.memory_space<hbm>>) target_semaphore(%run_scoped3A : memref<!tpu.dma_semaphore, #tpu.memory_space<semaphore_mem>>)
      %dma_wait3A_243 = arith.constant 0 : i32
      %dma_wait3A_244 = tpu.memref_slice %arg6[%mul3A_112, %dma_wait3A_243] : memref<32768x256xf32, #tpu.memory_space<hbm>> -> memref<128x256xf32, #tpu.memory_space<hbm>>
      %dma_wait3A_245 = arith.constant 0 : i32
      %dma_wait3A_246 = tpu.memref_slice %arg6[%mul3A_112, %dma_wait3A_245] : memref<32768x256xf32, #tpu.memory_space<hbm>> -> memref<128x256xf32, #tpu.memory_space<hbm>>
      tpu.wait_dma2 semaphore(%run_scoped3A : memref<!tpu.dma_semaphore, #tpu.memory_space<semaphore_mem>>) src(%arg10 : memref<128x256xf32, #tpu.memory_space<vmem>>) dst(%dma_wait3A_246 : memref<128x256xf32, #tpu.memory_space<hbm>>)
      tpu.yield
    }) : () -> ()
    %dma_start3A_113 = arith.constant 3 : i32
    %dma_start3A_114 = arith.constant 0 : i32
    %dma_start3A_115 = tpu.memref_slice %arg8[%dma_start3A_113, %dma_start3A_114] : memref<8x128xi32, #tpu.memory_space<vmem>> -> memref<1x128xi32, #tpu.memory_space<vmem>>
    %dma_start3A_116 = tpu.memref_squeeze %dma_start3A_115 : memref<1x128xi32, #tpu.memory_space<vmem>> -> memref<128xi32, #tpu.memory_space<vmem>>
    %dma_start3A_117 = arith.constant 0 : i32
    %dma_start3A_118 = arith.constant 0 : i32
    %dma_start3A_119 = tpu.memref_slice %arg2[%dma_start3A_117, %dma_start3A_118] : memref<50000x256xf32, #tpu.memory_space<hbm>> -> memref<50000x256xf32, #tpu.memory_space<hbm>>
    tpu.enqueue_indirect_dma source(%dma_start3A_119 : memref<50000x256xf32, #tpu.memory_space<hbm>>) target(%arg10 : memref<128x256xf32, #tpu.memory_space<vmem>>) offsets(%dma_start3A_116 : memref<128xi32, #tpu.memory_space<vmem>>) semaphore(%arg13 : memref<!tpu.dma_semaphore, #tpu.memory_space<semaphore_mem>>)
    %dma_wait3A_120 = arith.constant 1 : i32
    %dma_wait3A_121 = arith.constant 0 : i32
    %dma_wait3A_122 = tpu.memref_slice %arg8[%dma_wait3A_120, %dma_wait3A_121] : memref<8x128xi32, #tpu.memory_space<vmem>> -> memref<1x128xi32, #tpu.memory_space<vmem>>
    %dma_wait3A_123 = tpu.memref_squeeze %dma_wait3A_122 : memref<1x128xi32, #tpu.memory_space<vmem>> -> memref<128xi32, #tpu.memory_space<vmem>>
    %dma_wait3A_124 = arith.constant 0 : i32
    %dma_wait3A_125 = arith.constant 0 : i32
    %dma_wait3A_126 = tpu.memref_slice %arg2[%dma_wait3A_124, %dma_wait3A_125] : memref<50000x256xf32, #tpu.memory_space<hbm>> -> memref<50000x256xf32, #tpu.memory_space<hbm>>
    tpu.wait_indirect_dma semaphore(%arg14 : memref<!tpu.dma_semaphore, #tpu.memory_space<semaphore_mem>>) src(%dma_wait3A_126 : memref<50000x256xf32, #tpu.memory_space<hbm>>) dst(%arg11 : memref<128x256xf32, #tpu.memory_space<vmem>>)
    %mul3A_127 = arith.constant 8 : i32
    %mul3A_128 = arith.muli %add3A, %mul3A_127 : i32
    %add3A_129 = arith.constant 1 : i32
    %add3A_130 = arith.addi %mul3A_128, %add3A_129 : i32
    %mul3A_131 = arith.constant 128 : i32
    %mul3A_132 = arith.muli %add3A_130, %mul3A_131 : i32
    "tpu.region"() ({
      %run_scoped3A = tpu.sem_alloc : memref<!tpu.dma_semaphore, #tpu.memory_space<semaphore_mem>>
      %dma_start3A_239 = arith.constant 0 : i32
      %dma_start3A_240 = tpu.memref_slice %arg6[%mul3A_132, %dma_start3A_239] : memref<32768x256xf32, #tpu.memory_space<hbm>> -> memref<128x256xf32, #tpu.memory_space<hbm>>
      %dma_start3A_241 = arith.constant 0 : i32
      %dma_start3A_242 = tpu.memref_slice %arg6[%mul3A_132, %dma_start3A_241] : memref<32768x256xf32, #tpu.memory_space<hbm>> -> memref<128x256xf32, #tpu.memory_space<hbm>>
      tpu.enqueue_dma source(%arg11 : memref<128x256xf32, #tpu.memory_space<vmem>>) target(%dma_start3A_242 : memref<128x256xf32, #tpu.memory_space<hbm>>) target_semaphore(%run_scoped3A : memref<!tpu.dma_semaphore, #tpu.memory_space<semaphore_mem>>)
      %dma_wait3A_243 = arith.constant 0 : i32
      %dma_wait3A_244 = tpu.memref_slice %arg6[%mul3A_132, %dma_wait3A_243] : memref<32768x256xf32, #tpu.memory_space<hbm>> -> memref<128x256xf32, #tpu.memory_space<hbm>>
      %dma_wait3A_245 = arith.constant 0 : i32
      %dma_wait3A_246 = tpu.memref_slice %arg6[%mul3A_132, %dma_wait3A_245] : memref<32768x256xf32, #tpu.memory_space<hbm>> -> memref<128x256xf32, #tpu.memory_space<hbm>>
      tpu.wait_dma2 semaphore(%run_scoped3A : memref<!tpu.dma_semaphore, #tpu.memory_space<semaphore_mem>>) src(%arg11 : memref<128x256xf32, #tpu.memory_space<vmem>>) dst(%dma_wait3A_246 : memref<128x256xf32, #tpu.memory_space<hbm>>)
      tpu.yield
    }) : () -> ()
    %dma_start3A_133 = arith.constant 4 : i32
    %dma_start3A_134 = arith.constant 0 : i32
    %dma_start3A_135 = tpu.memref_slice %arg8[%dma_start3A_133, %dma_start3A_134] : memref<8x128xi32, #tpu.memory_space<vmem>> -> memref<1x128xi32, #tpu.memory_space<vmem>>
    %dma_start3A_136 = tpu.memref_squeeze %dma_start3A_135 : memref<1x128xi32, #tpu.memory_space<vmem>> -> memref<128xi32, #tpu.memory_space<vmem>>
    %dma_start3A_137 = arith.constant 0 : i32
    %dma_start3A_138 = arith.constant 0 : i32
    %dma_start3A_139 = tpu.memref_slice %arg2[%dma_start3A_137, %dma_start3A_138] : memref<50000x256xf32, #tpu.memory_space<hbm>> -> memref<50000x256xf32, #tpu.memory_space<hbm>>
    tpu.enqueue_indirect_dma source(%dma_start3A_139 : memref<50000x256xf32, #tpu.memory_space<hbm>>) target(%arg11 : memref<128x256xf32, #tpu.memory_space<vmem>>) offsets(%dma_start3A_136 : memref<128xi32, #tpu.memory_space<vmem>>) semaphore(%arg14 : memref<!tpu.dma_semaphore, #tpu.memory_space<semaphore_mem>>)
    %dma_wait3A_140 = arith.constant 2 : i32
    %dma_wait3A_141 = arith.constant 0 : i32
    %dma_wait3A_142 = tpu.memref_slice %arg8[%dma_wait3A_140, %dma_wait3A_141] : memref<8x128xi32, #tpu.memory_space<vmem>> -> memref<1x128xi32, #tpu.memory_space<vmem>>
    %dma_wait3A_143 = tpu.memref_squeeze %dma_wait3A_142 : memref<1x128xi32, #tpu.memory_space<vmem>> -> memref<128xi32, #tpu.memory_space<vmem>>
    %dma_wait3A_144 = arith.constant 0 : i32
    %dma_wait3A_145 = arith.constant 0 : i32
    %dma_wait3A_146 = tpu.memref_slice %arg2[%dma_wait3A_144, %dma_wait3A_145] : memref<50000x256xf32, #tpu.memory_space<hbm>> -> memref<50000x256xf32, #tpu.memory_space<hbm>>
    tpu.wait_indirect_dma semaphore(%arg12 : memref<!tpu.dma_semaphore, #tpu.memory_space<semaphore_mem>>) src(%dma_wait3A_146 : memref<50000x256xf32, #tpu.memory_space<hbm>>) dst(%arg9 : memref<128x256xf32, #tpu.memory_space<vmem>>)
    %mul3A_147 = arith.constant 8 : i32
    %mul3A_148 = arith.muli %add3A, %mul3A_147 : i32
    %add3A_149 = arith.constant 2 : i32
    %add3A_150 = arith.addi %mul3A_148, %add3A_149 : i32
    %mul3A_151 = arith.constant 128 : i32
    %mul3A_152 = arith.muli %add3A_150, %mul3A_151 : i32
    "tpu.region"() ({
      %run_scoped3A = tpu.sem_alloc : memref<!tpu.dma_semaphore, #tpu.memory_space<semaphore_mem>>
      %dma_start3A_239 = arith.constant 0 : i32
      %dma_start3A_240 = tpu.memref_slice %arg6[%mul3A_152, %dma_start3A_239] : memref<32768x256xf32, #tpu.memory_space<hbm>> -> memref<128x256xf32, #tpu.memory_space<hbm>>
      %dma_start3A_241 = arith.constant 0 : i32
      %dma_start3A_242 = tpu.memref_slice %arg6[%mul3A_152, %dma_start3A_241] : memref<32768x256xf32, #tpu.memory_space<hbm>> -> memref<128x256xf32, #tpu.memory_space<hbm>>
      tpu.enqueue_dma source(%arg9 : memref<128x256xf32, #tpu.memory_space<vmem>>) target(%dma_start3A_242 : memref<128x256xf32, #tpu.memory_space<hbm>>) target_semaphore(%run_scoped3A : memref<!tpu.dma_semaphore, #tpu.memory_space<semaphore_mem>>)
      %dma_wait3A_243 = arith.constant 0 : i32
      %dma_wait3A_244 = tpu.memref_slice %arg6[%mul3A_152, %dma_wait3A_243] : memref<32768x256xf32, #tpu.memory_space<hbm>> -> memref<128x256xf32, #tpu.memory_space<hbm>>
      %dma_wait3A_245 = arith.constant 0 : i32
      %dma_wait3A_246 = tpu.memref_slice %arg6[%mul3A_152, %dma_wait3A_245] : memref<32768x256xf32, #tpu.memory_space<hbm>> -> memref<128x256xf32, #tpu.memory_space<hbm>>
      tpu.wait_dma2 semaphore(%run_scoped3A : memref<!tpu.dma_semaphore, #tpu.memory_space<semaphore_mem>>) src(%arg9 : memref<128x256xf32, #tpu.memory_space<vmem>>) dst(%dma_wait3A_246 : memref<128x256xf32, #tpu.memory_space<hbm>>)
      tpu.yield
    }) : () -> ()
    %dma_start3A_153 = arith.constant 5 : i32
    %dma_start3A_154 = arith.constant 0 : i32
    %dma_start3A_155 = tpu.memref_slice %arg8[%dma_start3A_153, %dma_start3A_154] : memref<8x128xi32, #tpu.memory_space<vmem>> -> memref<1x128xi32, #tpu.memory_space<vmem>>
    %dma_start3A_156 = tpu.memref_squeeze %dma_start3A_155 : memref<1x128xi32, #tpu.memory_space<vmem>> -> memref<128xi32, #tpu.memory_space<vmem>>
    %dma_start3A_157 = arith.constant 0 : i32
    %dma_start3A_158 = arith.constant 0 : i32
    %dma_start3A_159 = tpu.memref_slice %arg2[%dma_start3A_157, %dma_start3A_158] : memref<50000x256xf32, #tpu.memory_space<hbm>> -> memref<50000x256xf32, #tpu.memory_space<hbm>>
    tpu.enqueue_indirect_dma source(%dma_start3A_159 : memref<50000x256xf32, #tpu.memory_space<hbm>>) target(%arg9 : memref<128x256xf32, #tpu.memory_space<vmem>>) offsets(%dma_start3A_156 : memref<128xi32, #tpu.memory_space<vmem>>) semaphore(%arg12 : memref<!tpu.dma_semaphore, #tpu.memory_space<semaphore_mem>>)
    %dma_wait3A_160 = arith.constant 3 : i32
    %dma_wait3A_161 = arith.constant 0 : i32
    %dma_wait3A_162 = tpu.memref_slice %arg8[%dma_wait3A_160, %dma_wait3A_161] : memref<8x128xi32, #tpu.memory_space<vmem>> -> memref<1x128xi32, #tpu.memory_space<vmem>>
    %dma_wait3A_163 = tpu.memref_squeeze %dma_wait3A_162 : memref<1x128xi32, #tpu.memory_space<vmem>> -> memref<128xi32, #tpu.memory_space<vmem>>
    %dma_wait3A_164 = arith.constant 0 : i32
    %dma_wait3A_165 = arith.constant 0 : i32
    %dma_wait3A_166 = tpu.memref_slice %arg2[%dma_wait3A_164, %dma_wait3A_165] : memref<50000x256xf32, #tpu.memory_space<hbm>> -> memref<50000x256xf32, #tpu.memory_space<hbm>>
    tpu.wait_indirect_dma semaphore(%arg13 : memref<!tpu.dma_semaphore, #tpu.memory_space<semaphore_mem>>) src(%dma_wait3A_166 : memref<50000x256xf32, #tpu.memory_space<hbm>>) dst(%arg10 : memref<128x256xf32, #tpu.memory_space<vmem>>)
    %mul3A_167 = arith.constant 8 : i32
    %mul3A_168 = arith.muli %add3A, %mul3A_167 : i32
    %add3A_169 = arith.constant 3 : i32
    %add3A_170 = arith.addi %mul3A_168, %add3A_169 : i32
    %mul3A_171 = arith.constant 128 : i32
    %mul3A_172 = arith.muli %add3A_170, %mul3A_171 : i32
    "tpu.region"() ({
      %run_scoped3A = tpu.sem_alloc : memref<!tpu.dma_semaphore, #tpu.memory_space<semaphore_mem>>
      %dma_start3A_239 = arith.constant 0 : i32
      %dma_start3A_240 = tpu.memref_slice %arg6[%mul3A_172, %dma_start3A_239] : memref<32768x256xf32, #tpu.memory_space<hbm>> -> memref<128x256xf32, #tpu.memory_space<hbm>>
      %dma_start3A_241 = arith.constant 0 : i32
      %dma_start3A_242 = tpu.memref_slice %arg6[%mul3A_172, %dma_start3A_241] : memref<32768x256xf32, #tpu.memory_space<hbm>> -> memref<128x256xf32, #tpu.memory_space<hbm>>
      tpu.enqueue_dma source(%arg10 : memref<128x256xf32, #tpu.memory_space<vmem>>) target(%dma_start3A_242 : memref<128x256xf32, #tpu.memory_space<hbm>>) target_semaphore(%run_scoped3A : memref<!tpu.dma_semaphore, #tpu.memory_space<semaphore_mem>>)
      %dma_wait3A_243 = arith.constant 0 : i32
      %dma_wait3A_244 = tpu.memref_slice %arg6[%mul3A_172, %dma_wait3A_243] : memref<32768x256xf32, #tpu.memory_space<hbm>> -> memref<128x256xf32, #tpu.memory_space<hbm>>
      %dma_wait3A_245 = arith.constant 0 : i32
      %dma_wait3A_246 = tpu.memref_slice %arg6[%mul3A_172, %dma_wait3A_245] : memref<32768x256xf32, #tpu.memory_space<hbm>> -> memref<128x256xf32, #tpu.memory_space<hbm>>
      tpu.wait_dma2 semaphore(%run_scoped3A : memref<!tpu.dma_semaphore, #tpu.memory_space<semaphore_mem>>) src(%arg10 : memref<128x256xf32, #tpu.memory_space<vmem>>) dst(%dma_wait3A_246 : memref<128x256xf32, #tpu.memory_space<hbm>>)
      tpu.yield
    }) : () -> ()
    %dma_start3A_173 = arith.constant 6 : i32
    %dma_start3A_174 = arith.constant 0 : i32
    %dma_start3A_175 = tpu.memref_slice %arg8[%dma_start3A_173, %dma_start3A_174] : memref<8x128xi32, #tpu.memory_space<vmem>> -> memref<1x128xi32, #tpu.memory_space<vmem>>
    %dma_start3A_176 = tpu.memref_squeeze %dma_start3A_175 : memref<1x128xi32, #tpu.memory_space<vmem>> -> memref<128xi32, #tpu.memory_space<vmem>>
    %dma_start3A_177 = arith.constant 0 : i32
    %dma_start3A_178 = arith.constant 0 : i32
    %dma_start3A_179 = tpu.memref_slice %arg2[%dma_start3A_177, %dma_start3A_178] : memref<50000x256xf32, #tpu.memory_space<hbm>> -> memref<50000x256xf32, #tpu.memory_space<hbm>>
    tpu.enqueue_indirect_dma source(%dma_start3A_179 : memref<50000x256xf32, #tpu.memory_space<hbm>>) target(%arg10 : memref<128x256xf32, #tpu.memory_space<vmem>>) offsets(%dma_start3A_176 : memref<128xi32, #tpu.memory_space<vmem>>) semaphore(%arg13 : memref<!tpu.dma_semaphore, #tpu.memory_space<semaphore_mem>>)
    %dma_wait3A_180 = arith.constant 4 : i32
    %dma_wait3A_181 = arith.constant 0 : i32
    %dma_wait3A_182 = tpu.memref_slice %arg8[%dma_wait3A_180, %dma_wait3A_181] : memref<8x128xi32, #tpu.memory_space<vmem>> -> memref<1x128xi32, #tpu.memory_space<vmem>>
    %dma_wait3A_183 = tpu.memref_squeeze %dma_wait3A_182 : memref<1x128xi32, #tpu.memory_space<vmem>> -> memref<128xi32, #tpu.memory_space<vmem>>
    %dma_wait3A_184 = arith.constant 0 : i32
    %dma_wait3A_185 = arith.constant 0 : i32
    %dma_wait3A_186 = tpu.memref_slice %arg2[%dma_wait3A_184, %dma_wait3A_185] : memref<50000x256xf32, #tpu.memory_space<hbm>> -> memref<50000x256xf32, #tpu.memory_space<hbm>>
    tpu.wait_indirect_dma semaphore(%arg14 : memref<!tpu.dma_semaphore, #tpu.memory_space<semaphore_mem>>) src(%dma_wait3A_186 : memref<50000x256xf32, #tpu.memory_space<hbm>>) dst(%arg11 : memref<128x256xf32, #tpu.memory_space<vmem>>)
    %mul3A_187 = arith.constant 8 : i32
    %mul3A_188 = arith.muli %add3A, %mul3A_187 : i32
    %add3A_189 = arith.constant 4 : i32
    %add3A_190 = arith.addi %mul3A_188, %add3A_189 : i32
    %mul3A_191 = arith.constant 128 : i32
    %mul3A_192 = arith.muli %add3A_190, %mul3A_191 : i32
    "tpu.region"() ({
      %run_scoped3A = tpu.sem_alloc : memref<!tpu.dma_semaphore, #tpu.memory_space<semaphore_mem>>
      %dma_start3A_239 = arith.constant 0 : i32
      %dma_start3A_240 = tpu.memref_slice %arg6[%mul3A_192, %dma_start3A_239] : memref<32768x256xf32, #tpu.memory_space<hbm>> -> memref<128x256xf32, #tpu.memory_space<hbm>>
      %dma_start3A_241 = arith.constant 0 : i32
      %dma_start3A_242 = tpu.memref_slice %arg6[%mul3A_192, %dma_start3A_241] : memref<32768x256xf32, #tpu.memory_space<hbm>> -> memref<128x256xf32, #tpu.memory_space<hbm>>
      tpu.enqueue_dma source(%arg11 : memref<128x256xf32, #tpu.memory_space<vmem>>) target(%dma_start3A_242 : memref<128x256xf32, #tpu.memory_space<hbm>>) target_semaphore(%run_scoped3A : memref<!tpu.dma_semaphore, #tpu.memory_space<semaphore_mem>>)
      %dma_wait3A_243 = arith.constant 0 : i32
      %dma_wait3A_244 = tpu.memref_slice %arg6[%mul3A_192, %dma_wait3A_243] : memref<32768x256xf32, #tpu.memory_space<hbm>> -> memref<128x256xf32, #tpu.memory_space<hbm>>
      %dma_wait3A_245 = arith.constant 0 : i32
      %dma_wait3A_246 = tpu.memref_slice %arg6[%mul3A_192, %dma_wait3A_245] : memref<32768x256xf32, #tpu.memory_space<hbm>> -> memref<128x256xf32, #tpu.memory_space<hbm>>
      tpu.wait_dma2 semaphore(%run_scoped3A : memref<!tpu.dma_semaphore, #tpu.memory_space<semaphore_mem>>) src(%arg11 : memref<128x256xf32, #tpu.memory_space<vmem>>) dst(%dma_wait3A_246 : memref<128x256xf32, #tpu.memory_space<hbm>>)
      tpu.yield
    }) : () -> ()
    %dma_start3A_193 = arith.constant 7 : i32
    %dma_start3A_194 = arith.constant 0 : i32
    %dma_start3A_195 = tpu.memref_slice %arg8[%dma_start3A_193, %dma_start3A_194] : memref<8x128xi32, #tpu.memory_space<vmem>> -> memref<1x128xi32, #tpu.memory_space<vmem>>
    %dma_start3A_196 = tpu.memref_squeeze %dma_start3A_195 : memref<1x128xi32, #tpu.memory_space<vmem>> -> memref<128xi32, #tpu.memory_space<vmem>>
    %dma_start3A_197 = arith.constant 0 : i32
    %dma_start3A_198 = arith.constant 0 : i32
    %dma_start3A_199 = tpu.memref_slice %arg2[%dma_start3A_197, %dma_start3A_198] : memref<50000x256xf32, #tpu.memory_space<hbm>> -> memref<50000x256xf32, #tpu.memory_space<hbm>>
    tpu.enqueue_indirect_dma source(%dma_start3A_199 : memref<50000x256xf32, #tpu.memory_space<hbm>>) target(%arg11 : memref<128x256xf32, #tpu.memory_space<vmem>>) offsets(%dma_start3A_196 : memref<128xi32, #tpu.memory_space<vmem>>) semaphore(%arg14 : memref<!tpu.dma_semaphore, #tpu.memory_space<semaphore_mem>>)
    %dma_wait3A_200 = arith.constant 5 : i32
    %dma_wait3A_201 = arith.constant 0 : i32
    %dma_wait3A_202 = tpu.memref_slice %arg8[%dma_wait3A_200, %dma_wait3A_201] : memref<8x128xi32, #tpu.memory_space<vmem>> -> memref<1x128xi32, #tpu.memory_space<vmem>>
    %dma_wait3A_203 = tpu.memref_squeeze %dma_wait3A_202 : memref<1x128xi32, #tpu.memory_space<vmem>> -> memref<128xi32, #tpu.memory_space<vmem>>
    %dma_wait3A_204 = arith.constant 0 : i32
    %dma_wait3A_205 = arith.constant 0 : i32
    %dma_wait3A_206 = tpu.memref_slice %arg2[%dma_wait3A_204, %dma_wait3A_205] : memref<50000x256xf32, #tpu.memory_space<hbm>> -> memref<50000x256xf32, #tpu.memory_space<hbm>>
    tpu.wait_indirect_dma semaphore(%arg12 : memref<!tpu.dma_semaphore, #tpu.memory_space<semaphore_mem>>) src(%dma_wait3A_206 : memref<50000x256xf32, #tpu.memory_space<hbm>>) dst(%arg9 : memref<128x256xf32, #tpu.memory_space<vmem>>)
    %mul3A_207 = arith.constant 8 : i32
    %mul3A_208 = arith.muli %add3A, %mul3A_207 : i32
    %add3A_209 = arith.constant 5 : i32
    %add3A_210 = arith.addi %mul3A_208, %add3A_209 : i32
    %mul3A_211 = arith.constant 128 : i32
    %mul3A_212 = arith.muli %add3A_210, %mul3A_211 : i32
    "tpu.region"() ({
      %run_scoped3A = tpu.sem_alloc : memref<!tpu.dma_semaphore, #tpu.memory_space<semaphore_mem>>
      %dma_start3A_239 = arith.constant 0 : i32
      %dma_start3A_240 = tpu.memref_slice %arg6[%mul3A_212, %dma_start3A_239] : memref<32768x256xf32, #tpu.memory_space<hbm>> -> memref<128x256xf32, #tpu.memory_space<hbm>>
      %dma_start3A_241 = arith.constant 0 : i32
      %dma_start3A_242 = tpu.memref_slice %arg6[%mul3A_212, %dma_start3A_241] : memref<32768x256xf32, #tpu.memory_space<hbm>> -> memref<128x256xf32, #tpu.memory_space<hbm>>
      tpu.enqueue_dma source(%arg9 : memref<128x256xf32, #tpu.memory_space<vmem>>) target(%dma_start3A_242 : memref<128x256xf32, #tpu.memory_space<hbm>>) target_semaphore(%run_scoped3A : memref<!tpu.dma_semaphore, #tpu.memory_space<semaphore_mem>>)
      %dma_wait3A_243 = arith.constant 0 : i32
      %dma_wait3A_244 = tpu.memref_slice %arg6[%mul3A_212, %dma_wait3A_243] : memref<32768x256xf32, #tpu.memory_space<hbm>> -> memref<128x256xf32, #tpu.memory_space<hbm>>
      %dma_wait3A_245 = arith.constant 0 : i32
      %dma_wait3A_246 = tpu.memref_slice %arg6[%mul3A_212, %dma_wait3A_245] : memref<32768x256xf32, #tpu.memory_space<hbm>> -> memref<128x256xf32, #tpu.memory_space<hbm>>
      tpu.wait_dma2 semaphore(%run_scoped3A : memref<!tpu.dma_semaphore, #tpu.memory_space<semaphore_mem>>) src(%arg9 : memref<128x256xf32, #tpu.memory_space<vmem>>) dst(%dma_wait3A_246 : memref<128x256xf32, #tpu.memory_space<hbm>>)
      tpu.yield
    }) : () -> ()
    %dma_wait3A_213 = arith.constant 6 : i32
    %dma_wait3A_214 = arith.constant 0 : i32
    %dma_wait3A_215 = tpu.memref_slice %arg8[%dma_wait3A_213, %dma_wait3A_214] : memref<8x128xi32, #tpu.memory_space<vmem>> -> memref<1x128xi32, #tpu.memory_space<vmem>>
    %dma_wait3A_216 = tpu.memref_squeeze %dma_wait3A_215 : memref<1x128xi32, #tpu.memory_space<vmem>> -> memref<128xi32, #tpu.memory_space<vmem>>
    %dma_wait3A_217 = arith.constant 0 : i32
    %dma_wait3A_218 = arith.constant 0 : i32
    %dma_wait3A_219 = tpu.memref_slice %arg2[%dma_wait3A_217, %dma_wait3A_218] : memref<50000x256xf32, #tpu.memory_space<hbm>> -> memref<50000x256xf32, #tpu.memory_space<hbm>>
    tpu.wait_indirect_dma semaphore(%arg13 : memref<!tpu.dma_semaphore, #tpu.memory_space<semaphore_mem>>) src(%dma_wait3A_219 : memref<50000x256xf32, #tpu.memory_space<hbm>>) dst(%arg10 : memref<128x256xf32, #tpu.memory_space<vmem>>)
    %mul3A_220 = arith.constant 8 : i32
    %mul3A_221 = arith.muli %add3A, %mul3A_220 : i32
    %add3A_222 = arith.constant 6 : i32
    %add3A_223 = arith.addi %mul3A_221, %add3A_222 : i32
    %mul3A_224 = arith.constant 128 : i32
    %mul3A_225 = arith.muli %add3A_223, %mul3A_224 : i32
    "tpu.region"() ({
      %run_scoped3A = tpu.sem_alloc : memref<!tpu.dma_semaphore, #tpu.memory_space<semaphore_mem>>
      %dma_start3A_239 = arith.constant 0 : i32
      %dma_start3A_240 = tpu.memref_slice %arg6[%mul3A_225, %dma_start3A_239] : memref<32768x256xf32, #tpu.memory_space<hbm>> -> memref<128x256xf32, #tpu.memory_space<hbm>>
      %dma_start3A_241 = arith.constant 0 : i32
      %dma_start3A_242 = tpu.memref_slice %arg6[%mul3A_225, %dma_start3A_241] : memref<32768x256xf32, #tpu.memory_space<hbm>> -> memref<128x256xf32, #tpu.memory_space<hbm>>
      tpu.enqueue_dma source(%arg10 : memref<128x256xf32, #tpu.memory_space<vmem>>) target(%dma_start3A_242 : memref<128x256xf32, #tpu.memory_space<hbm>>) target_semaphore(%run_scoped3A : memref<!tpu.dma_semaphore, #tpu.memory_space<semaphore_mem>>)
      %dma_wait3A_243 = arith.constant 0 : i32
      %dma_wait3A_244 = tpu.memref_slice %arg6[%mul3A_225, %dma_wait3A_243] : memref<32768x256xf32, #tpu.memory_space<hbm>> -> memref<128x256xf32, #tpu.memory_space<hbm>>
      %dma_wait3A_245 = arith.constant 0 : i32
      %dma_wait3A_246 = tpu.memref_slice %arg6[%mul3A_225, %dma_wait3A_245] : memref<32768x256xf32, #tpu.memory_space<hbm>> -> memref<128x256xf32, #tpu.memory_space<hbm>>
      tpu.wait_dma2 semaphore(%run_scoped3A : memref<!tpu.dma_semaphore, #tpu.memory_space<semaphore_mem>>) src(%arg10 : memref<128x256xf32, #tpu.memory_space<vmem>>) dst(%dma_wait3A_246 : memref<128x256xf32, #tpu.memory_space<hbm>>)
      tpu.yield
    }) : () -> ()
    %dma_wait3A_226 = arith.constant 7 : i32
    %dma_wait3A_227 = arith.constant 0 : i32
    %dma_wait3A_228 = tpu.memref_slice %arg8[%dma_wait3A_226, %dma_wait3A_227] : memref<8x128xi32, #tpu.memory_space<vmem>> -> memref<1x128xi32, #tpu.memory_space<vmem>>
    %dma_wait3A_229 = tpu.memref_squeeze %dma_wait3A_228 : memref<1x128xi32, #tpu.memory_space<vmem>> -> memref<128xi32, #tpu.memory_space<vmem>>
    %dma_wait3A_230 = arith.constant 0 : i32
    %dma_wait3A_231 = arith.constant 0 : i32
    %dma_wait3A_232 = tpu.memref_slice %arg2[%dma_wait3A_230, %dma_wait3A_231] : memref<50000x256xf32, #tpu.memory_space<hbm>> -> memref<50000x256xf32, #tpu.memory_space<hbm>>
    tpu.wait_indirect_dma semaphore(%arg14 : memref<!tpu.dma_semaphore, #tpu.memory_space<semaphore_mem>>) src(%dma_wait3A_232 : memref<50000x256xf32, #tpu.memory_space<hbm>>) dst(%arg11 : memref<128x256xf32, #tpu.memory_space<vmem>>)
    %mul3A_233 = arith.constant 8 : i32
    %mul3A_234 = arith.muli %add3A, %mul3A_233 : i32
    %add3A_235 = arith.constant 7 : i32
    %add3A_236 = arith.addi %mul3A_234, %add3A_235 : i32
    %mul3A_237 = arith.constant 128 : i32
    %mul3A_238 = arith.muli %add3A_236, %mul3A_237 : i32
    "tpu.region"() ({
      %run_scoped3A = tpu.sem_alloc : memref<!tpu.dma_semaphore, #tpu.memory_space<semaphore_mem>>
      %dma_start3A_239 = arith.constant 0 : i32
      %dma_start3A_240 = tpu.memref_slice %arg6[%mul3A_238, %dma_start3A_239] : memref<32768x256xf32, #tpu.memory_space<hbm>> -> memref<128x256xf32, #tpu.memory_space<hbm>>
      %dma_start3A_241 = arith.constant 0 : i32
      %dma_start3A_242 = tpu.memref_slice %arg6[%mul3A_238, %dma_start3A_241] : memref<32768x256xf32, #tpu.memory_space<hbm>> -> memref<128x256xf32, #tpu.memory_space<hbm>>
      tpu.enqueue_dma source(%arg11 : memref<128x256xf32, #tpu.memory_space<vmem>>) target(%dma_start3A_242 : memref<128x256xf32, #tpu.memory_space<hbm>>) target_semaphore(%run_scoped3A : memref<!tpu.dma_semaphore, #tpu.memory_space<semaphore_mem>>)
      %dma_wait3A_243 = arith.constant 0 : i32
      %dma_wait3A_244 = tpu.memref_slice %arg6[%mul3A_238, %dma_wait3A_243] : memref<32768x256xf32, #tpu.memory_space<hbm>> -> memref<128x256xf32, #tpu.memory_space<hbm>>
      %dma_wait3A_245 = arith.constant 0 : i32
      %dma_wait3A_246 = tpu.memref_slice %arg6[%mul3A_238, %dma_wait3A_245] : memref<32768x256xf32, #tpu.memory_space<hbm>> -> memref<128x256xf32, #tpu.memory_space<hbm>>
      tpu.wait_dma2 semaphore(%run_scoped3A : memref<!tpu.dma_semaphore, #tpu.memory_space<semaphore_mem>>) src(%arg11 : memref<128x256xf32, #tpu.memory_space<vmem>>) dst(%dma_wait3A_246 : memref<128x256xf32, #tpu.memory_space<hbm>>)
      tpu.yield
    }) : () -> ()
    return
  }
}

module attributes {stable_mosaic.version = 14 : i64} {
  func.func @_abuild_body(%arg0: i32, %arg1: memref<2x1x1024xi32, #tpu.memory_space<vmem>>, %arg2: memref<2x1x1024xi32, #tpu.memory_space<vmem>>, %arg3: memref<2x1x1024xi32, #tpu.memory_space<vmem>>, %arg4: memref<256x256xf32, #tpu.memory_space<vmem>>, %arg5: memref<256x256xf32, #tpu.memory_space<vmem>>, %arg6: memref<256x256xf32, #tpu.memory_space<vmem>>, %arg7: memref<2x512x512xbf16, #tpu.memory_space<vmem>>, %arg8: memref<2x512x1024xbf16, #tpu.memory_space<vmem>>, %arg9: memref<256x256xf32, #tpu.memory_space<vmem>>) attributes {dimension_semantics = [#tpu.dimension_semantics<arbitrary>], iteration_bounds = array<i64: 16>, scalar_prefetch = 0 : i64, scratch_operands = 0 : i64, tpu.core_type = #tpu.core_type<tc>, window_params = [{transform_indices = @transform_0, window_bounds = array<i64: 2, 1, 1024>}, {transform_indices = @transform_1, window_bounds = array<i64: 2, 1, 1024>}, {transform_indices = @transform_2, window_bounds = array<i64: 2, 1, 1024>}, {pipeline_mode = #tpu.pipeline_mode<synchronous>, transform_indices = @transform_3, window_bounds = array<i64: 256, 256>}, {pipeline_mode = #tpu.pipeline_mode<synchronous>, transform_indices = @transform_4, window_bounds = array<i64: 256, 256>}, {pipeline_mode = #tpu.pipeline_mode<synchronous>, transform_indices = @transform_5, window_bounds = array<i64: 256, 256>}, {transform_indices = @transform_6, window_bounds = array<i64: 2, 512, 512>}, {transform_indices = @transform_7, window_bounds = array<i64: 2, 512, 1024>}, {pipeline_mode = #tpu.pipeline_mode<synchronous>, transform_indices = @transform_8, window_bounds = array<i64: 256, 256>}]} {
    %eq3A = arith.constant 0 : i32
    %eq3A_0 = arith.cmpi eq, %arg0, %eq3A : i32
    %convert_element_type3A = arith.extui %eq3A_0 : i1 to i32
    %cond3A = arith.constant 0 : i32
    %cond3A_1 = arith.cmpi ne, %convert_element_type3A, %cond3A : i32
    scf.if %cond3A_1 {
      %get3A_138 = arith.constant 0 : index
      %get3A_139 = arith.constant 0 : index
      %get3A_140 = vector.load %arg4[%get3A_138, %get3A_139] : memref<256x256xf32, #tpu.memory_space<vmem>>, vector<256x256xf32>
      %get3A_141 = arith.constant 0 : index
      %get3A_142 = arith.constant 0 : index
      %get3A_143 = vector.load %arg5[%get3A_141, %get3A_142] : memref<256x256xf32, #tpu.memory_space<vmem>>, vector<256x256xf32>
      %get3A_144 = arith.constant 0 : index
      %get3A_145 = arith.constant 0 : index
      %get3A_146 = vector.load %arg6[%get3A_144, %get3A_145] : memref<256x256xf32, #tpu.memory_space<vmem>>, vector<256x256xf32>
      %dot_general3A_147 = arith.constant dense<0.000000e+00> : vector<256x256xf32>
      %dot_general3A_148 = tpu.matmul %get3A_143, %get3A_146, %dot_general3A_147 {dimension_numbers = #tpu.dot_dimension_numbers<[1], [0], [0], [1], [0, 0, 1, 1], [], []>, transpose_lhs_hint = false} : vector<256x256xf32>, vector<256x256xf32>, vector<256x256xf32> -> vector<256x256xf32>
      %dot_general3A_149 = arith.constant dense<0.000000e+00> : vector<256x256xf32>
      %dot_general3A_150 = tpu.matmul %get3A_140, %dot_general3A_148, %dot_general3A_149 {dimension_numbers = #tpu.dot_dimension_numbers<[1], [0], [0], [1], [0, 0, 1, 1], [], []>, transpose_lhs_hint = false} : vector<256x256xf32>, vector<256x256xf32>, vector<256x256xf32> -> vector<256x256xf32>
      %swap3A_151 = arith.constant 0 : index
      %swap3A_152 = arith.constant 0 : index
      %swap3A_153 = vector.load %arg9[%swap3A_151, %swap3A_152] : memref<256x256xf32, #tpu.memory_space<vmem>>, vector<256x256xf32>
      tpu.vector_store %arg9[%swap3A_151, %swap3A_152], %dot_general3A_150 {strides = array<i32>} : memref<256x256xf32, #tpu.memory_space<vmem>>, vector<256x256xf32>,
    } else {
    }
    %get3A = arith.constant 0 : index
    %get3A_2 = arith.constant 0 : index
    %get3A_3 = arith.constant 0 : index
    %get3A_4 = vector.load %arg1[%get3A, %get3A_2, %get3A_3] : memref<2x1x1024xi32, #tpu.memory_space<vmem>>, vector<1x1x1024xi32>
    %get3A_5 = vector.shape_cast %get3A_4 : vector<1x1x1024xi32> to vector<1024xi32>
    %get3A_6 = arith.constant 0 : index
    %get3A_7 = arith.constant 0 : index
    %get3A_8 = arith.constant 0 : index
    %get3A_9 = vector.load %arg2[%get3A_6, %get3A_7, %get3A_8] : memref<2x1x1024xi32, #tpu.memory_space<vmem>>, vector<1x1x1024xi32>
    %get3A_10 = vector.shape_cast %get3A_9 : vector<1x1x1024xi32> to vector<1024xi32>
    %get3A_11 = arith.constant 0 : index
    %get3A_12 = arith.constant 0 : index
    %get3A_13 = arith.constant 0 : index
    %get3A_14 = vector.load %arg3[%get3A_11, %get3A_12, %get3A_13] : memref<2x1x1024xi32, #tpu.memory_space<vmem>>, vector<1x1x1024xi32>
    %get3A_15 = vector.shape_cast %get3A_14 : vector<1x1x1024xi32> to vector<1024xi32>
    %ne3A = arith.constant -1 : i32
    %ne3A_16 = vector.broadcast %ne3A : i32 to vector<1024xi32>
    %ne3A_17 = arith.cmpi ne, %get3A_15, %ne3A_16 : vector<1024xi32>
    %convert_element_type3A_18 = arith.extui %ne3A_17 : vector<1024xi1> to vector<1024xi32>
    %convert_element_type3A_19 = arith.sitofp %convert_element_type3A_18 : vector<1024xi32> to vector<1024xf32>
    %convert_element_type3A_20 = arith.truncf %convert_element_type3A_19 : vector<1024xf32> to vector<1024xbf16>
    %iota3A = tpu.iota {dimensions = array<i32: 1>} : vector<1024x512xi32>
    %iota3A_21 = tpu.iota {dimensions = array<i32: 0>} : vector<512x1024xi32>
    %broadcast_in_dim3A = vector.shape_cast %get3A_5 : vector<1024xi32> to vector<1024x1xi32>
    %eq3A_22 = vector.broadcast %broadcast_in_dim3A : vector<1024x1xi32> to vector<1024x512xi32>
    %eq3A_23 = arith.cmpi eq, %iota3A, %eq3A_22 : vector<1024x512xi32>
    %convert_element_type3A_24 = arith.extui %eq3A_23 : vector<1024x512xi1> to vector<1024x512xi32>
    %convert_element_type3A_25 = arith.sitofp %convert_element_type3A_24 : vector<1024x512xi32> to vector<1024x512xf32>
    %convert_element_type3A_26 = arith.truncf %convert_element_type3A_25 : vector<1024x512xf32> to vector<1024x512xbf16>
    %broadcast_in_dim3A_27 = vector.shape_cast %get3A_10 : vector<1024xi32> to vector<1024x1xi32>
    %eq3A_28 = vector.broadcast %broadcast_in_dim3A_27 : vector<1024x1xi32> to vector<1024x512xi32>
    %eq3A_29 = arith.cmpi eq, %iota3A, %eq3A_28 : vector<1024x512xi32>
    %convert_element_type3A_30 = arith.extui %eq3A_29 : vector<1024x512xi1> to vector<1024x512xi32>
    %convert_element_type3A_31 = arith.sitofp %convert_element_type3A_30 : vector<1024x512xi32> to vector<1024x512xf32>
    %convert_element_type3A_32 = arith.truncf %convert_element_type3A_31 : vector<1024x512xf32> to vector<1024x512xbf16>
    %broadcast_in_dim3A_33 = vector.shape_cast %get3A_5 : vector<1024xi32> to vector<1x1024xi32>
    %eq3A_34 = vector.broadcast %broadcast_in_dim3A_33 : vector<1x1024xi32> to vector<512x1024xi32>
    %eq3A_35 = arith.cmpi eq, %iota3A_21, %eq3A_34 : vector<512x1024xi32>
    %convert_element_type3A_36 = arith.extui %eq3A_35 : vector<512x1024xi1> to vector<512x1024xi32>
    %convert_element_type3A_37 = arith.sitofp %convert_element_type3A_36 : vector<512x1024xi32> to vector<512x1024xf32>
    %convert_element_type3A_38 = arith.truncf %convert_element_type3A_37 : vector<512x1024xf32> to vector<512x1024xbf16>
    %broadcast_in_dim3A_39 = vector.shape_cast %convert_element_type3A_20 : vector<1024xbf16> to vector<1x1024xbf16>
    %mul3A = vector.broadcast %broadcast_in_dim3A_39 : vector<1x1024xbf16> to vector<512x1024xbf16>
    %mul3A_40 = arith.mulf %convert_element_type3A_38, %mul3A : vector<512x1024xbf16>
    %broadcast_in_dim3A_41 = vector.shape_cast %get3A_10 : vector<1024xi32> to vector<1x1024xi32>
    %eq3A_42 = vector.broadcast %broadcast_in_dim3A_41 : vector<1x1024xi32> to vector<512x1024xi32>
    %eq3A_43 = arith.cmpi eq, %iota3A_21, %eq3A_42 : vector<512x1024xi32>
    %convert_element_type3A_44 = arith.extui %eq3A_43 : vector<512x1024xi1> to vector<512x1024xi32>
    %convert_element_type3A_45 = arith.sitofp %convert_element_type3A_44 : vector<512x1024xi32> to vector<512x1024xf32>
    %convert_element_type3A_46 = arith.truncf %convert_element_type3A_45 : vector<512x1024xf32> to vector<512x1024xbf16>
    %broadcast_in_dim3A_47 = vector.shape_cast %convert_element_type3A_20 : vector<1024xbf16> to vector<1x1024xbf16>
    %mul3A_48 = vector.broadcast %broadcast_in_dim3A_47 : vector<1x1024xbf16> to vector<512x1024xbf16>
    %mul3A_49 = arith.mulf %convert_element_type3A_46, %mul3A_48 : vector<512x1024xbf16>
    %dot_general3A = arith.constant dense<0.000000e+00> : vector<512x512xf32>
    %dot_general3A_50 = tpu.matmul %mul3A_49, %convert_element_type3A_26, %dot_general3A {dimension_numbers = #tpu.dot_dimension_numbers<[1], [0], [0], [1], [0, 0, 1, 1], [], []>, transpose_lhs_hint = false} : vector<512x1024xbf16>, vector<1024x512xbf16>, vector<512x512xf32> -> vector<512x512xf32>
    %dot_general3A_51 = arith.constant dense<0.000000e+00> : vector<512x512xf32>
    %dot_general3A_52 = tpu.matmul %mul3A_40, %convert_element_type3A_32, %dot_general3A_51 {dimension_numbers = #tpu.dot_dimension_numbers<[1], [0], [0], [1], [0, 0, 1, 1], [], []>, transpose_lhs_hint = false} : vector<512x1024xbf16>, vector<1024x512xbf16>, vector<512x512xf32> -> vector<512x512xf32>
    %add3A = arith.addf %dot_general3A_50, %dot_general3A_52 : vector<512x512xf32>
    %convert_element_type3A_53 = arith.truncf %add3A : vector<512x512xf32> to vector<512x512xbf16>
    %swap3A = arith.constant 0 : index
    %swap3A_54 = arith.constant 0 : index
    %swap3A_55 = arith.constant 0 : index
    %swap3A_56 = vector.load %arg7[%swap3A, %swap3A_54, %swap3A_55] : memref<2x512x512xbf16, #tpu.memory_space<vmem>>, vector<1x512x512xbf16>
    %swap3A_57 = vector.shape_cast %swap3A_56 : vector<1x512x512xbf16> to vector<512x512xbf16>
    %swap3A_58 = vector.shape_cast %convert_element_type3A_53 : vector<512x512xbf16> to vector<1x512x512xbf16>
    tpu.vector_store %arg7[%swap3A, %swap3A_54, %swap3A_55], %swap3A_58 {strides = array<i32>} : memref<2x512x512xbf16, #tpu.memory_space<vmem>>, vector<1x512x512xbf16>,
    %add3A_59 = arith.addf %mul3A_49, %mul3A_40 : vector<512x1024xbf16>
    %swap3A_60 = arith.constant 0 : index
    %swap3A_61 = arith.constant 0 : index
    %swap3A_62 = arith.constant 0 : index
    %swap3A_63 = vector.load %arg8[%swap3A_60, %swap3A_61, %swap3A_62] : memref<2x512x1024xbf16, #tpu.memory_space<vmem>>, vector<1x512x1024xbf16>
    %swap3A_64 = vector.shape_cast %swap3A_63 : vector<1x512x1024xbf16> to vector<512x1024xbf16>
    %swap3A_65 = vector.shape_cast %add3A_59 : vector<512x1024xbf16> to vector<1x512x1024xbf16>
    tpu.vector_store %arg8[%swap3A_60, %swap3A_61, %swap3A_62], %swap3A_65 {strides = array<i32>} : memref<2x512x1024xbf16, #tpu.memory_space<vmem>>, vector<1x512x1024xbf16>,
    %get3A_66 = arith.constant 1 : index
    %get3A_67 = arith.constant 0 : index
    %get3A_68 = arith.constant 0 : index
    %get3A_69 = vector.load %arg1[%get3A_66, %get3A_67, %get3A_68] : memref<2x1x1024xi32, #tpu.memory_space<vmem>>, vector<1x1x1024xi32>
    %get3A_70 = vector.shape_cast %get3A_69 : vector<1x1x1024xi32> to vector<1024xi32>
    %get3A_71 = arith.constant 1 : index
    %get3A_72 = arith.constant 0 : index
    %get3A_73 = arith.constant 0 : index
    %get3A_74 = vector.load %arg2[%get3A_71, %get3A_72, %get3A_73] : memref<2x1x1024xi32, #tpu.memory_space<vmem>>, vector<1x1x1024xi32>
    %get3A_75 = vector.shape_cast %get3A_74 : vector<1x1x1024xi32> to vector<1024xi32>
    %get3A_76 = arith.constant 1 : index
    %get3A_77 = arith.constant 0 : index
    %get3A_78 = arith.constant 0 : index
    %get3A_79 = vector.load %arg3[%get3A_76, %get3A_77, %get3A_78] : memref<2x1x1024xi32, #tpu.memory_space<vmem>>, vector<1x1x1024xi32>
    %get3A_80 = vector.shape_cast %get3A_79 : vector<1x1x1024xi32> to vector<1024xi32>
    %ne3A_81 = arith.constant -1 : i32
    %ne3A_82 = vector.broadcast %ne3A_81 : i32 to vector<1024xi32>
    %ne3A_83 = arith.cmpi ne, %get3A_80, %ne3A_82 : vector<1024xi32>
    %convert_element_type3A_84 = arith.extui %ne3A_83 : vector<1024xi1> to vector<1024xi32>
    %convert_element_type3A_85 = arith.sitofp %convert_element_type3A_84 : vector<1024xi32> to vector<1024xf32>
    %convert_element_type3A_86 = arith.truncf %convert_element_type3A_85 : vector<1024xf32> to vector<1024xbf16>
    %iota3A_87 = tpu.iota {dimensions = array<i32: 1>} : vector<1024x512xi32>
    %iota3A_88 = tpu.iota {dimensions = array<i32: 0>} : vector<512x1024xi32>
    %broadcast_in_dim3A_89 = vector.shape_cast %get3A_70 : vector<1024xi32> to vector<1024x1xi32>
    %eq3A_90 = vector.broadcast %broadcast_in_dim3A_89 : vector<1024x1xi32> to vector<1024x512xi32>
    %eq3A_91 = arith.cmpi eq, %iota3A_87, %eq3A_90 : vector<1024x512xi32>
    %convert_element_type3A_92 = arith.extui %eq3A_91 : vector<1024x512xi1> to vector<1024x512xi32>
    %convert_element_type3A_93 = arith.sitofp %convert_element_type3A_92 : vector<1024x512xi32> to vector<1024x512xf32>
    %convert_element_type3A_94 = arith.truncf %convert_element_type3A_93 : vector<1024x512xf32> to vector<1024x512xbf16>
    %broadcast_in_dim3A_95 = vector.shape_cast %get3A_75 : vector<1024xi32> to vector<1024x1xi32>
    %eq3A_96 = vector.broadcast %broadcast_in_dim3A_95 : vector<1024x1xi32> to vector<1024x512xi32>
    %eq3A_97 = arith.cmpi eq, %iota3A_87, %eq3A_96 : vector<1024x512xi32>
    %convert_element_type3A_98 = arith.extui %eq3A_97 : vector<1024x512xi1> to vector<1024x512xi32>
    %convert_element_type3A_99 = arith.sitofp %convert_element_type3A_98 : vector<1024x512xi32> to vector<1024x512xf32>
    %convert_element_type3A_100 = arith.truncf %convert_element_type3A_99 : vector<1024x512xf32> to vector<1024x512xbf16>
    %broadcast_in_dim3A_101 = vector.shape_cast %get3A_70 : vector<1024xi32> to vector<1x1024xi32>
    %eq3A_102 = vector.broadcast %broadcast_in_dim3A_101 : vector<1x1024xi32> to vector<512x1024xi32>
    %eq3A_103 = arith.cmpi eq, %iota3A_88, %eq3A_102 : vector<512x1024xi32>
    %convert_element_type3A_104 = arith.extui %eq3A_103 : vector<512x1024xi1> to vector<512x1024xi32>
    %convert_element_type3A_105 = arith.sitofp %convert_element_type3A_104 : vector<512x1024xi32> to vector<512x1024xf32>
    %convert_element_type3A_106 = arith.truncf %convert_element_type3A_105 : vector<512x1024xf32> to vector<512x1024xbf16>
    %broadcast_in_dim3A_107 = vector.shape_cast %convert_element_type3A_86 : vector<1024xbf16> to vector<1x1024xbf16>
    %mul3A_108 = vector.broadcast %broadcast_in_dim3A_107 : vector<1x1024xbf16> to vector<512x1024xbf16>
    %mul3A_109 = arith.mulf %convert_element_type3A_106, %mul3A_108 : vector<512x1024xbf16>
    %broadcast_in_dim3A_110 = vector.shape_cast %get3A_75 : vector<1024xi32> to vector<1x1024xi32>
    %eq3A_111 = vector.broadcast %broadcast_in_dim3A_110 : vector<1x1024xi32> to vector<512x1024xi32>
    %eq3A_112 = arith.cmpi eq, %iota3A_88, %eq3A_111 : vector<512x1024xi32>
    %convert_element_type3A_113 = arith.extui %eq3A_112 : vector<512x1024xi1> to vector<512x1024xi32>
    %convert_element_type3A_114 = arith.sitofp %convert_element_type3A_113 : vector<512x1024xi32> to vector<512x1024xf32>
    %convert_element_type3A_115 = arith.truncf %convert_element_type3A_114 : vector<512x1024xf32> to vector<512x1024xbf16>
    %broadcast_in_dim3A_116 = vector.shape_cast %convert_element_type3A_86 : vector<1024xbf16> to vector<1x1024xbf16>
    %mul3A_117 = vector.broadcast %broadcast_in_dim3A_116 : vector<1x1024xbf16> to vector<512x1024xbf16>
    %mul3A_118 = arith.mulf %convert_element_type3A_115, %mul3A_117 : vector<512x1024xbf16>
    %dot_general3A_119 = arith.constant dense<0.000000e+00> : vector<512x512xf32>
    %dot_general3A_120 = tpu.matmul %mul3A_118, %convert_element_type3A_94, %dot_general3A_119 {dimension_numbers = #tpu.dot_dimension_numbers<[1], [0], [0], [1], [0, 0, 1, 1], [], []>, transpose_lhs_hint = false} : vector<512x1024xbf16>, vector<1024x512xbf16>, vector<512x512xf32> -> vector<512x512xf32>
    %dot_general3A_121 = arith.constant dense<0.000000e+00> : vector<512x512xf32>
    %dot_general3A_122 = tpu.matmul %mul3A_109, %convert_element_type3A_100, %dot_general3A_121 {dimension_numbers = #tpu.dot_dimension_numbers<[1], [0], [0], [1], [0, 0, 1, 1], [], []>, transpose_lhs_hint = false} : vector<512x1024xbf16>, vector<1024x512xbf16>, vector<512x512xf32> -> vector<512x512xf32>
    %add3A_123 = arith.addf %dot_general3A_120, %dot_general3A_122 : vector<512x512xf32>
    %convert_element_type3A_124 = arith.truncf %add3A_123 : vector<512x512xf32> to vector<512x512xbf16>
    %swap3A_125 = arith.constant 1 : index
    %swap3A_126 = arith.constant 0 : index
    %swap3A_127 = arith.constant 0 : index
    %swap3A_128 = vector.load %arg7[%swap3A_125, %swap3A_126, %swap3A_127] : memref<2x512x512xbf16, #tpu.memory_space<vmem>>, vector<1x512x512xbf16>
    %swap3A_129 = vector.shape_cast %swap3A_128 : vector<1x512x512xbf16> to vector<512x512xbf16>
    %swap3A_130 = vector.shape_cast %convert_element_type3A_124 : vector<512x512xbf16> to vector<1x512x512xbf16>
    tpu.vector_store %arg7[%swap3A_125, %swap3A_126, %swap3A_127], %swap3A_130 {strides = array<i32>} : memref<2x512x512xbf16, #tpu.memory_space<vmem>>, vector<1x512x512xbf16>,
    %add3A_131 = arith.addf %mul3A_118, %mul3A_109 : vector<512x1024xbf16>
    %swap3A_132 = arith.constant 1 : index
    %swap3A_133 = arith.constant 0 : index
    %swap3A_134 = arith.constant 0 : index
    %swap3A_135 = vector.load %arg8[%swap3A_132, %swap3A_133, %swap3A_134] : memref<2x512x1024xbf16, #tpu.memory_space<vmem>>, vector<1x512x1024xbf16>
    %swap3A_136 = vector.shape_cast %swap3A_135 : vector<1x512x1024xbf16> to vector<512x1024xbf16>
    %swap3A_137 = vector.shape_cast %add3A_131 : vector<512x1024xbf16> to vector<1x512x1024xbf16>
    tpu.vector_store %arg8[%swap3A_132, %swap3A_133, %swap3A_134], %swap3A_137 {strides = array<i32>} : memref<2x512x1024xbf16, #tpu.memory_space<vmem>>, vector<1x512x1024xbf16>,
    return
  }
  func.func @transform_0(%arg0: i32) -> (i32, i32, i32) {
    %c0_i32 = arith.constant 0 : i32
    %c0_i32_0 = arith.constant 0 : i32
    %c0_i32_1 = arith.constant 0 : i32
    return %arg0, %c0_i32, %c0_i32_0 : i32, i32, i32
  }
  func.func @transform_1(%arg0: i32) -> (i32, i32, i32) {
    %c0_i32 = arith.constant 0 : i32
    %c0_i32_0 = arith.constant 0 : i32
    %c0_i32_1 = arith.constant 0 : i32
    return %arg0, %c0_i32, %c0_i32_0 : i32, i32, i32
  }
  func.func @transform_2(%arg0: i32) -> (i32, i32, i32) {
    %c0_i32 = arith.constant 0 : i32
    %c0_i32_0 = arith.constant 0 : i32
    %c0_i32_1 = arith.constant 0 : i32
    return %arg0, %c0_i32, %c0_i32_0 : i32, i32, i32
  }
  func.func @transform_3(%arg0: i32) -> (i32, i32) {
    %c0_i32 = arith.constant 0 : i32
    %c0_i32_0 = arith.constant 0 : i32
    %c0_i32_1 = arith.constant 0 : i32
    return %c0_i32, %c0_i32_0 : i32, i32
  }
  func.func @transform_4(%arg0: i32) -> (i32, i32) {
    %c0_i32 = arith.constant 0 : i32
    %c0_i32_0 = arith.constant 0 : i32
    %c0_i32_1 = arith.constant 0 : i32
    return %c0_i32, %c0_i32_0 : i32, i32
  }
  func.func @transform_5(%arg0: i32) -> (i32, i32) {
    %c0_i32 = arith.constant 0 : i32
    %c0_i32_0 = arith.constant 0 : i32
    %c0_i32_1 = arith.constant 0 : i32
    return %c0_i32, %c0_i32_0 : i32, i32
  }
  func.func @transform_6(%arg0: i32) -> (i32, i32, i32) {
    %c0_i32 = arith.constant 0 : i32
    %c0_i32_0 = arith.constant 0 : i32
    %c0_i32_1 = arith.constant 0 : i32
    return %arg0, %c0_i32, %c0_i32_0 : i32, i32, i32
  }
  func.func @transform_7(%arg0: i32) -> (i32, i32, i32) {
    %c0_i32 = arith.constant 0 : i32
    %c0_i32_0 = arith.constant 0 : i32
    %c0_i32_1 = arith.constant 0 : i32
    return %arg0, %c0_i32, %c0_i32_0 : i32, i32, i32
  }
  func.func @transform_8(%arg0: i32) -> (i32, i32) {
    %c0_i32 = arith.constant 0 : i32
    %c0_i32_0 = arith.constant 0 : i32
    %c0_i32_1 = arith.constant 0 : i32
    return %c0_i32, %c0_i32_0 : i32, i32
  }
}

module attributes {stable_mosaic.version = 14 : i64} {
  func.func @_gcn_body(%arg0: i32, %arg1: memref<2x512x256xf32, #tpu.memory_space<vmem>>, %arg2: memref<2x1024x256xf32, #tpu.memory_space<vmem>>, %arg3: memref<2x1x1024xi32, #tpu.memory_space<vmem>>, %arg4: memref<2x1x1024xi32, #tpu.memory_space<vmem>>, %arg5: memref<2x512x512xbf16, #tpu.memory_space<vmem>>, %arg6: memref<2x512x1024xbf16, #tpu.memory_space<vmem>>, %arg7: memref<256x256xf32, #tpu.memory_space<vmem>>, %arg8: memref<256x256xf32, #tpu.memory_space<vmem>>, %arg9: memref<256x256xf32, #tpu.memory_space<vmem>>, %arg10: memref<256x256xf32, #tpu.memory_space<vmem>>, %arg11: memref<256x256xf32, #tpu.memory_space<vmem>>, %arg12: memref<256x256xf32, #tpu.memory_space<vmem>>, %arg13: memref<256x256xf32, #tpu.memory_space<vmem>>, %arg14: memref<256x256xf32, #tpu.memory_space<vmem>>, %arg15: memref<256x256xf32, #tpu.memory_space<vmem>>, %arg16: memref<2x1024x256xf32, #tpu.memory_space<vmem>>, %arg17: memref<2x1x256xf32, #tpu.memory_space<vmem>>) attributes {dimension_semantics = [#tpu.dimension_semantics<arbitrary>], iteration_bounds = array<i64: 16>, scalar_prefetch = 0 : i64, scratch_operands = 0 : i64, tpu.core_type = #tpu.core_type<tc>, window_params = [{transform_indices = @transform_0, window_bounds = array<i64: 2, 512, 256>}, {transform_indices = @transform_1, window_bounds = array<i64: 2, 1024, 256>}, {transform_indices = @transform_2, window_bounds = array<i64: 2, 1, 1024>}, {transform_indices = @transform_3, window_bounds = array<i64: 2, 1, 1024>}, {transform_indices = @transform_4, window_bounds = array<i64: 2, 512, 512>}, {transform_indices = @transform_5, window_bounds = array<i64: 2, 512, 1024>}, {pipeline_mode = #tpu.pipeline_mode<synchronous>, transform_indices = @transform_6, window_bounds = array<i64: 256, 256>}, {pipeline_mode = #tpu.pipeline_mode<synchronous>, transform_indices = @transform_7, window_bounds = array<i64: 256, 256>}, {pipeline_mode = #tpu.pipeline_mode<synchronous>, transform_indices = @transform_8, window_bounds = array<i64: 256, 256>}, {pipeline_mode = #tpu.pipeline_mode<synchronous>, transform_indices = @transform_9, window_bounds = array<i64: 256, 256>}, {pipeline_mode = #tpu.pipeline_mode<synchronous>, transform_indices = @transform_10, window_bounds = array<i64: 256, 256>}, {pipeline_mode = #tpu.pipeline_mode<synchronous>, transform_indices = @transform_11, window_bounds = array<i64: 256, 256>}, {pipeline_mode = #tpu.pipeline_mode<synchronous>, transform_indices = @transform_12, window_bounds = array<i64: 256, 256>}, {pipeline_mode = #tpu.pipeline_mode<synchronous>, transform_indices = @transform_13, window_bounds = array<i64: 256, 256>}, {pipeline_mode = #tpu.pipeline_mode<synchronous>, transform_indices = @transform_14, window_bounds = array<i64: 256, 256>}, {transform_indices = @transform_15, window_bounds = array<i64: 2, 1024, 256>}, {transform_indices = @transform_16, window_bounds = array<i64: 2, 1, 256>}]} {
    %get3A = arith.constant 0 : index
    %get3A_0 = arith.constant 0 : index
    %get3A_1 = arith.constant 0 : index
    %get3A_2 = vector.load %arg3[%get3A, %get3A_0, %get3A_1] : memref<2x1x1024xi32, #tpu.memory_space<vmem>>, vector<1x1x1024xi32>
    %get3A_3 = vector.shape_cast %get3A_2 : vector<1x1x1024xi32> to vector<1024xi32>
    %get3A_4 = arith.constant 0 : index
    %get3A_5 = arith.constant 0 : index
    %get3A_6 = arith.constant 0 : index
    %get3A_7 = vector.load %arg4[%get3A_4, %get3A_5, %get3A_6] : memref<2x1x1024xi32, #tpu.memory_space<vmem>>, vector<1x1x1024xi32>
    %get3A_8 = vector.shape_cast %get3A_7 : vector<1x1x1024xi32> to vector<1024xi32>
    %iota3A = tpu.iota {dimensions = array<i32: 1>} : vector<1024x512xi32>
    %broadcast_in_dim3A = vector.shape_cast %get3A_3 : vector<1024xi32> to vector<1024x1xi32>
    %eq3A = vector.broadcast %broadcast_in_dim3A : vector<1024x1xi32> to vector<1024x512xi32>
    %eq3A_9 = arith.cmpi eq, %iota3A, %eq3A : vector<1024x512xi32>
    %convert_element_type3A = arith.extui %eq3A_9 : vector<1024x512xi1> to vector<1024x512xi32>
    %convert_element_type3A_10 = arith.sitofp %convert_element_type3A : vector<1024x512xi32> to vector<1024x512xf32>
    %convert_element_type3A_11 = arith.truncf %convert_element_type3A_10 : vector<1024x512xf32> to vector<1024x512xbf16>
    %broadcast_in_dim3A_12 = vector.shape_cast %get3A_8 : vector<1024xi32> to vector<1024x1xi32>
    %eq3A_13 = vector.broadcast %broadcast_in_dim3A_12 : vector<1024x1xi32> to vector<1024x512xi32>
    %eq3A_14 = arith.cmpi eq, %iota3A, %eq3A_13 : vector<1024x512xi32>
    %convert_element_type3A_15 = arith.extui %eq3A_14 : vector<1024x512xi1> to vector<1024x512xi32>
    %convert_element_type3A_16 = arith.sitofp %convert_element_type3A_15 : vector<1024x512xi32> to vector<1024x512xf32>
    %convert_element_type3A_17 = arith.truncf %convert_element_type3A_16 : vector<1024x512xf32> to vector<1024x512xbf16>
    %get3A_18 = arith.constant 0 : index
    %get3A_19 = arith.constant 0 : index
    %get3A_20 = arith.constant 0 : index
    %get3A_21 = vector.load %arg5[%get3A_18, %get3A_19, %get3A_20] : memref<2x512x512xbf16, #tpu.memory_space<vmem>>, vector<1x512x512xbf16>
    %get3A_22 = vector.shape_cast %get3A_21 : vector<1x512x512xbf16> to vector<512x512xbf16>
    %get3A_23 = arith.constant 0 : index
    %get3A_24 = arith.constant 0 : index
    %get3A_25 = arith.constant 0 : index
    %get3A_26 = vector.load %arg6[%get3A_23, %get3A_24, %get3A_25] : memref<2x512x1024xbf16, #tpu.memory_space<vmem>>, vector<1x512x1024xbf16>
    %get3A_27 = vector.shape_cast %get3A_26 : vector<1x512x1024xbf16> to vector<512x1024xbf16>
    %get3A_28 = arith.constant 0 : index
    %get3A_29 = arith.constant 0 : index
    %get3A_30 = arith.constant 0 : index
    %get3A_31 = vector.load %arg2[%get3A_28, %get3A_29, %get3A_30] : memref<2x1024x256xf32, #tpu.memory_space<vmem>>, vector<1x1024x256xf32>
    %get3A_32 = vector.shape_cast %get3A_31 : vector<1x1024x256xf32> to vector<1024x256xf32>
    %convert_element_type3A_33 = arith.truncf %get3A_32 : vector<1024x256xf32> to vector<1024x256xbf16>
    %convert_element_type3A_34 = arith.extf %get3A_22 : vector<512x512xbf16> to vector<512x512xf32>
    %reduce_sum3A = arith.constant dense<0.000000e+00> : vector<512xf32>
    %reduce_sum3A_35 = vector.multi_reduction <add>, %convert_element_type3A_34, %reduce_sum3A [1] : vector<512x512xf32> to vector<512xf32>
    %max3A = arith.constant 1.000000e+00 : f32
    %max3A_36 = vector.broadcast %max3A : f32 to vector<512xf32>
    %max3A_37 = arith.maximumf %reduce_sum3A_35, %max3A_36 : vector<512xf32>
    %broadcast_in_dim3A_38 = vector.shape_cast %max3A_37 : vector<512xf32> to vector<512x1xf32>
    %get3A_39 = arith.constant 0 : index
    %get3A_40 = arith.constant 0 : index
    %get3A_41 = arith.constant 0 : index
    %get3A_42 = vector.load %arg1[%get3A_39, %get3A_40, %get3A_41] : memref<2x512x256xf32, #tpu.memory_space<vmem>>, vector<1x512x256xf32>
    %get3A_43 = vector.shape_cast %get3A_42 : vector<1x512x256xf32> to vector<512x256xf32>
    %dot_general3A = arith.constant dense<0.000000e+00> : vector<512x256xf32>
    %dot_general3A_44 = tpu.matmul %get3A_27, %convert_element_type3A_33, %dot_general3A {dimension_numbers = #tpu.dot_dimension_numbers<[1], [0], [0], [1], [0, 0, 1, 1], [], []>, transpose_lhs_hint = false} : vector<512x1024xbf16>, vector<1024x256xbf16>, vector<512x256xf32> -> vector<512x256xf32>
    %convert_element_type3A_45 = arith.truncf %get3A_43 : vector<512x256xf32> to vector<512x256xbf16>
    %dot_general3A_46 = arith.constant dense<0.000000e+00> : vector<512x256xf32>
    %dot_general3A_47 = tpu.matmul %get3A_22, %convert_element_type3A_45, %dot_general3A_46 {dimension_numbers = #tpu.dot_dimension_numbers<[1], [0], [0], [1], [0, 0, 1, 1], [], []>, transpose_lhs_hint = false} : vector<512x512xbf16>, vector<512x256xbf16>, vector<512x256xf32> -> vector<512x256xf32>
    %sub3A = arith.subf %dot_general3A_47, %dot_general3A_44 : vector<512x256xf32>
    %get3A_48 = arith.constant 0 : index
    %get3A_49 = arith.constant 0 : index
    %get3A_50 = vector.load %arg7[%get3A_48, %get3A_49] : memref<256x256xf32, #tpu.memory_space<vmem>>, vector<256x256xf32>
    %dot_general3A_51 = arith.constant dense<0.000000e+00> : vector<512x256xf32>
    %dot_general3A_52 = tpu.matmul %get3A_43, %get3A_50, %dot_general3A_51 {dimension_numbers = #tpu.dot_dimension_numbers<[1], [0], [0], [1], [0, 0, 1, 1], [], []>, transpose_lhs_hint = false} : vector<512x256xf32>, vector<256x256xf32>, vector<512x256xf32> -> vector<512x256xf32>
    %get3A_53 = arith.constant 0 : index
    %get3A_54 = arith.constant 0 : index
    %get3A_55 = vector.load %arg8[%get3A_53, %get3A_54] : memref<256x256xf32, #tpu.memory_space<vmem>>, vector<256x256xf32>
    %dot_general3A_56 = arith.constant dense<0.000000e+00> : vector<512x256xf32>
    %dot_general3A_57 = tpu.matmul %sub3A, %get3A_55, %dot_general3A_56 {dimension_numbers = #tpu.dot_dimension_numbers<[1], [0], [0], [1], [0, 0, 1, 1], [], []>, transpose_lhs_hint = false} : vector<512x256xf32>, vector<256x256xf32>, vector<512x256xf32> -> vector<512x256xf32>
    %div3A = vector.broadcast %broadcast_in_dim3A_38 : vector<512x1xf32> to vector<512x256xf32>
    %div3A_58 = arith.divf %dot_general3A_57, %div3A : vector<512x256xf32>
    %add3A = arith.addf %dot_general3A_52, %div3A_58 : vector<512x256xf32>
    %max3A_59 = arith.constant 0.000000e+00 : f32
    %max3A_60 = vector.broadcast %max3A_59 : f32 to vector<512x256xf32>
    %max3A_61 = arith.maximumf %add3A, %max3A_60 : vector<512x256xf32>
    %get3A_62 = arith.constant 0 : index
    %get3A_63 = arith.constant 0 : index
    %get3A_64 = vector.load %arg11[%get3A_62, %get3A_63] : memref<256x256xf32, #tpu.memory_space<vmem>>, vector<256x256xf32>
    %dot_general3A_65 = arith.constant dense<0.000000e+00> : vector<512x256xf32>
    %dot_general3A_66 = tpu.matmul %dot_general3A_44, %get3A_64, %dot_general3A_65 {dimension_numbers = #tpu.dot_dimension_numbers<[1], [0], [0], [1], [0, 0, 1, 1], [], []>, transpose_lhs_hint = false} : vector<512x256xf32>, vector<256x256xf32>, vector<512x256xf32> -> vector<512x256xf32>
    %convert_element_type3A_67 = arith.truncf %max3A_61 : vector<512x256xf32> to vector<512x256xbf16>
    %dot_general3A_68 = arith.constant dense<0.000000e+00> : vector<512x256xf32>
    %dot_general3A_69 = tpu.matmul %get3A_22, %convert_element_type3A_67, %dot_general3A_68 {dimension_numbers = #tpu.dot_dimension_numbers<[1], [0], [0], [1], [0, 0, 1, 1], [], []>, transpose_lhs_hint = false} : vector<512x512xbf16>, vector<512x256xbf16>, vector<512x256xf32> -> vector<512x256xf32>
    %sub3A_70 = arith.subf %dot_general3A_69, %dot_general3A_66 : vector<512x256xf32>
    %get3A_71 = arith.constant 0 : index
    %get3A_72 = arith.constant 0 : index
    %get3A_73 = vector.load %arg9[%get3A_71, %get3A_72] : memref<256x256xf32, #tpu.memory_space<vmem>>, vector<256x256xf32>
    %dot_general3A_74 = arith.constant dense<0.000000e+00> : vector<512x256xf32>
    %dot_general3A_75 = tpu.matmul %max3A_61, %get3A_73, %dot_general3A_74 {dimension_numbers = #tpu.dot_dimension_numbers<[1], [0], [0], [1], [0, 0, 1, 1], [], []>, transpose_lhs_hint = false} : vector<512x256xf32>, vector<256x256xf32>, vector<512x256xf32> -> vector<512x256xf32>
    %get3A_76 = arith.constant 0 : index
    %get3A_77 = arith.constant 0 : index
    %get3A_78 = vector.load %arg10[%get3A_76, %get3A_77] : memref<256x256xf32, #tpu.memory_space<vmem>>, vector<256x256xf32>
    %dot_general3A_79 = arith.constant dense<0.000000e+00> : vector<512x256xf32>
    %dot_general3A_80 = tpu.matmul %sub3A_70, %get3A_78, %dot_general3A_79 {dimension_numbers = #tpu.dot_dimension_numbers<[1], [0], [0], [1], [0, 0, 1, 1], [], []>, transpose_lhs_hint = false} : vector<512x256xf32>, vector<256x256xf32>, vector<512x256xf32> -> vector<512x256xf32>
    %div3A_81 = vector.broadcast %broadcast_in_dim3A_38 : vector<512x1xf32> to vector<512x256xf32>
    %div3A_82 = arith.divf %dot_general3A_80, %div3A_81 : vector<512x256xf32>
    %add3A_83 = arith.addf %dot_general3A_75, %div3A_82 : vector<512x256xf32>
    %max3A_84 = arith.constant 0.000000e+00 : f32
    %max3A_85 = vector.broadcast %max3A_84 : f32 to vector<512x256xf32>
    %max3A_86 = arith.maximumf %add3A_83, %max3A_85 : vector<512x256xf32>
    %get3A_87 = arith.constant 0 : index
    %get3A_88 = arith.constant 0 : index
    %get3A_89 = vector.load %arg12[%get3A_87, %get3A_88] : memref<256x256xf32, #tpu.memory_space<vmem>>, vector<256x256xf32>
    %dot_general3A_90 = arith.constant dense<0.000000e+00> : vector<512x256xf32>
    %dot_general3A_91 = tpu.matmul %max3A_86, %get3A_89, %dot_general3A_90 {dimension_numbers = #tpu.dot_dimension_numbers<[1], [0], [0], [1], [0, 0, 1, 1], [], []>, transpose_lhs_hint = false} : vector<512x256xf32>, vector<256x256xf32>, vector<512x256xf32> -> vector<512x256xf32>
    %convert_element_type3A_92 = arith.truncf %dot_general3A_91 : vector<512x256xf32> to vector<512x256xbf16>
    %dot_general3A_93 = arith.constant dense<0.000000e+00> : vector<1024x256xf32>
    %dot_general3A_94 = tpu.matmul %convert_element_type3A_11, %convert_element_type3A_92, %dot_general3A_93 {dimension_numbers = #tpu.dot_dimension_numbers<[1], [0], [0], [1], [0, 0, 1, 1], [], []>, transpose_lhs_hint = false} : vector<1024x512xbf16>, vector<512x256xbf16>, vector<1024x256xf32> -> vector<1024x256xf32>
    %get3A_95 = arith.constant 0 : index
    %get3A_96 = arith.constant 0 : index
    %get3A_97 = vector.load %arg13[%get3A_95, %get3A_96] : memref<256x256xf32, #tpu.memory_space<vmem>>, vector<256x256xf32>
    %convert_element_type3A_98 = arith.truncf %get3A_97 : vector<256x256xf32> to vector<256x256xbf16>
    %dot_general3A_99 = arith.constant dense<0.000000e+00> : vector<1024x256xf32>
    %dot_general3A_100 = tpu.matmul %convert_element_type3A_33, %convert_element_type3A_98, %dot_general3A_99 {dimension_numbers = #tpu.dot_dimension_numbers<[1], [0], [0], [1], [0, 0, 1, 1], [], []>, transpose_lhs_hint = false} : vector<1024x256xbf16>, vector<256x256xbf16>, vector<1024x256xf32> -> vector<1024x256xf32>
    %add3A_101 = arith.addf %dot_general3A_94, %dot_general3A_100 : vector<1024x256xf32>
    %get3A_102 = arith.constant 0 : index
    %get3A_103 = arith.constant 0 : index
    %get3A_104 = vector.load %arg14[%get3A_102, %get3A_103] : memref<256x256xf32, #tpu.memory_space<vmem>>, vector<256x256xf32>
    %dot_general3A_105 = arith.constant dense<0.000000e+00> : vector<512x256xf32>
    %dot_general3A_106 = tpu.matmul %max3A_86, %get3A_104, %dot_general3A_105 {dimension_numbers = #tpu.dot_dimension_numbers<[1], [0], [0], [1], [0, 0, 1, 1], [], []>, transpose_lhs_hint = false} : vector<512x256xf32>, vector<256x256xf32>, vector<512x256xf32> -> vector<512x256xf32>
    %convert_element_type3A_107 = arith.truncf %dot_general3A_106 : vector<512x256xf32> to vector<512x256xbf16>
    %dot_general3A_108 = arith.constant dense<0.000000e+00> : vector<1024x256xf32>
    %dot_general3A_109 = tpu.matmul %convert_element_type3A_17, %convert_element_type3A_107, %dot_general3A_108 {dimension_numbers = #tpu.dot_dimension_numbers<[1], [0], [0], [1], [0, 0, 1, 1], [], []>, transpose_lhs_hint = false} : vector<1024x512xbf16>, vector<512x256xbf16>, vector<1024x256xf32> -> vector<1024x256xf32>
    %add3A_110 = arith.addf %add3A_101, %dot_general3A_109 : vector<1024x256xf32>
    %swap3A = arith.constant 0 : index
    %swap3A_111 = arith.constant 0 : index
    %swap3A_112 = arith.constant 0 : index
    %swap3A_113 = vector.load %arg16[%swap3A, %swap3A_111, %swap3A_112] : memref<2x1024x256xf32, #tpu.memory_space<vmem>>, vector<1x1024x256xf32>
    %swap3A_114 = vector.shape_cast %swap3A_113 : vector<1x1024x256xf32> to vector<1024x256xf32>
    %swap3A_115 = vector.shape_cast %add3A_110 : vector<1024x256xf32> to vector<1x1024x256xf32>
    tpu.vector_store %arg16[%swap3A, %swap3A_111, %swap3A_112], %swap3A_115 {strides = array<i32>} : memref<2x1024x256xf32, #tpu.memory_space<vmem>>, vector<1x1024x256xf32>,
    %reduce_sum3A_116 = arith.constant dense<0.000000e+00> : vector<256xf32>
    %reduce_sum3A_117 = vector.multi_reduction <add>, %add3A_110, %reduce_sum3A_116 [0] : vector<1024x256xf32> to vector<256xf32>
    %broadcast_in_dim3A_118 = vector.shape_cast %reduce_sum3A_117 : vector<256xf32> to vector<1x256xf32>
    %get3A_119 = arith.constant 0 : index
    %get3A_120 = arith.constant 0 : index
    %get3A_121 = vector.load %arg15[%get3A_119, %get3A_120] : memref<256x256xf32, #tpu.memory_space<vmem>>, vector<256x256xf32>
    %dot_general3A_122 = arith.constant dense<0.000000e+00> : vector<1x256xf32>
    %dot_general3A_123 = tpu.matmul %broadcast_in_dim3A_118, %get3A_121, %dot_general3A_122 {dimension_numbers = #tpu.dot_dimension_numbers<[1], [0], [0], [1], [0, 0, 1, 1], [], []>, transpose_lhs_hint = false} : vector<1x256xf32>, vector<256x256xf32>, vector<1x256xf32> -> vector<1x256xf32>
    %swap3A_124 = arith.constant 0 : index
    %swap3A_125 = arith.constant 0 : index
    %swap3A_126 = arith.constant 0 : index
    %swap3A_127 = vector.load %arg17[%swap3A_124, %swap3A_125, %swap3A_126] : memref<2x1x256xf32, #tpu.memory_space<vmem>>, vector<1x1x256xf32>
    %swap3A_128 = vector.shape_cast %swap3A_127 : vector<1x1x256xf32> to vector<1x256xf32>
    %swap3A_129 = vector.shape_cast %dot_general3A_123 : vector<1x256xf32> to vector<1x1x256xf32>
    tpu.vector_store %arg17[%swap3A_124, %swap3A_125, %swap3A_126], %swap3A_129 {strides = array<i32>} : memref<2x1x256xf32, #tpu.memory_space<vmem>>, vector<1x1x256xf32>,
    %get3A_130 = arith.constant 1 : index
    %get3A_131 = arith.constant 0 : index
    %get3A_132 = arith.constant 0 : index
    %get3A_133 = vector.load %arg3[%get3A_130, %get3A_131, %get3A_132] : memref<2x1x1024xi32, #tpu.memory_space<vmem>>, vector<1x1x1024xi32>
    %get3A_134 = vector.shape_cast %get3A_133 : vector<1x1x1024xi32> to vector<1024xi32>
    %get3A_135 = arith.constant 1 : index
    %get3A_136 = arith.constant 0 : index
    %get3A_137 = arith.constant 0 : index
    %get3A_138 = vector.load %arg4[%get3A_135, %get3A_136, %get3A_137] : memref<2x1x1024xi32, #tpu.memory_space<vmem>>, vector<1x1x1024xi32>
    %get3A_139 = vector.shape_cast %get3A_138 : vector<1x1x1024xi32> to vector<1024xi32>
    %iota3A_140 = tpu.iota {dimensions = array<i32: 1>} : vector<1024x512xi32>
    %broadcast_in_dim3A_141 = vector.shape_cast %get3A_134 : vector<1024xi32> to vector<1024x1xi32>
    %eq3A_142 = vector.broadcast %broadcast_in_dim3A_141 : vector<1024x1xi32> to vector<1024x512xi32>
    %eq3A_143 = arith.cmpi eq, %iota3A_140, %eq3A_142 : vector<1024x512xi32>
    %convert_element_type3A_144 = arith.extui %eq3A_143 : vector<1024x512xi1> to vector<1024x512xi32>
    %convert_element_type3A_145 = arith.sitofp %convert_element_type3A_144 : vector<1024x512xi32> to vector<1024x512xf32>
    %convert_element_type3A_146 = arith.truncf %convert_element_type3A_145 : vector<1024x512xf32> to vector<1024x512xbf16>
    %broadcast_in_dim3A_147 = vector.shape_cast %get3A_139 : vector<1024xi32> to vector<1024x1xi32>
    %eq3A_148 = vector.broadcast %broadcast_in_dim3A_147 : vector<1024x1xi32> to vector<1024x512xi32>
    %eq3A_149 = arith.cmpi eq, %iota3A_140, %eq3A_148 : vector<1024x512xi32>
    %convert_element_type3A_150 = arith.extui %eq3A_149 : vector<1024x512xi1> to vector<1024x512xi32>
    %convert_element_type3A_151 = arith.sitofp %convert_element_type3A_150 : vector<1024x512xi32> to vector<1024x512xf32>
    %convert_element_type3A_152 = arith.truncf %convert_element_type3A_151 : vector<1024x512xf32> to vector<1024x512xbf16>
    %get3A_153 = arith.constant 1 : index
    %get3A_154 = arith.constant 0 : index
    %get3A_155 = arith.constant 0 : index
    %get3A_156 = vector.load %arg5[%get3A_153, %get3A_154, %get3A_155] : memref<2x512x512xbf16, #tpu.memory_space<vmem>>, vector<1x512x512xbf16>
    %get3A_157 = vector.shape_cast %get3A_156 : vector<1x512x512xbf16> to vector<512x512xbf16>
    %get3A_158 = arith.constant 1 : index
    %get3A_159 = arith.constant 0 : index
    %get3A_160 = arith.constant 0 : index
    %get3A_161 = vector.load %arg6[%get3A_158, %get3A_159, %get3A_160] : memref<2x512x1024xbf16, #tpu.memory_space<vmem>>, vector<1x512x1024xbf16>
    %get3A_162 = vector.shape_cast %get3A_161 : vector<1x512x1024xbf16> to vector<512x1024xbf16>
    %get3A_163 = arith.constant 1 : index
    %get3A_164 = arith.constant 0 : index
    %get3A_165 = arith.constant 0 : index
    %get3A_166 = vector.load %arg2[%get3A_163, %get3A_164, %get3A_165] : memref<2x1024x256xf32, #tpu.memory_space<vmem>>, vector<1x1024x256xf32>
    %get3A_167 = vector.shape_cast %get3A_166 : vector<1x1024x256xf32> to vector<1024x256xf32>
    %convert_element_type3A_168 = arith.truncf %get3A_167 : vector<1024x256xf32> to vector<1024x256xbf16>
    %convert_element_type3A_169 = arith.extf %get3A_157 : vector<512x512xbf16> to vector<512x512xf32>
    %reduce_sum3A_170 = arith.constant dense<0.000000e+00> : vector<512xf32>
    %reduce_sum3A_171 = vector.multi_reduction <add>, %convert_element_type3A_169, %reduce_sum3A_170 [1] : vector<512x512xf32> to vector<512xf32>
    %max3A_172 = arith.constant 1.000000e+00 : f32
    %max3A_173 = vector.broadcast %max3A_172 : f32 to vector<512xf32>
    %max3A_174 = arith.maximumf %reduce_sum3A_171, %max3A_173 : vector<512xf32>
    %broadcast_in_dim3A_175 = vector.shape_cast %max3A_174 : vector<512xf32> to vector<512x1xf32>
    %get3A_176 = arith.constant 1 : index
    %get3A_177 = arith.constant 0 : index
    %get3A_178 = arith.constant 0 : index
    %get3A_179 = vector.load %arg1[%get3A_176, %get3A_177, %get3A_178] : memref<2x512x256xf32, #tpu.memory_space<vmem>>, vector<1x512x256xf32>
    %get3A_180 = vector.shape_cast %get3A_179 : vector<1x512x256xf32> to vector<512x256xf32>
    %dot_general3A_181 = arith.constant dense<0.000000e+00> : vector<512x256xf32>
    %dot_general3A_182 = tpu.matmul %get3A_162, %convert_element_type3A_168, %dot_general3A_181 {dimension_numbers = #tpu.dot_dimension_numbers<[1], [0], [0], [1], [0, 0, 1, 1], [], []>, transpose_lhs_hint = false} : vector<512x1024xbf16>, vector<1024x256xbf16>, vector<512x256xf32> -> vector<512x256xf32>
    %convert_element_type3A_183 = arith.truncf %get3A_180 : vector<512x256xf32> to vector<512x256xbf16>
    %dot_general3A_184 = arith.constant dense<0.000000e+00> : vector<512x256xf32>
    %dot_general3A_185 = tpu.matmul %get3A_157, %convert_element_type3A_183, %dot_general3A_184 {dimension_numbers = #tpu.dot_dimension_numbers<[1], [0], [0], [1], [0, 0, 1, 1], [], []>, transpose_lhs_hint = false} : vector<512x512xbf16>, vector<512x256xbf16>, vector<512x256xf32> -> vector<512x256xf32>
    %sub3A_186 = arith.subf %dot_general3A_185, %dot_general3A_182 : vector<512x256xf32>
    %get3A_187 = arith.constant 0 : index
    %get3A_188 = arith.constant 0 : index
    %get3A_189 = vector.load %arg7[%get3A_187, %get3A_188] : memref<256x256xf32, #tpu.memory_space<vmem>>, vector<256x256xf32>
    %dot_general3A_190 = arith.constant dense<0.000000e+00> : vector<512x256xf32>
    %dot_general3A_191 = tpu.matmul %get3A_180, %get3A_189, %dot_general3A_190 {dimension_numbers = #tpu.dot_dimension_numbers<[1], [0], [0], [1], [0, 0, 1, 1], [], []>, transpose_lhs_hint = false} : vector<512x256xf32>, vector<256x256xf32>, vector<512x256xf32> -> vector<512x256xf32>
    %get3A_192 = arith.constant 0 : index
    %get3A_193 = arith.constant 0 : index
    %get3A_194 = vector.load %arg8[%get3A_192, %get3A_193] : memref<256x256xf32, #tpu.memory_space<vmem>>, vector<256x256xf32>
    %dot_general3A_195 = arith.constant dense<0.000000e+00> : vector<512x256xf32>
    %dot_general3A_196 = tpu.matmul %sub3A_186, %get3A_194, %dot_general3A_195 {dimension_numbers = #tpu.dot_dimension_numbers<[1], [0], [0], [1], [0, 0, 1, 1], [], []>, transpose_lhs_hint = false} : vector<512x256xf32>, vector<256x256xf32>, vector<512x256xf32> -> vector<512x256xf32>
    %div3A_197 = vector.broadcast %broadcast_in_dim3A_175 : vector<512x1xf32> to vector<512x256xf32>
    %div3A_198 = arith.divf %dot_general3A_196, %div3A_197 : vector<512x256xf32>
    %add3A_199 = arith.addf %dot_general3A_191, %div3A_198 : vector<512x256xf32>
    %max3A_200 = arith.constant 0.000000e+00 : f32
    %max3A_201 = vector.broadcast %max3A_200 : f32 to vector<512x256xf32>
    %max3A_202 = arith.maximumf %add3A_199, %max3A_201 : vector<512x256xf32>
    %get3A_203 = arith.constant 0 : index
    %get3A_204 = arith.constant 0 : index
    %get3A_205 = vector.load %arg11[%get3A_203, %get3A_204] : memref<256x256xf32, #tpu.memory_space<vmem>>, vector<256x256xf32>
    %dot_general3A_206 = arith.constant dense<0.000000e+00> : vector<512x256xf32>
    %dot_general3A_207 = tpu.matmul %dot_general3A_182, %get3A_205, %dot_general3A_206 {dimension_numbers = #tpu.dot_dimension_numbers<[1], [0], [0], [1], [0, 0, 1, 1], [], []>, transpose_lhs_hint = false} : vector<512x256xf32>, vector<256x256xf32>, vector<512x256xf32> -> vector<512x256xf32>
    %convert_element_type3A_208 = arith.truncf %max3A_202 : vector<512x256xf32> to vector<512x256xbf16>
    %dot_general3A_209 = arith.constant dense<0.000000e+00> : vector<512x256xf32>
    %dot_general3A_210 = tpu.matmul %get3A_157, %convert_element_type3A_208, %dot_general3A_209 {dimension_numbers = #tpu.dot_dimension_numbers<[1], [0], [0], [1], [0, 0, 1, 1], [], []>, transpose_lhs_hint = false} : vector<512x512xbf16>, vector<512x256xbf16>, vector<512x256xf32> -> vector<512x256xf32>
    %sub3A_211 = arith.subf %dot_general3A_210, %dot_general3A_207 : vector<512x256xf32>
    %get3A_212 = arith.constant 0 : index
    %get3A_213 = arith.constant 0 : index
    %get3A_214 = vector.load %arg9[%get3A_212, %get3A_213] : memref<256x256xf32, #tpu.memory_space<vmem>>, vector<256x256xf32>
    %dot_general3A_215 = arith.constant dense<0.000000e+00> : vector<512x256xf32>
    %dot_general3A_216 = tpu.matmul %max3A_202, %get3A_214, %dot_general3A_215 {dimension_numbers = #tpu.dot_dimension_numbers<[1], [0], [0], [1], [0, 0, 1, 1], [], []>, transpose_lhs_hint = false} : vector<512x256xf32>, vector<256x256xf32>, vector<512x256xf32> -> vector<512x256xf32>
    %get3A_217 = arith.constant 0 : index
    %get3A_218 = arith.constant 0 : index
    %get3A_219 = vector.load %arg10[%get3A_217, %get3A_218] : memref<256x256xf32, #tpu.memory_space<vmem>>, vector<256x256xf32>
    %dot_general3A_220 = arith.constant dense<0.000000e+00> : vector<512x256xf32>
    %dot_general3A_221 = tpu.matmul %sub3A_211, %get3A_219, %dot_general3A_220 {dimension_numbers = #tpu.dot_dimension_numbers<[1], [0], [0], [1], [0, 0, 1, 1], [], []>, transpose_lhs_hint = false} : vector<512x256xf32>, vector<256x256xf32>, vector<512x256xf32> -> vector<512x256xf32>
    %div3A_222 = vector.broadcast %broadcast_in_dim3A_175 : vector<512x1xf32> to vector<512x256xf32>
    %div3A_223 = arith.divf %dot_general3A_221, %div3A_222 : vector<512x256xf32>
    %add3A_224 = arith.addf %dot_general3A_216, %div3A_223 : vector<512x256xf32>
    %max3A_225 = arith.constant 0.000000e+00 : f32
    %max3A_226 = vector.broadcast %max3A_225 : f32 to vector<512x256xf32>
    %max3A_227 = arith.maximumf %add3A_224, %max3A_226 : vector<512x256xf32>
    %get3A_228 = arith.constant 0 : index
    %get3A_229 = arith.constant 0 : index
    %get3A_230 = vector.load %arg12[%get3A_228, %get3A_229] : memref<256x256xf32, #tpu.memory_space<vmem>>, vector<256x256xf32>
    %dot_general3A_231 = arith.constant dense<0.000000e+00> : vector<512x256xf32>
    %dot_general3A_232 = tpu.matmul %max3A_227, %get3A_230, %dot_general3A_231 {dimension_numbers = #tpu.dot_dimension_numbers<[1], [0], [0], [1], [0, 0, 1, 1], [], []>, transpose_lhs_hint = false} : vector<512x256xf32>, vector<256x256xf32>, vector<512x256xf32> -> vector<512x256xf32>
    %convert_element_type3A_233 = arith.truncf %dot_general3A_232 : vector<512x256xf32> to vector<512x256xbf16>
    %dot_general3A_234 = arith.constant dense<0.000000e+00> : vector<1024x256xf32>
    %dot_general3A_235 = tpu.matmul %convert_element_type3A_146, %convert_element_type3A_233, %dot_general3A_234 {dimension_numbers = #tpu.dot_dimension_numbers<[1], [0], [0], [1], [0, 0, 1, 1], [], []>, transpose_lhs_hint = false} : vector<1024x512xbf16>, vector<512x256xbf16>, vector<1024x256xf32> -> vector<1024x256xf32>
    %get3A_236 = arith.constant 0 : index
    %get3A_237 = arith.constant 0 : index
    %get3A_238 = vector.load %arg13[%get3A_236, %get3A_237] : memref<256x256xf32, #tpu.memory_space<vmem>>, vector<256x256xf32>
    %convert_element_type3A_239 = arith.truncf %get3A_238 : vector<256x256xf32> to vector<256x256xbf16>
    %dot_general3A_240 = arith.constant dense<0.000000e+00> : vector<1024x256xf32>
    %dot_general3A_241 = tpu.matmul %convert_element_type3A_168, %convert_element_type3A_239, %dot_general3A_240 {dimension_numbers = #tpu.dot_dimension_numbers<[1], [0], [0], [1], [0, 0, 1, 1], [], []>, transpose_lhs_hint = false} : vector<1024x256xbf16>, vector<256x256xbf16>, vector<1024x256xf32> -> vector<1024x256xf32>
    %add3A_242 = arith.addf %dot_general3A_235, %dot_general3A_241 : vector<1024x256xf32>
    %get3A_243 = arith.constant 0 : index
    %get3A_244 = arith.constant 0 : index
    %get3A_245 = vector.load %arg14[%get3A_243, %get3A_244] : memref<256x256xf32, #tpu.memory_space<vmem>>, vector<256x256xf32>
    %dot_general3A_246 = arith.constant dense<0.000000e+00> : vector<512x256xf32>
    %dot_general3A_247 = tpu.matmul %max3A_227, %get3A_245, %dot_general3A_246 {dimension_numbers = #tpu.dot_dimension_numbers<[1], [0], [0], [1], [0, 0, 1, 1], [], []>, transpose_lhs_hint = false} : vector<512x256xf32>, vector<256x256xf32>, vector<512x256xf32> -> vector<512x256xf32>
    %convert_element_type3A_248 = arith.truncf %dot_general3A_247 : vector<512x256xf32> to vector<512x256xbf16>
    %dot_general3A_249 = arith.constant dense<0.000000e+00> : vector<1024x256xf32>
    %dot_general3A_250 = tpu.matmul %convert_element_type3A_152, %convert_element_type3A_248, %dot_general3A_249 {dimension_numbers = #tpu.dot_dimension_numbers<[1], [0], [0], [1], [0, 0, 1, 1], [], []>, transpose_lhs_hint = false} : vector<1024x512xbf16>, vector<512x256xbf16>, vector<1024x256xf32> -> vector<1024x256xf32>
    %add3A_251 = arith.addf %add3A_242, %dot_general3A_250 : vector<1024x256xf32>
    %swap3A_252 = arith.constant 1 : index
    %swap3A_253 = arith.constant 0 : index
    %swap3A_254 = arith.constant 0 : index
    %swap3A_255 = vector.load %arg16[%swap3A_252, %swap3A_253, %swap3A_254] : memref<2x1024x256xf32, #tpu.memory_space<vmem>>, vector<1x1024x256xf32>
    %swap3A_256 = vector.shape_cast %swap3A_255 : vector<1x1024x256xf32> to vector<1024x256xf32>
    %swap3A_257 = vector.shape_cast %add3A_251 : vector<1024x256xf32> to vector<1x1024x256xf32>
    tpu.vector_store %arg16[%swap3A_252, %swap3A_253, %swap3A_254], %swap3A_257 {strides = array<i32>} : memref<2x1024x256xf32, #tpu.memory_space<vmem>>, vector<1x1024x256xf32>,
    %reduce_sum3A_258 = arith.constant dense<0.000000e+00> : vector<256xf32>
    %reduce_sum3A_259 = vector.multi_reduction <add>, %add3A_251, %reduce_sum3A_258 [0] : vector<1024x256xf32> to vector<256xf32>
    %broadcast_in_dim3A_260 = vector.shape_cast %reduce_sum3A_259 : vector<256xf32> to vector<1x256xf32>
    %get3A_261 = arith.constant 0 : index
    %get3A_262 = arith.constant 0 : index
    %get3A_263 = vector.load %arg15[%get3A_261, %get3A_262] : memref<256x256xf32, #tpu.memory_space<vmem>>, vector<256x256xf32>
    %dot_general3A_264 = arith.constant dense<0.000000e+00> : vector<1x256xf32>
    %dot_general3A_265 = tpu.matmul %broadcast_in_dim3A_260, %get3A_263, %dot_general3A_264 {dimension_numbers = #tpu.dot_dimension_numbers<[1], [0], [0], [1], [0, 0, 1, 1], [], []>, transpose_lhs_hint = false} : vector<1x256xf32>, vector<256x256xf32>, vector<1x256xf32> -> vector<1x256xf32>
    %swap3A_266 = arith.constant 1 : index
    %swap3A_267 = arith.constant 0 : index
    %swap3A_268 = arith.constant 0 : index
    %swap3A_269 = vector.load %arg17[%swap3A_266, %swap3A_267, %swap3A_268] : memref<2x1x256xf32, #tpu.memory_space<vmem>>, vector<1x1x256xf32>
    %swap3A_270 = vector.shape_cast %swap3A_269 : vector<1x1x256xf32> to vector<1x256xf32>
    %swap3A_271 = vector.shape_cast %dot_general3A_265 : vector<1x256xf32> to vector<1x1x256xf32>
    tpu.vector_store %arg17[%swap3A_266, %swap3A_267, %swap3A_268], %swap3A_271 {strides = array<i32>} : memref<2x1x256xf32, #tpu.memory_space<vmem>>, vector<1x1x256xf32>,
    return
  }
  func.func @transform_0(%arg0: i32) -> (i32, i32, i32) {
    %c0_i32 = arith.constant 0 : i32
    %c0_i32_0 = arith.constant 0 : i32
    %c0_i32_1 = arith.constant 0 : i32
    return %arg0, %c0_i32, %c0_i32_0 : i32, i32, i32
  }
  func.func @transform_1(%arg0: i32) -> (i32, i32, i32) {
    %c0_i32 = arith.constant 0 : i32
    %c0_i32_0 = arith.constant 0 : i32
    %c0_i32_1 = arith.constant 0 : i32
    return %arg0, %c0_i32, %c0_i32_0 : i32, i32, i32
  }
  func.func @transform_2(%arg0: i32) -> (i32, i32, i32) {
    %c0_i32 = arith.constant 0 : i32
    %c0_i32_0 = arith.constant 0 : i32
    %c0_i32_1 = arith.constant 0 : i32
    return %arg0, %c0_i32, %c0_i32_0 : i32, i32, i32
  }
  func.func @transform_3(%arg0: i32) -> (i32, i32, i32) {
    %c0_i32 = arith.constant 0 : i32
    %c0_i32_0 = arith.constant 0 : i32
    %c0_i32_1 = arith.constant 0 : i32
    return %arg0, %c0_i32, %c0_i32_0 : i32, i32, i32
  }
  func.func @transform_4(%arg0: i32) -> (i32, i32, i32) {
    %c0_i32 = arith.constant 0 : i32
    %c0_i32_0 = arith.constant 0 : i32
    %c0_i32_1 = arith.constant 0 : i32
    return %arg0, %c0_i32, %c0_i32_0 : i32, i32, i32
  }
  func.func @transform_5(%arg0: i32) -> (i32, i32, i32) {
    %c0_i32 = arith.constant 0 : i32
    %c0_i32_0 = arith.constant 0 : i32
    %c0_i32_1 = arith.constant 0 : i32
    return %arg0, %c0_i32, %c0_i32_0 : i32, i32, i32
  }
  func.func @transform_6(%arg0: i32) -> (i32, i32) {
    %c0_i32 = arith.constant 0 : i32
    %c0_i32_0 = arith.constant 0 : i32
    %c0_i32_1 = arith.constant 0 : i32
    return %c0_i32, %c0_i32_0 : i32, i32
  }
  func.func @transform_7(%arg0: i32) -> (i32, i32) {
    %c0_i32 = arith.constant 0 : i32
    %c0_i32_0 = arith.constant 0 : i32
    %c0_i32_1 = arith.constant 0 : i32
    return %c0_i32, %c0_i32_0 : i32, i32
  }
  func.func @transform_8(%arg0: i32) -> (i32, i32) {
    %c0_i32 = arith.constant 0 : i32
    %c0_i32_0 = arith.constant 0 : i32
    %c0_i32_1 = arith.constant 0 : i32
    return %c0_i32, %c0_i32_0 : i32, i32
  }
  func.func @transform_9(%arg0: i32) -> (i32, i32) {
    %c0_i32 = arith.constant 0 : i32
    %c0_i32_0 = arith.constant 0 : i32
    %c0_i32_1 = arith.constant 0 : i32
    return %c0_i32, %c0_i32_0 : i32, i32
  }
  func.func @transform_10(%arg0: i32) -> (i32, i32) {
    %c0_i32 = arith.constant 0 : i32
    %c0_i32_0 = arith.constant 0 : i32
    %c0_i32_1 = arith.constant 0 : i32
    return %c0_i32, %c0_i32_0 : i32, i32
  }
  func.func @transform_11(%arg0: i32) -> (i32, i32) {
    %c0_i32 = arith.constant 0 : i32
    %c0_i32_0 = arith.constant 0 : i32
    %c0_i32_1 = arith.constant 0 : i32
    return %c0_i32, %c0_i32_0 : i32, i32
  }
  func.func @transform_12(%arg0: i32) -> (i32, i32) {
    %c0_i32 = arith.constant 0 : i32
    %c0_i32_0 = arith.constant 0 : i32
    %c0_i32_1 = arith.constant 0 : i32
    return %c0_i32, %c0_i32_0 : i32, i32
  }
  func.func @transform_13(%arg0: i32) -> (i32, i32) {
    %c0_i32 = arith.constant 0 : i32
    %c0_i32_0 = arith.constant 0 : i32
    %c0_i32_1 = arith.constant 0 : i32
    return %c0_i32, %c0_i32_0 : i32, i32
  }
  func.func @transform_14(%arg0: i32) -> (i32, i32) {
    %c0_i32 = arith.constant 0 : i32
    %c0_i32_0 = arith.constant 0 : i32
    %c0_i32_1 = arith.constant 0 : i32
    return %c0_i32, %c0_i32_0 : i32, i32
  }
  func.func @transform_15(%arg0: i32) -> (i32, i32, i32) {
    %c0_i32 = arith.constant 0 : i32
    %c0_i32_0 = arith.constant 0 : i32
    %c0_i32_1 = arith.constant 0 : i32
    return %arg0, %c0_i32, %c0_i32_0 : i32, i32, i32
  }
  func.func @transform_16(%arg0: i32) -> (i32, i32, i32) {
    %c0_i32 = arith.constant 0 : i32
    %c0_i32_0 = arith.constant 0 : i32
    %c0_i32_1 = arith.constant 0 : i32
    return %arg0, %c0_i32, %c0_i32_0 : i32, i32, i32
  }
}

module attributes {stable_mosaic.version = 14 : i64} {
  func.func @_gru_body(%arg0: memref<4x8x256xf32, #tpu.memory_space<vmem>>, %arg1: memref<256x768xf32, #tpu.memory_space<vmem>>, %arg2: memref<256x768xf32, #tpu.memory_space<vmem>>, %arg3: memref<1x768xf32, #tpu.memory_space<vmem>>, %arg4: memref<1x768xf32, #tpu.memory_space<vmem>>, %arg5: memref<256x768xf32, #tpu.memory_space<vmem>>, %arg6: memref<256x768xf32, #tpu.memory_space<vmem>>, %arg7: memref<1x768xf32, #tpu.memory_space<vmem>>, %arg8: memref<1x768xf32, #tpu.memory_space<vmem>>, %arg9: memref<256x256xf32, #tpu.memory_space<vmem>>, %arg10: memref<256x256xf32, #tpu.memory_space<vmem>>, %arg11: memref<8x256xf32, #tpu.memory_space<vmem>>) attributes {dimension_semantics = [], scalar_prefetch = 0 : i64, scratch_operands = 0 : i64, tpu.core_type = #tpu.core_type<tc>} {
    %broadcast_in_dim3A = arith.constant 0.000000e+00 : f32
    %broadcast_in_dim3A_0 = vector.broadcast %broadcast_in_dim3A : f32 to vector<8x256xf32>
    %get3A = arith.constant 0 : index
    %get3A_1 = arith.constant 0 : index
    %get3A_2 = arith.constant 0 : index
    %get3A_3 = vector.load %arg0[%get3A, %get3A_1, %get3A_2] : memref<4x8x256xf32, #tpu.memory_space<vmem>>, vector<1x8x256xf32>
    %get3A_4 = vector.shape_cast %get3A_3 : vector<1x8x256xf32> to vector<8x256xf32>
    %get3A_5 = arith.constant 0 : index
    %get3A_6 = arith.constant 0 : index
    %get3A_7 = vector.load %arg1[%get3A_5, %get3A_6] : memref<256x768xf32, #tpu.memory_space<vmem>>, vector<256x768xf32>
    %dot_general3A = arith.constant dense<0.000000e+00> : vector<8x768xf32>
    %dot_general3A_8 = tpu.matmul %get3A_4, %get3A_7, %dot_general3A {dimension_numbers = #tpu.dot_dimension_numbers<[1], [0], [0], [1], [0, 0, 1, 1], [], []>, transpose_lhs_hint = false} : vector<8x256xf32>, vector<256x768xf32>, vector<8x768xf32> -> vector<8x768xf32>
    %get3A_9 = arith.constant 0 : index
    %get3A_10 = arith.constant 0 : index
    %get3A_11 = vector.load %arg3[%get3A_9, %get3A_10] : memref<1x768xf32, #tpu.memory_space<vmem>>, vector<1x768xf32>
    %add3A = vector.broadcast %get3A_11 : vector<1x768xf32> to vector<8x768xf32>
    %add3A_12 = arith.addf %dot_general3A_8, %add3A : vector<8x768xf32>
    %get3A_13 = arith.constant 0 : index
    %get3A_14 = arith.constant 0 : index
    %get3A_15 = vector.load %arg2[%get3A_13, %get3A_14] : memref<256x768xf32, #tpu.memory_space<vmem>>, vector<256x768xf32>
    %dot_general3A_16 = arith.constant dense<0.000000e+00> : vector<8x768xf32>
    %dot_general3A_17 = tpu.matmul %broadcast_in_dim3A_0, %get3A_15, %dot_general3A_16 {dimension_numbers = #tpu.dot_dimension_numbers<[1], [0], [0], [1], [0, 0, 1, 1], [], []>, transpose_lhs_hint = false} : vector<8x256xf32>, vector<256x768xf32>, vector<8x768xf32> -> vector<8x768xf32>
    %get3A_18 = arith.constant 0 : index
    %get3A_19 = arith.constant 0 : index
    %get3A_20 = vector.load %arg4[%get3A_18, %get3A_19] : memref<1x768xf32, #tpu.memory_space<vmem>>, vector<1x768xf32>
    %add3A_21 = vector.broadcast %get3A_20 : vector<1x768xf32> to vector<8x768xf32>
    %add3A_22 = arith.addf %dot_general3A_17, %add3A_21 : vector<8x768xf32>
    %slice3A = vector.extract_strided_slice %add3A_12 {offsets = [0, 0], sizes = [8, 256], strides = [1, 1]} : vector<8x768xf32> to vector<8x256xf32>
    %slice3A_23 = vector.extract_strided_slice %add3A_22 {offsets = [0, 0], sizes = [8, 256], strides = [1, 1]} : vector<8x768xf32> to vector<8x256xf32>
    %add3A_24 = arith.addf %slice3A, %slice3A_23 : vector<8x256xf32>
    %logistic3A = arith.negf %add3A_24 : vector<8x256xf32>
    %logistic3A_25 = math.exp %logistic3A : vector<8x256xf32>
    %logistic3A_26 = arith.constant 1.000000e+00 : f32
    %logistic3A_27 = vector.broadcast %logistic3A_26 : f32 to vector<8x256xf32>
    %logistic3A_28 = arith.addf %logistic3A_27, %logistic3A_25 : vector<8x256xf32>
    %logistic3A_29 = arith.divf %logistic3A_27, %logistic3A_28 : vector<8x256xf32>
    %slice3A_30 = vector.extract_strided_slice %add3A_12 {offsets = [0, 256], sizes = [8, 256], strides = [1, 1]} : vector<8x768xf32> to vector<8x256xf32>
    %slice3A_31 = vector.extract_strided_slice %add3A_22 {offsets = [0, 256], sizes = [8, 256], strides = [1, 1]} : vector<8x768xf32> to vector<8x256xf32>
    %add3A_32 = arith.addf %slice3A_30, %slice3A_31 : vector<8x256xf32>
    %logistic3A_33 = arith.negf %add3A_32 : vector<8x256xf32>
    %logistic3A_34 = math.exp %logistic3A_33 : vector<8x256xf32>
    %logistic3A_35 = arith.constant 1.000000e+00 : f32
    %logistic3A_36 = vector.broadcast %logistic3A_35 : f32 to vector<8x256xf32>
    %logistic3A_37 = arith.addf %logistic3A_36, %logistic3A_34 : vector<8x256xf32>
    %logistic3A_38 = arith.divf %logistic3A_36, %logistic3A_37 : vector<8x256xf32>
    %slice3A_39 = vector.extract_strided_slice %add3A_12 {offsets = [0, 512], sizes = [8, 256], strides = [1, 1]} : vector<8x768xf32> to vector<8x256xf32>
    %slice3A_40 = vector.extract_strided_slice %add3A_22 {offsets = [0, 512], sizes = [8, 256], strides = [1, 1]} : vector<8x768xf32> to vector<8x256xf32>
    %mul3A = arith.mulf %logistic3A_29, %slice3A_40 : vector<8x256xf32>
    %add3A_41 = arith.addf %slice3A_39, %mul3A : vector<8x256xf32>
    %tanh3A = math.tanh %add3A_41 : vector<8x256xf32>
    %sub3A = arith.constant 1.000000e+00 : f32
    %sub3A_42 = vector.broadcast %sub3A : f32 to vector<8x256xf32>
    %sub3A_43 = arith.subf %sub3A_42, %logistic3A_38 : vector<8x256xf32>
    %mul3A_44 = arith.mulf %sub3A_43, %tanh3A : vector<8x256xf32>
    %mul3A_45 = arith.mulf %logistic3A_38, %broadcast_in_dim3A_0 : vector<8x256xf32>
    %add3A_46 = arith.addf %mul3A_44, %mul3A_45 : vector<8x256xf32>
    %get3A_47 = arith.constant 1 : index
    %get3A_48 = arith.constant 0 : index
    %get3A_49 = arith.constant 0 : index
    %get3A_50 = vector.load %arg0[%get3A_47, %get3A_48, %get3A_49] : memref<4x8x256xf32, #tpu.memory_space<vmem>>, vector<1x8x256xf32>
    %get3A_51 = vector.shape_cast %get3A_50 : vector<1x8x256xf32> to vector<8x256xf32>
    %get3A_52 = arith.constant 0 : index
    %get3A_53 = arith.constant 0 : index
    %get3A_54 = vector.load %arg1[%get3A_52, %get3A_53] : memref<256x768xf32, #tpu.memory_space<vmem>>, vector<256x768xf32>
    %dot_general3A_55 = arith.constant dense<0.000000e+00> : vector<8x768xf32>
    %dot_general3A_56 = tpu.matmul %get3A_51, %get3A_54, %dot_general3A_55 {dimension_numbers = #tpu.dot_dimension_numbers<[1], [0], [0], [1], [0, 0, 1, 1], [], []>, transpose_lhs_hint = false} : vector<8x256xf32>, vector<256x768xf32>, vector<8x768xf32> -> vector<8x768xf32>
    %get3A_57 = arith.constant 0 : index
    %get3A_58 = arith.constant 0 : index
    %get3A_59 = vector.load %arg3[%get3A_57, %get3A_58] : memref<1x768xf32, #tpu.memory_space<vmem>>, vector<1x768xf32>
    %add3A_60 = vector.broadcast %get3A_59 : vector<1x768xf32> to vector<8x768xf32>
    %add3A_61 = arith.addf %dot_general3A_56, %add3A_60 : vector<8x768xf32>
    %get3A_62 = arith.constant 0 : index
    %get3A_63 = arith.constant 0 : index
    %get3A_64 = vector.load %arg2[%get3A_62, %get3A_63] : memref<256x768xf32, #tpu.memory_space<vmem>>, vector<256x768xf32>
    %dot_general3A_65 = arith.constant dense<0.000000e+00> : vector<8x768xf32>
    %dot_general3A_66 = tpu.matmul %add3A_46, %get3A_64, %dot_general3A_65 {dimension_numbers = #tpu.dot_dimension_numbers<[1], [0], [0], [1], [0, 0, 1, 1], [], []>, transpose_lhs_hint = false} : vector<8x256xf32>, vector<256x768xf32>, vector<8x768xf32> -> vector<8x768xf32>
    %get3A_67 = arith.constant 0 : index
    %get3A_68 = arith.constant 0 : index
    %get3A_69 = vector.load %arg4[%get3A_67, %get3A_68] : memref<1x768xf32, #tpu.memory_space<vmem>>, vector<1x768xf32>
    %add3A_70 = vector.broadcast %get3A_69 : vector<1x768xf32> to vector<8x768xf32>
    %add3A_71 = arith.addf %dot_general3A_66, %add3A_70 : vector<8x768xf32>
    %slice3A_72 = vector.extract_strided_slice %add3A_61 {offsets = [0, 0], sizes = [8, 256], strides = [1, 1]} : vector<8x768xf32> to vector<8x256xf32>
    %slice3A_73 = vector.extract_strided_slice %add3A_71 {offsets = [0, 0], sizes = [8, 256], strides = [1, 1]} : vector<8x768xf32> to vector<8x256xf32>
    %add3A_74 = arith.addf %slice3A_72, %slice3A_73 : vector<8x256xf32>
    %logistic3A_75 = arith.negf %add3A_74 : vector<8x256xf32>
    %logistic3A_76 = math.exp %logistic3A_75 : vector<8x256xf32>
    %logistic3A_77 = arith.constant 1.000000e+00 : f32
    %logistic3A_78 = vector.broadcast %logistic3A_77 : f32 to vector<8x256xf32>
    %logistic3A_79 = arith.addf %logistic3A_78, %logistic3A_76 : vector<8x256xf32>
    %logistic3A_80 = arith.divf %logistic3A_78, %logistic3A_79 : vector<8x256xf32>
    %slice3A_81 = vector.extract_strided_slice %add3A_61 {offsets = [0, 256], sizes = [8, 256], strides = [1, 1]} : vector<8x768xf32> to vector<8x256xf32>
    %slice3A_82 = vector.extract_strided_slice %add3A_71 {offsets = [0, 256], sizes = [8, 256], strides = [1, 1]} : vector<8x768xf32> to vector<8x256xf32>
    %add3A_83 = arith.addf %slice3A_81, %slice3A_82 : vector<8x256xf32>
    %logistic3A_84 = arith.negf %add3A_83 : vector<8x256xf32>
    %logistic3A_85 = math.exp %logistic3A_84 : vector<8x256xf32>
    %logistic3A_86 = arith.constant 1.000000e+00 : f32
    %logistic3A_87 = vector.broadcast %logistic3A_86 : f32 to vector<8x256xf32>
    %logistic3A_88 = arith.addf %logistic3A_87, %logistic3A_85 : vector<8x256xf32>
    %logistic3A_89 = arith.divf %logistic3A_87, %logistic3A_88 : vector<8x256xf32>
    %slice3A_90 = vector.extract_strided_slice %add3A_61 {offsets = [0, 512], sizes = [8, 256], strides = [1, 1]} : vector<8x768xf32> to vector<8x256xf32>
    %slice3A_91 = vector.extract_strided_slice %add3A_71 {offsets = [0, 512], sizes = [8, 256], strides = [1, 1]} : vector<8x768xf32> to vector<8x256xf32>
    %mul3A_92 = arith.mulf %logistic3A_80, %slice3A_91 : vector<8x256xf32>
    %add3A_93 = arith.addf %slice3A_90, %mul3A_92 : vector<8x256xf32>
    %tanh3A_94 = math.tanh %add3A_93 : vector<8x256xf32>
    %sub3A_95 = arith.constant 1.000000e+00 : f32
    %sub3A_96 = vector.broadcast %sub3A_95 : f32 to vector<8x256xf32>
    %sub3A_97 = arith.subf %sub3A_96, %logistic3A_89 : vector<8x256xf32>
    %mul3A_98 = arith.mulf %sub3A_97, %tanh3A_94 : vector<8x256xf32>
    %mul3A_99 = arith.mulf %logistic3A_89, %add3A_46 : vector<8x256xf32>
    %add3A_100 = arith.addf %mul3A_98, %mul3A_99 : vector<8x256xf32>
    %get3A_101 = arith.constant 2 : index
    %get3A_102 = arith.constant 0 : index
    %get3A_103 = arith.constant 0 : index
    %get3A_104 = vector.load %arg0[%get3A_101, %get3A_102, %get3A_103] : memref<4x8x256xf32, #tpu.memory_space<vmem>>, vector<1x8x256xf32>
    %get3A_105 = vector.shape_cast %get3A_104 : vector<1x8x256xf32> to vector<8x256xf32>
    %get3A_106 = arith.constant 0 : index
    %get3A_107 = arith.constant 0 : index
    %get3A_108 = vector.load %arg1[%get3A_106, %get3A_107] : memref<256x768xf32, #tpu.memory_space<vmem>>, vector<256x768xf32>
    %dot_general3A_109 = arith.constant dense<0.000000e+00> : vector<8x768xf32>
    %dot_general3A_110 = tpu.matmul %get3A_105, %get3A_108, %dot_general3A_109 {dimension_numbers = #tpu.dot_dimension_numbers<[1], [0], [0], [1], [0, 0, 1, 1], [], []>, transpose_lhs_hint = false} : vector<8x256xf32>, vector<256x768xf32>, vector<8x768xf32> -> vector<8x768xf32>
    %get3A_111 = arith.constant 0 : index
    %get3A_112 = arith.constant 0 : index
    %get3A_113 = vector.load %arg3[%get3A_111, %get3A_112] : memref<1x768xf32, #tpu.memory_space<vmem>>, vector<1x768xf32>
    %add3A_114 = vector.broadcast %get3A_113 : vector<1x768xf32> to vector<8x768xf32>
    %add3A_115 = arith.addf %dot_general3A_110, %add3A_114 : vector<8x768xf32>
    %get3A_116 = arith.constant 0 : index
    %get3A_117 = arith.constant 0 : index
    %get3A_118 = vector.load %arg2[%get3A_116, %get3A_117] : memref<256x768xf32, #tpu.memory_space<vmem>>, vector<256x768xf32>
    %dot_general3A_119 = arith.constant dense<0.000000e+00> : vector<8x768xf32>
    %dot_general3A_120 = tpu.matmul %add3A_100, %get3A_118, %dot_general3A_119 {dimension_numbers = #tpu.dot_dimension_numbers<[1], [0], [0], [1], [0, 0, 1, 1], [], []>, transpose_lhs_hint = false} : vector<8x256xf32>, vector<256x768xf32>, vector<8x768xf32> -> vector<8x768xf32>
    %get3A_121 = arith.constant 0 : index
    %get3A_122 = arith.constant 0 : index
    %get3A_123 = vector.load %arg4[%get3A_121, %get3A_122] : memref<1x768xf32, #tpu.memory_space<vmem>>, vector<1x768xf32>
    %add3A_124 = vector.broadcast %get3A_123 : vector<1x768xf32> to vector<8x768xf32>
    %add3A_125 = arith.addf %dot_general3A_120, %add3A_124 : vector<8x768xf32>
    %slice3A_126 = vector.extract_strided_slice %add3A_115 {offsets = [0, 0], sizes = [8, 256], strides = [1, 1]} : vector<8x768xf32> to vector<8x256xf32>
    %slice3A_127 = vector.extract_strided_slice %add3A_125 {offsets = [0, 0], sizes = [8, 256], strides = [1, 1]} : vector<8x768xf32> to vector<8x256xf32>
    %add3A_128 = arith.addf %slice3A_126, %slice3A_127 : vector<8x256xf32>
    %logistic3A_129 = arith.negf %add3A_128 : vector<8x256xf32>
    %logistic3A_130 = math.exp %logistic3A_129 : vector<8x256xf32>
    %logistic3A_131 = arith.constant 1.000000e+00 : f32
    %logistic3A_132 = vector.broadcast %logistic3A_131 : f32 to vector<8x256xf32>
    %logistic3A_133 = arith.addf %logistic3A_132, %logistic3A_130 : vector<8x256xf32>
    %logistic3A_134 = arith.divf %logistic3A_132, %logistic3A_133 : vector<8x256xf32>
    %slice3A_135 = vector.extract_strided_slice %add3A_115 {offsets = [0, 256], sizes = [8, 256], strides = [1, 1]} : vector<8x768xf32> to vector<8x256xf32>
    %slice3A_136 = vector.extract_strided_slice %add3A_125 {offsets = [0, 256], sizes = [8, 256], strides = [1, 1]} : vector<8x768xf32> to vector<8x256xf32>
    %add3A_137 = arith.addf %slice3A_135, %slice3A_136 : vector<8x256xf32>
    %logistic3A_138 = arith.negf %add3A_137 : vector<8x256xf32>
    %logistic3A_139 = math.exp %logistic3A_138 : vector<8x256xf32>
    %logistic3A_140 = arith.constant 1.000000e+00 : f32
    %logistic3A_141 = vector.broadcast %logistic3A_140 : f32 to vector<8x256xf32>
    %logistic3A_142 = arith.addf %logistic3A_141, %logistic3A_139 : vector<8x256xf32>
    %logistic3A_143 = arith.divf %logistic3A_141, %logistic3A_142 : vector<8x256xf32>
    %slice3A_144 = vector.extract_strided_slice %add3A_115 {offsets = [0, 512], sizes = [8, 256], strides = [1, 1]} : vector<8x768xf32> to vector<8x256xf32>
    %slice3A_145 = vector.extract_strided_slice %add3A_125 {offsets = [0, 512], sizes = [8, 256], strides = [1, 1]} : vector<8x768xf32> to vector<8x256xf32>
    %mul3A_146 = arith.mulf %logistic3A_134, %slice3A_145 : vector<8x256xf32>
    %add3A_147 = arith.addf %slice3A_144, %mul3A_146 : vector<8x256xf32>
    %tanh3A_148 = math.tanh %add3A_147 : vector<8x256xf32>
    %sub3A_149 = arith.constant 1.000000e+00 : f32
    %sub3A_150 = vector.broadcast %sub3A_149 : f32 to vector<8x256xf32>
    %sub3A_151 = arith.subf %sub3A_150, %logistic3A_143 : vector<8x256xf32>
    %mul3A_152 = arith.mulf %sub3A_151, %tanh3A_148 : vector<8x256xf32>
    %mul3A_153 = arith.mulf %logistic3A_143, %add3A_100 : vector<8x256xf32>
    %add3A_154 = arith.addf %mul3A_152, %mul3A_153 : vector<8x256xf32>
    %get3A_155 = arith.constant 3 : index
    %get3A_156 = arith.constant 0 : index
    %get3A_157 = arith.constant 0 : index
    %get3A_158 = vector.load %arg0[%get3A_155, %get3A_156, %get3A_157] : memref<4x8x256xf32, #tpu.memory_space<vmem>>, vector<1x8x256xf32>
    %get3A_159 = vector.shape_cast %get3A_158 : vector<1x8x256xf32> to vector<8x256xf32>
    %get3A_160 = arith.constant 0 : index
    %get3A_161 = arith.constant 0 : index
    %get3A_162 = vector.load %arg1[%get3A_160, %get3A_161] : memref<256x768xf32, #tpu.memory_space<vmem>>, vector<256x768xf32>
    %dot_general3A_163 = arith.constant dense<0.000000e+00> : vector<8x768xf32>
    %dot_general3A_164 = tpu.matmul %get3A_159, %get3A_162, %dot_general3A_163 {dimension_numbers = #tpu.dot_dimension_numbers<[1], [0], [0], [1], [0, 0, 1, 1], [], []>, transpose_lhs_hint = false} : vector<8x256xf32>, vector<256x768xf32>, vector<8x768xf32> -> vector<8x768xf32>
    %get3A_165 = arith.constant 0 : index
    %get3A_166 = arith.constant 0 : index
    %get3A_167 = vector.load %arg3[%get3A_165, %get3A_166] : memref<1x768xf32, #tpu.memory_space<vmem>>, vector<1x768xf32>
    %add3A_168 = vector.broadcast %get3A_167 : vector<1x768xf32> to vector<8x768xf32>
    %add3A_169 = arith.addf %dot_general3A_164, %add3A_168 : vector<8x768xf32>
    %get3A_170 = arith.constant 0 : index
    %get3A_171 = arith.constant 0 : index
    %get3A_172 = vector.load %arg2[%get3A_170, %get3A_171] : memref<256x768xf32, #tpu.memory_space<vmem>>, vector<256x768xf32>
    %dot_general3A_173 = arith.constant dense<0.000000e+00> : vector<8x768xf32>
    %dot_general3A_174 = tpu.matmul %add3A_154, %get3A_172, %dot_general3A_173 {dimension_numbers = #tpu.dot_dimension_numbers<[1], [0], [0], [1], [0, 0, 1, 1], [], []>, transpose_lhs_hint = false} : vector<8x256xf32>, vector<256x768xf32>, vector<8x768xf32> -> vector<8x768xf32>
    %get3A_175 = arith.constant 0 : index
    %get3A_176 = arith.constant 0 : index
    %get3A_177 = vector.load %arg4[%get3A_175, %get3A_176] : memref<1x768xf32, #tpu.memory_space<vmem>>, vector<1x768xf32>
    %add3A_178 = vector.broadcast %get3A_177 : vector<1x768xf32> to vector<8x768xf32>
    %add3A_179 = arith.addf %dot_general3A_174, %add3A_178 : vector<8x768xf32>
    %slice3A_180 = vector.extract_strided_slice %add3A_169 {offsets = [0, 0], sizes = [8, 256], strides = [1, 1]} : vector<8x768xf32> to vector<8x256xf32>
    %slice3A_181 = vector.extract_strided_slice %add3A_179 {offsets = [0, 0], sizes = [8, 256], strides = [1, 1]} : vector<8x768xf32> to vector<8x256xf32>
    %add3A_182 = arith.addf %slice3A_180, %slice3A_181 : vector<8x256xf32>
    %logistic3A_183 = arith.negf %add3A_182 : vector<8x256xf32>
    %logistic3A_184 = math.exp %logistic3A_183 : vector<8x256xf32>
    %logistic3A_185 = arith.constant 1.000000e+00 : f32
    %logistic3A_186 = vector.broadcast %logistic3A_185 : f32 to vector<8x256xf32>
    %logistic3A_187 = arith.addf %logistic3A_186, %logistic3A_184 : vector<8x256xf32>
    %logistic3A_188 = arith.divf %logistic3A_186, %logistic3A_187 : vector<8x256xf32>
    %slice3A_189 = vector.extract_strided_slice %add3A_169 {offsets = [0, 256], sizes = [8, 256], strides = [1, 1]} : vector<8x768xf32> to vector<8x256xf32>
    %slice3A_190 = vector.extract_strided_slice %add3A_179 {offsets = [0, 256], sizes = [8, 256], strides = [1, 1]} : vector<8x768xf32> to vector<8x256xf32>
    %add3A_191 = arith.addf %slice3A_189, %slice3A_190 : vector<8x256xf32>
    %logistic3A_192 = arith.negf %add3A_191 : vector<8x256xf32>
    %logistic3A_193 = math.exp %logistic3A_192 : vector<8x256xf32>
    %logistic3A_194 = arith.constant 1.000000e+00 : f32
    %logistic3A_195 = vector.broadcast %logistic3A_194 : f32 to vector<8x256xf32>
    %logistic3A_196 = arith.addf %logistic3A_195, %logistic3A_193 : vector<8x256xf32>
    %logistic3A_197 = arith.divf %logistic3A_195, %logistic3A_196 : vector<8x256xf32>
    %slice3A_198 = vector.extract_strided_slice %add3A_169 {offsets = [0, 512], sizes = [8, 256], strides = [1, 1]} : vector<8x768xf32> to vector<8x256xf32>
    %slice3A_199 = vector.extract_strided_slice %add3A_179 {offsets = [0, 512], sizes = [8, 256], strides = [1, 1]} : vector<8x768xf32> to vector<8x256xf32>
    %mul3A_200 = arith.mulf %logistic3A_188, %slice3A_199 : vector<8x256xf32>
    %add3A_201 = arith.addf %slice3A_198, %mul3A_200 : vector<8x256xf32>
    %tanh3A_202 = math.tanh %add3A_201 : vector<8x256xf32>
    %sub3A_203 = arith.constant 1.000000e+00 : f32
    %sub3A_204 = vector.broadcast %sub3A_203 : f32 to vector<8x256xf32>
    %sub3A_205 = arith.subf %sub3A_204, %logistic3A_197 : vector<8x256xf32>
    %mul3A_206 = arith.mulf %sub3A_205, %tanh3A_202 : vector<8x256xf32>
    %mul3A_207 = arith.mulf %logistic3A_197, %add3A_154 : vector<8x256xf32>
    %add3A_208 = arith.addf %mul3A_206, %mul3A_207 : vector<8x256xf32>
    %broadcast_in_dim3A_209 = arith.constant 0.000000e+00 : f32
    %broadcast_in_dim3A_210 = vector.broadcast %broadcast_in_dim3A_209 : f32 to vector<8x256xf32>
    %get3A_211 = arith.constant 3 : index
    %get3A_212 = arith.constant 0 : index
    %get3A_213 = arith.constant 0 : index
    %get3A_214 = vector.load %arg0[%get3A_211, %get3A_212, %get3A_213] : memref<4x8x256xf32, #tpu.memory_space<vmem>>, vector<1x8x256xf32>
    %get3A_215 = vector.shape_cast %get3A_214 : vector<1x8x256xf32> to vector<8x256xf32>
    %get3A_216 = arith.constant 0 : index
    %get3A_217 = arith.constant 0 : index
    %get3A_218 = vector.load %arg5[%get3A_216, %get3A_217] : memref<256x768xf32, #tpu.memory_space<vmem>>, vector<256x768xf32>
    %dot_general3A_219 = arith.constant dense<0.000000e+00> : vector<8x768xf32>
    %dot_general3A_220 = tpu.matmul %get3A_215, %get3A_218, %dot_general3A_219 {dimension_numbers = #tpu.dot_dimension_numbers<[1], [0], [0], [1], [0, 0, 1, 1], [], []>, transpose_lhs_hint = false} : vector<8x256xf32>, vector<256x768xf32>, vector<8x768xf32> -> vector<8x768xf32>
    %get3A_221 = arith.constant 0 : index
    %get3A_222 = arith.constant 0 : index
    %get3A_223 = vector.load %arg7[%get3A_221, %get3A_222] : memref<1x768xf32, #tpu.memory_space<vmem>>, vector<1x768xf32>
    %add3A_224 = vector.broadcast %get3A_223 : vector<1x768xf32> to vector<8x768xf32>
    %add3A_225 = arith.addf %dot_general3A_220, %add3A_224 : vector<8x768xf32>
    %get3A_226 = arith.constant 0 : index
    %get3A_227 = arith.constant 0 : index
    %get3A_228 = vector.load %arg6[%get3A_226, %get3A_227] : memref<256x768xf32, #tpu.memory_space<vmem>>, vector<256x768xf32>
    %dot_general3A_229 = arith.constant dense<0.000000e+00> : vector<8x768xf32>
    %dot_general3A_230 = tpu.matmul %broadcast_in_dim3A_210, %get3A_228, %dot_general3A_229 {dimension_numbers = #tpu.dot_dimension_numbers<[1], [0], [0], [1], [0, 0, 1, 1], [], []>, transpose_lhs_hint = false} : vector<8x256xf32>, vector<256x768xf32>, vector<8x768xf32> -> vector<8x768xf32>
    %get3A_231 = arith.constant 0 : index
    %get3A_232 = arith.constant 0 : index
    %get3A_233 = vector.load %arg8[%get3A_231, %get3A_232] : memref<1x768xf32, #tpu.memory_space<vmem>>, vector<1x768xf32>
    %add3A_234 = vector.broadcast %get3A_233 : vector<1x768xf32> to vector<8x768xf32>
    %add3A_235 = arith.addf %dot_general3A_230, %add3A_234 : vector<8x768xf32>
    %slice3A_236 = vector.extract_strided_slice %add3A_225 {offsets = [0, 0], sizes = [8, 256], strides = [1, 1]} : vector<8x768xf32> to vector<8x256xf32>
    %slice3A_237 = vector.extract_strided_slice %add3A_235 {offsets = [0, 0], sizes = [8, 256], strides = [1, 1]} : vector<8x768xf32> to vector<8x256xf32>
    %add3A_238 = arith.addf %slice3A_236, %slice3A_237 : vector<8x256xf32>
    %logistic3A_239 = arith.negf %add3A_238 : vector<8x256xf32>
    %logistic3A_240 = math.exp %logistic3A_239 : vector<8x256xf32>
    %logistic3A_241 = arith.constant 1.000000e+00 : f32
    %logistic3A_242 = vector.broadcast %logistic3A_241 : f32 to vector<8x256xf32>
    %logistic3A_243 = arith.addf %logistic3A_242, %logistic3A_240 : vector<8x256xf32>
    %logistic3A_244 = arith.divf %logistic3A_242, %logistic3A_243 : vector<8x256xf32>
    %slice3A_245 = vector.extract_strided_slice %add3A_225 {offsets = [0, 256], sizes = [8, 256], strides = [1, 1]} : vector<8x768xf32> to vector<8x256xf32>
    %slice3A_246 = vector.extract_strided_slice %add3A_235 {offsets = [0, 256], sizes = [8, 256], strides = [1, 1]} : vector<8x768xf32> to vector<8x256xf32>
    %add3A_247 = arith.addf %slice3A_245, %slice3A_246 : vector<8x256xf32>
    %logistic3A_248 = arith.negf %add3A_247 : vector<8x256xf32>
    %logistic3A_249 = math.exp %logistic3A_248 : vector<8x256xf32>
    %logistic3A_250 = arith.constant 1.000000e+00 : f32
    %logistic3A_251 = vector.broadcast %logistic3A_250 : f32 to vector<8x256xf32>
    %logistic3A_252 = arith.addf %logistic3A_251, %logistic3A_249 : vector<8x256xf32>
    %logistic3A_253 = arith.divf %logistic3A_251, %logistic3A_252 : vector<8x256xf32>
    %slice3A_254 = vector.extract_strided_slice %add3A_225 {offsets = [0, 512], sizes = [8, 256], strides = [1, 1]} : vector<8x768xf32> to vector<8x256xf32>
    %slice3A_255 = vector.extract_strided_slice %add3A_235 {offsets = [0, 512], sizes = [8, 256], strides = [1, 1]} : vector<8x768xf32> to vector<8x256xf32>
    %mul3A_256 = arith.mulf %logistic3A_244, %slice3A_255 : vector<8x256xf32>
    %add3A_257 = arith.addf %slice3A_254, %mul3A_256 : vector<8x256xf32>
    %tanh3A_258 = math.tanh %add3A_257 : vector<8x256xf32>
    %sub3A_259 = arith.constant 1.000000e+00 : f32
    %sub3A_260 = vector.broadcast %sub3A_259 : f32 to vector<8x256xf32>
    %sub3A_261 = arith.subf %sub3A_260, %logistic3A_253 : vector<8x256xf32>
    %mul3A_262 = arith.mulf %sub3A_261, %tanh3A_258 : vector<8x256xf32>
    %mul3A_263 = arith.mulf %logistic3A_253, %broadcast_in_dim3A_210 : vector<8x256xf32>
    %add3A_264 = arith.addf %mul3A_262, %mul3A_263 : vector<8x256xf32>
    %get3A_265 = arith.constant 2 : index
    %get3A_266 = arith.constant 0 : index
    %get3A_267 = arith.constant 0 : index
    %get3A_268 = vector.load %arg0[%get3A_265, %get3A_266, %get3A_267] : memref<4x8x256xf32, #tpu.memory_space<vmem>>, vector<1x8x256xf32>
    %get3A_269 = vector.shape_cast %get3A_268 : vector<1x8x256xf32> to vector<8x256xf32>
    %get3A_270 = arith.constant 0 : index
    %get3A_271 = arith.constant 0 : index
    %get3A_272 = vector.load %arg5[%get3A_270, %get3A_271] : memref<256x768xf32, #tpu.memory_space<vmem>>, vector<256x768xf32>
    %dot_general3A_273 = arith.constant dense<0.000000e+00> : vector<8x768xf32>
    %dot_general3A_274 = tpu.matmul %get3A_269, %get3A_272, %dot_general3A_273 {dimension_numbers = #tpu.dot_dimension_numbers<[1], [0], [0], [1], [0, 0, 1, 1], [], []>, transpose_lhs_hint = false} : vector<8x256xf32>, vector<256x768xf32>, vector<8x768xf32> -> vector<8x768xf32>
    %get3A_275 = arith.constant 0 : index
    %get3A_276 = arith.constant 0 : index
    %get3A_277 = vector.load %arg7[%get3A_275, %get3A_276] : memref<1x768xf32, #tpu.memory_space<vmem>>, vector<1x768xf32>
    %add3A_278 = vector.broadcast %get3A_277 : vector<1x768xf32> to vector<8x768xf32>
    %add3A_279 = arith.addf %dot_general3A_274, %add3A_278 : vector<8x768xf32>
    %get3A_280 = arith.constant 0 : index
    %get3A_281 = arith.constant 0 : index
    %get3A_282 = vector.load %arg6[%get3A_280, %get3A_281] : memref<256x768xf32, #tpu.memory_space<vmem>>, vector<256x768xf32>
    %dot_general3A_283 = arith.constant dense<0.000000e+00> : vector<8x768xf32>
    %dot_general3A_284 = tpu.matmul %add3A_264, %get3A_282, %dot_general3A_283 {dimension_numbers = #tpu.dot_dimension_numbers<[1], [0], [0], [1], [0, 0, 1, 1], [], []>, transpose_lhs_hint = false} : vector<8x256xf32>, vector<256x768xf32>, vector<8x768xf32> -> vector<8x768xf32>
    %get3A_285 = arith.constant 0 : index
    %get3A_286 = arith.constant 0 : index
    %get3A_287 = vector.load %arg8[%get3A_285, %get3A_286] : memref<1x768xf32, #tpu.memory_space<vmem>>, vector<1x768xf32>
    %add3A_288 = vector.broadcast %get3A_287 : vector<1x768xf32> to vector<8x768xf32>
    %add3A_289 = arith.addf %dot_general3A_284, %add3A_288 : vector<8x768xf32>
    %slice3A_290 = vector.extract_strided_slice %add3A_279 {offsets = [0, 0], sizes = [8, 256], strides = [1, 1]} : vector<8x768xf32> to vector<8x256xf32>
    %slice3A_291 = vector.extract_strided_slice %add3A_289 {offsets = [0, 0], sizes = [8, 256], strides = [1, 1]} : vector<8x768xf32> to vector<8x256xf32>
    %add3A_292 = arith.addf %slice3A_290, %slice3A_291 : vector<8x256xf32>
    %logistic3A_293 = arith.negf %add3A_292 : vector<8x256xf32>
    %logistic3A_294 = math.exp %logistic3A_293 : vector<8x256xf32>
    %logistic3A_295 = arith.constant 1.000000e+00 : f32
    %logistic3A_296 = vector.broadcast %logistic3A_295 : f32 to vector<8x256xf32>
    %logistic3A_297 = arith.addf %logistic3A_296, %logistic3A_294 : vector<8x256xf32>
    %logistic3A_298 = arith.divf %logistic3A_296, %logistic3A_297 : vector<8x256xf32>
    %slice3A_299 = vector.extract_strided_slice %add3A_279 {offsets = [0, 256], sizes = [8, 256], strides = [1, 1]} : vector<8x768xf32> to vector<8x256xf32>
    %slice3A_300 = vector.extract_strided_slice %add3A_289 {offsets = [0, 256], sizes = [8, 256], strides = [1, 1]} : vector<8x768xf32> to vector<8x256xf32>
    %add3A_301 = arith.addf %slice3A_299, %slice3A_300 : vector<8x256xf32>
    %logistic3A_302 = arith.negf %add3A_301 : vector<8x256xf32>
    %logistic3A_303 = math.exp %logistic3A_302 : vector<8x256xf32>
    %logistic3A_304 = arith.constant 1.000000e+00 : f32
    %logistic3A_305 = vector.broadcast %logistic3A_304 : f32 to vector<8x256xf32>
    %logistic3A_306 = arith.addf %logistic3A_305, %logistic3A_303 : vector<8x256xf32>
    %logistic3A_307 = arith.divf %logistic3A_305, %logistic3A_306 : vector<8x256xf32>
    %slice3A_308 = vector.extract_strided_slice %add3A_279 {offsets = [0, 512], sizes = [8, 256], strides = [1, 1]} : vector<8x768xf32> to vector<8x256xf32>
    %slice3A_309 = vector.extract_strided_slice %add3A_289 {offsets = [0, 512], sizes = [8, 256], strides = [1, 1]} : vector<8x768xf32> to vector<8x256xf32>
    %mul3A_310 = arith.mulf %logistic3A_298, %slice3A_309 : vector<8x256xf32>
    %add3A_311 = arith.addf %slice3A_308, %mul3A_310 : vector<8x256xf32>
    %tanh3A_312 = math.tanh %add3A_311 : vector<8x256xf32>
    %sub3A_313 = arith.constant 1.000000e+00 : f32
    %sub3A_314 = vector.broadcast %sub3A_313 : f32 to vector<8x256xf32>
    %sub3A_315 = arith.subf %sub3A_314, %logistic3A_307 : vector<8x256xf32>
    %mul3A_316 = arith.mulf %sub3A_315, %tanh3A_312 : vector<8x256xf32>
    %mul3A_317 = arith.mulf %logistic3A_307, %add3A_264 : vector<8x256xf32>
    %add3A_318 = arith.addf %mul3A_316, %mul3A_317 : vector<8x256xf32>
    %get3A_319 = arith.constant 1 : index
    %get3A_320 = arith.constant 0 : index
    %get3A_321 = arith.constant 0 : index
    %get3A_322 = vector.load %arg0[%get3A_319, %get3A_320, %get3A_321] : memref<4x8x256xf32, #tpu.memory_space<vmem>>, vector<1x8x256xf32>
    %get3A_323 = vector.shape_cast %get3A_322 : vector<1x8x256xf32> to vector<8x256xf32>
    %get3A_324 = arith.constant 0 : index
    %get3A_325 = arith.constant 0 : index
    %get3A_326 = vector.load %arg5[%get3A_324, %get3A_325] : memref<256x768xf32, #tpu.memory_space<vmem>>, vector<256x768xf32>
    %dot_general3A_327 = arith.constant dense<0.000000e+00> : vector<8x768xf32>
    %dot_general3A_328 = tpu.matmul %get3A_323, %get3A_326, %dot_general3A_327 {dimension_numbers = #tpu.dot_dimension_numbers<[1], [0], [0], [1], [0, 0, 1, 1], [], []>, transpose_lhs_hint = false} : vector<8x256xf32>, vector<256x768xf32>, vector<8x768xf32> -> vector<8x768xf32>
    %get3A_329 = arith.constant 0 : index
    %get3A_330 = arith.constant 0 : index
    %get3A_331 = vector.load %arg7[%get3A_329, %get3A_330] : memref<1x768xf32, #tpu.memory_space<vmem>>, vector<1x768xf32>
    %add3A_332 = vector.broadcast %get3A_331 : vector<1x768xf32> to vector<8x768xf32>
    %add3A_333 = arith.addf %dot_general3A_328, %add3A_332 : vector<8x768xf32>
    %get3A_334 = arith.constant 0 : index
    %get3A_335 = arith.constant 0 : index
    %get3A_336 = vector.load %arg6[%get3A_334, %get3A_335] : memref<256x768xf32, #tpu.memory_space<vmem>>, vector<256x768xf32>
    %dot_general3A_337 = arith.constant dense<0.000000e+00> : vector<8x768xf32>
    %dot_general3A_338 = tpu.matmul %add3A_318, %get3A_336, %dot_general3A_337 {dimension_numbers = #tpu.dot_dimension_numbers<[1], [0], [0], [1], [0, 0, 1, 1], [], []>, transpose_lhs_hint = false} : vector<8x256xf32>, vector<256x768xf32>, vector<8x768xf32> -> vector<8x768xf32>
    %get3A_339 = arith.constant 0 : index
    %get3A_340 = arith.constant 0 : index
    %get3A_341 = vector.load %arg8[%get3A_339, %get3A_340] : memref<1x768xf32, #tpu.memory_space<vmem>>, vector<1x768xf32>
    %add3A_342 = vector.broadcast %get3A_341 : vector<1x768xf32> to vector<8x768xf32>
    %add3A_343 = arith.addf %dot_general3A_338, %add3A_342 : vector<8x768xf32>
    %slice3A_344 = vector.extract_strided_slice %add3A_333 {offsets = [0, 0], sizes = [8, 256], strides = [1, 1]} : vector<8x768xf32> to vector<8x256xf32>
    %slice3A_345 = vector.extract_strided_slice %add3A_343 {offsets = [0, 0], sizes = [8, 256], strides = [1, 1]} : vector<8x768xf32> to vector<8x256xf32>
    %add3A_346 = arith.addf %slice3A_344, %slice3A_345 : vector<8x256xf32>
    %logistic3A_347 = arith.negf %add3A_346 : vector<8x256xf32>
    %logistic3A_348 = math.exp %logistic3A_347 : vector<8x256xf32>
    %logistic3A_349 = arith.constant 1.000000e+00 : f32
    %logistic3A_350 = vector.broadcast %logistic3A_349 : f32 to vector<8x256xf32>
    %logistic3A_351 = arith.addf %logistic3A_350, %logistic3A_348 : vector<8x256xf32>
    %logistic3A_352 = arith.divf %logistic3A_350, %logistic3A_351 : vector<8x256xf32>
    %slice3A_353 = vector.extract_strided_slice %add3A_333 {offsets = [0, 256], sizes = [8, 256], strides = [1, 1]} : vector<8x768xf32> to vector<8x256xf32>
    %slice3A_354 = vector.extract_strided_slice %add3A_343 {offsets = [0, 256], sizes = [8, 256], strides = [1, 1]} : vector<8x768xf32> to vector<8x256xf32>
    %add3A_355 = arith.addf %slice3A_353, %slice3A_354 : vector<8x256xf32>
    %logistic3A_356 = arith.negf %add3A_355 : vector<8x256xf32>
    %logistic3A_357 = math.exp %logistic3A_356 : vector<8x256xf32>
    %logistic3A_358 = arith.constant 1.000000e+00 : f32
    %logistic3A_359 = vector.broadcast %logistic3A_358 : f32 to vector<8x256xf32>
    %logistic3A_360 = arith.addf %logistic3A_359, %logistic3A_357 : vector<8x256xf32>
    %logistic3A_361 = arith.divf %logistic3A_359, %logistic3A_360 : vector<8x256xf32>
    %slice3A_362 = vector.extract_strided_slice %add3A_333 {offsets = [0, 512], sizes = [8, 256], strides = [1, 1]} : vector<8x768xf32> to vector<8x256xf32>
    %slice3A_363 = vector.extract_strided_slice %add3A_343 {offsets = [0, 512], sizes = [8, 256], strides = [1, 1]} : vector<8x768xf32> to vector<8x256xf32>
    %mul3A_364 = arith.mulf %logistic3A_352, %slice3A_363 : vector<8x256xf32>
    %add3A_365 = arith.addf %slice3A_362, %mul3A_364 : vector<8x256xf32>
    %tanh3A_366 = math.tanh %add3A_365 : vector<8x256xf32>
    %sub3A_367 = arith.constant 1.000000e+00 : f32
    %sub3A_368 = vector.broadcast %sub3A_367 : f32 to vector<8x256xf32>
    %sub3A_369 = arith.subf %sub3A_368, %logistic3A_361 : vector<8x256xf32>
    %mul3A_370 = arith.mulf %sub3A_369, %tanh3A_366 : vector<8x256xf32>
    %mul3A_371 = arith.mulf %logistic3A_361, %add3A_318 : vector<8x256xf32>
    %add3A_372 = arith.addf %mul3A_370, %mul3A_371 : vector<8x256xf32>
    %get3A_373 = arith.constant 0 : index
    %get3A_374 = arith.constant 0 : index
    %get3A_375 = arith.constant 0 : index
    %get3A_376 = vector.load %arg0[%get3A_373, %get3A_374, %get3A_375] : memref<4x8x256xf32, #tpu.memory_space<vmem>>, vector<1x8x256xf32>
    %get3A_377 = vector.shape_cast %get3A_376 : vector<1x8x256xf32> to vector<8x256xf32>
    %get3A_378 = arith.constant 0 : index
    %get3A_379 = arith.constant 0 : index
    %get3A_380 = vector.load %arg5[%get3A_378, %get3A_379] : memref<256x768xf32, #tpu.memory_space<vmem>>, vector<256x768xf32>
    %dot_general3A_381 = arith.constant dense<0.000000e+00> : vector<8x768xf32>
    %dot_general3A_382 = tpu.matmul %get3A_377, %get3A_380, %dot_general3A_381 {dimension_numbers = #tpu.dot_dimension_numbers<[1], [0], [0], [1], [0, 0, 1, 1], [], []>, transpose_lhs_hint = false} : vector<8x256xf32>, vector<256x768xf32>, vector<8x768xf32> -> vector<8x768xf32>
    %get3A_383 = arith.constant 0 : index
    %get3A_384 = arith.constant 0 : index
    %get3A_385 = vector.load %arg7[%get3A_383, %get3A_384] : memref<1x768xf32, #tpu.memory_space<vmem>>, vector<1x768xf32>
    %add3A_386 = vector.broadcast %get3A_385 : vector<1x768xf32> to vector<8x768xf32>
    %add3A_387 = arith.addf %dot_general3A_382, %add3A_386 : vector<8x768xf32>
    %get3A_388 = arith.constant 0 : index
    %get3A_389 = arith.constant 0 : index
    %get3A_390 = vector.load %arg6[%get3A_388, %get3A_389] : memref<256x768xf32, #tpu.memory_space<vmem>>, vector<256x768xf32>
    %dot_general3A_391 = arith.constant dense<0.000000e+00> : vector<8x768xf32>
    %dot_general3A_392 = tpu.matmul %add3A_372, %get3A_390, %dot_general3A_391 {dimension_numbers = #tpu.dot_dimension_numbers<[1], [0], [0], [1], [0, 0, 1, 1], [], []>, transpose_lhs_hint = false} : vector<8x256xf32>, vector<256x768xf32>, vector<8x768xf32> -> vector<8x768xf32>
    %get3A_393 = arith.constant 0 : index
    %get3A_394 = arith.constant 0 : index
    %get3A_395 = vector.load %arg8[%get3A_393, %get3A_394] : memref<1x768xf32, #tpu.memory_space<vmem>>, vector<1x768xf32>
    %add3A_396 = vector.broadcast %get3A_395 : vector<1x768xf32> to vector<8x768xf32>
    %add3A_397 = arith.addf %dot_general3A_392, %add3A_396 : vector<8x768xf32>
    %slice3A_398 = vector.extract_strided_slice %add3A_387 {offsets = [0, 0], sizes = [8, 256], strides = [1, 1]} : vector<8x768xf32> to vector<8x256xf32>
    %slice3A_399 = vector.extract_strided_slice %add3A_397 {offsets = [0, 0], sizes = [8, 256], strides = [1, 1]} : vector<8x768xf32> to vector<8x256xf32>
    %add3A_400 = arith.addf %slice3A_398, %slice3A_399 : vector<8x256xf32>
    %logistic3A_401 = arith.negf %add3A_400 : vector<8x256xf32>
    %logistic3A_402 = math.exp %logistic3A_401 : vector<8x256xf32>
    %logistic3A_403 = arith.constant 1.000000e+00 : f32
    %logistic3A_404 = vector.broadcast %logistic3A_403 : f32 to vector<8x256xf32>
    %logistic3A_405 = arith.addf %logistic3A_404, %logistic3A_402 : vector<8x256xf32>
    %logistic3A_406 = arith.divf %logistic3A_404, %logistic3A_405 : vector<8x256xf32>
    %slice3A_407 = vector.extract_strided_slice %add3A_387 {offsets = [0, 256], sizes = [8, 256], strides = [1, 1]} : vector<8x768xf32> to vector<8x256xf32>
    %slice3A_408 = vector.extract_strided_slice %add3A_397 {offsets = [0, 256], sizes = [8, 256], strides = [1, 1]} : vector<8x768xf32> to vector<8x256xf32>
    %add3A_409 = arith.addf %slice3A_407, %slice3A_408 : vector<8x256xf32>
    %logistic3A_410 = arith.negf %add3A_409 : vector<8x256xf32>
    %logistic3A_411 = math.exp %logistic3A_410 : vector<8x256xf32>
    %logistic3A_412 = arith.constant 1.000000e+00 : f32
    %logistic3A_413 = vector.broadcast %logistic3A_412 : f32 to vector<8x256xf32>
    %logistic3A_414 = arith.addf %logistic3A_413, %logistic3A_411 : vector<8x256xf32>
    %logistic3A_415 = arith.divf %logistic3A_413, %logistic3A_414 : vector<8x256xf32>
    %slice3A_416 = vector.extract_strided_slice %add3A_387 {offsets = [0, 512], sizes = [8, 256], strides = [1, 1]} : vector<8x768xf32> to vector<8x256xf32>
    %slice3A_417 = vector.extract_strided_slice %add3A_397 {offsets = [0, 512], sizes = [8, 256], strides = [1, 1]} : vector<8x768xf32> to vector<8x256xf32>
    %mul3A_418 = arith.mulf %logistic3A_406, %slice3A_417 : vector<8x256xf32>
    %add3A_419 = arith.addf %slice3A_416, %mul3A_418 : vector<8x256xf32>
    %tanh3A_420 = math.tanh %add3A_419 : vector<8x256xf32>
    %sub3A_421 = arith.constant 1.000000e+00 : f32
    %sub3A_422 = vector.broadcast %sub3A_421 : f32 to vector<8x256xf32>
    %sub3A_423 = arith.subf %sub3A_422, %logistic3A_415 : vector<8x256xf32>
    %mul3A_424 = arith.mulf %sub3A_423, %tanh3A_420 : vector<8x256xf32>
    %mul3A_425 = arith.mulf %logistic3A_415, %add3A_372 : vector<8x256xf32>
    %add3A_426 = arith.addf %mul3A_424, %mul3A_425 : vector<8x256xf32>
    %get3A_427 = arith.constant 0 : index
    %get3A_428 = arith.constant 0 : index
    %get3A_429 = vector.load %arg9[%get3A_427, %get3A_428] : memref<256x256xf32, #tpu.memory_space<vmem>>, vector<256x256xf32>
    %dot_general3A_430 = arith.constant dense<0.000000e+00> : vector<8x256xf32>
    %dot_general3A_431 = tpu.matmul %add3A_426, %get3A_429, %dot_general3A_430 {dimension_numbers = #tpu.dot_dimension_numbers<[1], [0], [0], [1], [0, 0, 1, 1], [], []>, transpose_lhs_hint = false} : vector<8x256xf32>, vector<256x256xf32>, vector<8x256xf32> -> vector<8x256xf32>
    %get3A_432 = arith.constant 0 : index
    %get3A_433 = arith.constant 0 : index
    %get3A_434 = vector.load %arg10[%get3A_432, %get3A_433] : memref<256x256xf32, #tpu.memory_space<vmem>>, vector<256x256xf32>
    %dot_general3A_435 = arith.constant dense<0.000000e+00> : vector<8x256xf32>
    %dot_general3A_436 = tpu.matmul %add3A_208, %get3A_434, %dot_general3A_435 {dimension_numbers = #tpu.dot_dimension_numbers<[1], [0], [0], [1], [0, 0, 1, 1], [], []>, transpose_lhs_hint = false} : vector<8x256xf32>, vector<256x256xf32>, vector<8x256xf32> -> vector<8x256xf32>
    %add3A_437 = arith.addf %dot_general3A_431, %dot_general3A_436 : vector<8x256xf32>
    %tanh3A_438 = math.tanh %add3A_437 : vector<8x256xf32>
    %swap3A = arith.constant 0 : index
    %swap3A_439 = arith.constant 0 : index
    %swap3A_440 = vector.load %arg11[%swap3A, %swap3A_439] : memref<8x256xf32, #tpu.memory_space<vmem>>, vector<8x256xf32>
    tpu.vector_store %arg11[%swap3A, %swap3A_439], %tanh3A_438 {strides = array<i32>} : memref<8x256xf32, #tpu.memory_space<vmem>>, vector<8x256xf32>,
    return
  }
}

</mosaic_0001>

<sc_bundles>
// kernel: kernel.6.cloned.1.call-start
scs
__scs_entry_jumppad:
0x0: {  	(pc) =	sbr.rel $0x88, $3  }
0x1: {  	(tag) =	ssettag $0x0;
	lr =	simm.s32 $0x1  }
0x2: {  	[smem:$0x3F8A] =	sst lr;
	_ =	strace $0xD0000000  }
0x3: {  	_ = 	snop  }
0x4: {  	_ = 	snop  }
0x5: {  	_ = 	snop  }
0x6: {  	_ = 	snop  }
0x7: {  	_ = 	snop  }
__scs_overlays_trampoline_lowered:
0x8: {  	[smem:$0x3F99] =	sst s0  }
0x9: {  	[smem:$0x3F9A] =	sst s1  }
0xa: {  	[smem:$0x3F9B] =	sst s2  }
0xb: {  	[smem:$0x3F9C] =	sst s3  }
0xc: {  	[smem:$0x3F9D] =	sst s4  }
0xd: {  	[smem:$0x3F9E] =	sst s5  }
0xe: {  	[smem:$0x3F9F] =	sst s6  }
0xf: {  	[smem:$0x3FA0] =	sst s7  }
0x10: {  	[smem:$0x3FA1] =	sst s8  }
0x11: {  	[smem:$0x3FA2] =	sst s9;
	s0 =	simm.s32 @!p0 $0x0  }
0x12: {  	s1 =	sld [smem:$0x3F88];
	s0 =	simm.s32 @p0 $0x1  }
0x13: {  	[smem:$0x3FA3] =	sst s0;
	s0 =	simm.s32 @!p1 $0x0  }
0x14: {  	s2 =	sld [smem:$0x3F87];
	s0 =	simm.s32 @p1 $0x1  }
0x15: {  	[smem:$0x3FA4] =	sst s0;
	s0 =	simm.s32 @!p2 $0x0  }
0x16: {  	s3 =	sld [smem:$0x3FDB];
	s0 =	simm.s32 @p2 $0x1  }
0x17: {  	s4 =	simm.s32 $0x1BF5;
	[smem:$0x3FA6] =	sst s0  }
0x18: {  	s0 =	sld [smem:$0x3F89];
	_ =	swait.ge [sflag:s4], $0x0  }
0x19: {  	s7 =	sld [smem:$0x3F8A]  }
0x1a: {  	s8 =	sadd.s32 $0xFFFFE003, lr  }
0x1b: {  	s9 =	sadd.s32 $0xFFFFFEF7, lr;
	s5 =	simm.s32 $0xFFFFFFFF;
	p2 =	slt.u32 s8, $0xFFFFF086  }
0x1c: {  	p1 =	slt.u32 s9, $0xF7A;
	s5 =	simm.s32 @!p2 $0x0  }
0x1d: {  	s5 =	simm.s32 @p1 $0x1;
	p0 =	seq.s32 s7, s2  }
0x1e: {  	s7 =	smul.u32 @!p0 $0xF7A, s2;
	p2 =	seq.s32 @!p0 s5, $0x0  }
0x1f: {  	s9 =	smul.u32 $0xF7A, s1;
	s8 =	simm.s32 @!p0 $0x1BF5;
	p2 =	por !p2, p0  }
0x20: {  	[sflag:s8] =	ssyncset.s32 @!p0 $0xFFFFF086;
	s6 =	sadd.s32 @!p0 s3, s7;
	s7 =	simm.s32 @!p0 $0x108  }
0x21: {  	s3 =	sadd.s32 s3, s9;
	s6 =	sadd.s32 @!p0 $0x88, s6;
	s7 =	simm.s32 @p2 $0x1082  }
0x22: {  	[simem:s7], [sflag:s8] =	dma.local @!p0 [hbm:s6], $0xF7A  }
0x23: {  	s9 =	sor.u32 $0xD0000000, s2;
	s6 =	simm.s32 $0x108;
	_ =	swait.ge @!p0 [sflag:s8], $0x0  }
0x24: {  	s3 =	sadd.s32 $0x88, s3;
	s6 =	simm.s32 @!p1 $0x1082;
	[sflag:s4] =	ssyncset.s32 $0xFFFFF086  }
0x25: {  	[simem:s6], [sflag:s4] =	dma.local [hbm:s3], $0xF7A  }
0x26: {  	[smem:$0x3F8A] =	sst s1;
	(tag) =	ssettag s2;
	_ =	strace s9  }
0x27: {  	s1 =	sld [smem:$0x3F9A]  }
0x28: {  	s2 =	sld [smem:$0x3F9B]  }
0x29: {  	s4 =	sld [smem:$0x3F9D]  }
0x2a: {  	p0 =	seq.s32 s5, $0x0;
	s5 =	sld [smem:$0x3F9E]  }
0x2b: {  	s6 =	sld [smem:$0x3F9F]  }
0x2c: {  	s7 =	sld [smem:$0x3FA0]  }
0x2d: {  	s3 =	simm.s32 $0x108;
	s8 =	sld [smem:$0x3FA1]  }
0x2e: {  	s3 =	simm.s32 @!p0 $0x1082;
	s9 =	sld [smem:$0x3FA2]  }
0x2f: {  	lr =	sadd.s32 s0, s3;
	s0 =	sld [smem:$0x3F99]  }
0x30: {  	s3 =	sld [smem:$0x3F9C]  }
0x31: {  	[smem:$0x3FA5] =	sst s10  }
0x32: {  	s10 =	sld [smem:$0x3FA3];
	_ =	sdelay $0x3  }
0x33: {  	p0 =	seq.s32 s10, $0x1;
	s10 =	sld [smem:$0x3FA5];
	_ =	sdelay $0x3  }
0x34: {  	[smem:$0x3FA5] =	sst s10  }
0x35: {  	s10 =	sld [smem:$0x3FA4];
	_ =	sdelay $0x3  }
0x36: {  	p1 =	seq.s32 s10, $0x1;
	s10 =	sld [smem:$0x3FA5];
	_ =	sdelay $0x3  }
0x37: {  	[smem:$0x3FA5] =	sst s10  }
0x38: {  	s10 =	sld [smem:$0x3FA6]  }
0x39: {  	_ = 	snop;
	(pc) =	sbr.ind lr, $3  }
0x3a: {  	_ = 	snop  }
0x3b: {  	_ = 	snop  }
0x3c: {  	p2 =	seq.s32 s10, $0x1;
	s10 =	sld [smem:$0x3FA5]  }
0x3d: {  	_ =	shalt  }
0x3e: {  	_ =	shalt  }
0x3f: {  	_ =	shalt  }
0x40: {  	_ =	shalt  }
0x41: {  	_ =	shalt  }
0x42: {  	_ =	shalt  }
0x43: {  	_ =	shalt  }
0x44: {  	_ =	shalt  }
0x45: {  	_ =	shalt  }
0x46: {  	_ =	shalt  }
0x47: {  	_ =	shalt  }
0x48: {  	_ =	shalt  }
0x49: {  	_ =	shalt  }
0x4a: {  	_ =	shalt  }
0x4b: {  	_ =	shalt  }
0x4c: {  	_ =	shalt  }
0x4d: {  	_ =	shalt  }
0x4e: {  	_ =	shalt  }
0x4f: {  	_ =	shalt  }
0x50: {  	_ =	shalt  }
0x51: {  	_ =	shalt  }
0x52: {  	_ =	shalt  }
0x53: {  	_ =	shalt  }
0x54: {  	_ =	shalt  }
0x55: {  	_ =	shalt  }
0x56: {  	_ =	shalt  }
0x57: {  	_ =	shalt  }
0x58: {  	_ =	shalt  }
0x59: {  	_ =	shalt  }
0x5a: {  	_ =	shalt  }
0x5b: {  	_ =	shalt  }
0x5c: {  	_ =	shalt  }
0x5d: {  	_ =	shalt  }
0x5e: {  	_ =	shalt  }
0x5f: {  	_ =	shalt  }
0x60: {  	_ =	shalt  }
0x61: {  	_ =	shalt  }
0x62: {  	_ =	shalt  }
0x63: {  	_ =	shalt  }
0x64: {  	_ =	shalt  }
0x65: {  	_ =	shalt  }
0x66: {  	_ =	shalt  }
0x67: {  	_ =	shalt  }
0x68: {  	_ =	shalt  }
0x69: {  	_ =	shalt  }
0x6a: {  	_ =	shalt  }
0x6b: {  	_ =	shalt  }
0x6c: {  	_ =	shalt  }
0x6d: {  	_ =	shalt  }
0x6e: {  	_ =	shalt  }
0x6f: {  	_ =	shalt  }
0x70: {  	_ =	shalt  }
0x71: {  	_ =	shalt  }
0x72: {  	_ =	shalt  }
0x73: {  	_ =	shalt  }
0x74: {  	_ =	shalt  }
0x75: {  	_ =	shalt  }
0x76: {  	_ =	shalt  }
0x77: {  	_ =	shalt  }
0x78: {  	_ =	shalt  }
0x79: {  	_ =	shalt  }
0x7a: {  	_ =	shalt  }
0x7b: {  	_ =	shalt  }
0x7c: {  	_ =	shalt  }
0x7d: {  	_ =	shalt  }
0x7e: {  	_ =	shalt  }
0x7f: {  	_ =	shalt  }
0x80: {  	_ =	shalt  }
0x81: {  	_ =	shalt  }
0x82: {  	_ =	shalt  }
0x83: {  	_ =	shalt  }
0x84: {  	_ =	shalt  }
0x85: {  	_ =	shalt  }
0x86: {  	_ =	shalt  }
0x87: {  	_ =	shalt  }
.Lfunc_end0:
.L_simem_size_0:
called_computation_lowered:
.L_overlay_start_0:
0x88: {  	s2 =	sld [smem:$0x3FD9]  }
0x89: {  	s3 =	sld [smem:$0x3FFE];
	_ =	sdelay $0x1  }
0x8a: {  	s1 =	srdreg.scid  }
0x8b: {  	s0 =	sand.u32 $0x1, s1  }
0x8c: {  	s14 =	sshll.u32 s0, $0xA;
	s2 =	sadd.s32 s3, s2  }
0x8d: {  	s2 =	sadd.s32 s2, s14  }
0x8e: {  	[smem:$0x3FB1] =	sst s2  }
0x8f: {  	_ = 	snop  }
0x90: {  	s2 =	sld [smem:$0x3FD0];
	_ =	sdelay $0x2  }
0x91: {  	s4 =	simm.s32 $0xA;
	s5 =	simm.s32 $0x10;
	s15 =	sld [smem:$0x3FC4]  }
0x92: {  	[smem:s5], [sflag:s4] =	dma.local [hbm:s2], $0x1  }
0x93: {  	_ =	swait.eq [sflag:s4], $0x1  }
0x94: {  	[sflag:s4] =	ssyncset.done $0x0  }
0x95: {  	[sflag:s4] =	ssyncadd.s32 $0xFFFFFFFF  }
0x96: {  	s16 =	sld [smem:$0x10];
	(tm) =	ssettm $0x1  }
0x97: {  	s17 =	sld [smem:$0x3FFB];
	_ =	sdelay $0x3  }
0x98: {  	_ =	strace s17  }
0x99: {  	s4 =	sld [smem:$0x3FFC];
	_ =	sdelay $0x3  }
0x9a: {  	_ =	strace s4  }
0x9b: {  	s4 =	sld [smem:$0x3FFD];
	_ =	sdelay $0x3  }
0x9c: {  	_ =	strace s4  }
0x9d: {  	_ =	strace $0x8FFFFFFF  }
0x9e: {  	s18 =	sld [smem:$0x3FDB];
	_ =	sdelay $0x1  }
0x9f: {  	s19 =	simm.s32 $_scs_section_size  }
0xa0: {  	s6 =	simm.s32 $_size__tile_overlayer_lowered;
	s7 =	simm.s32 $_tile_overlayer_lowered  }
0xa1: {  	s22 =	simm.s32 $0x1BFF;
	s21 =	sshll.u32 s7, $0x1;
	s4 =	sadd.s32 s19, s18  }
0xa2: {  	s8 =	simm.s32 $0x0;
	s20 =	sshll.u32 s6, $0x1;
	s6 =	sadd.s32 s21, s4  }
0xa3: {  	[timem:s8], [sflag:s22] =	dma.local [hbm:s6], s20  }
0xa4: {  	_ =	swait.ge [sflag:s22], s20  }
0xa5: {  	s5 =	ssub.s32 $0x0, s20;
	[sflag:s22] =	ssyncset.done $0x0  }
0xa6: {  	[sflag:s22] =	ssyncadd.s32 s5;
	_ =	sdelay $0x1  }
0xa7: {  	s23 =	simm.s32 $0x1B8B  }
0xa8: {  	_ =	swait.ge [sflag:s23], $0x1  }
0xa9: {  	[sflag:s23] =	ssyncset.done $0x0  }
0xaa: {  	s25 =	simm.s32 $0x1B8E;
	s24 =	sld [smem:$0x3FFE];
	[sflag:s23] =	ssyncadd.s32 $0xFFFFFFFF  }
0xab: {  	s26 =	simm.s32 $execute0_lowered;
	[smem:$0x3FD2] =	sst s25  }
0xac: {  	s6 =	sshll.u32 s26, $0x1;
	_ =	strace $0x80000046;
	[dreg:$0x1] =	wrdreg $0xFFFFFFFF  }
0xad: {  	s28 =	simm.s32 $_size_execute0_lowered;
	s4 =	sadd.s32 s4, s6;
	[dreg:$0x0] =	wrdreg $0x0  }
0xae: {  	s6 =	sshll.u32 s28, $0x1;
	[dreg:$0x2] =	wrdreg s4  }
0xaf: {  	[dreg:$0x3] =	wrdreg s6  }
0xb0: {  	[dreg:$0x4] =	wrdreg $0xC0  }
0xb1: {  	_ =	task [dreg:s8], $0x5FFFF  }
0xb2: {  	[dreg:$0x1] =	wrdreg $0xFFFFFFFF  }
0xb3: {  	[dreg:$0x0] =	wrdreg $0x60  }
0xb4: {  	[dreg:$0x2] =	wrdreg s15  }
0xb5: {  	[dreg:$0x3] =	wrdreg s24  }
0xb6: {  	[dreg:$0x4] =	wrdreg s16  }
0xb7: {  	[dreg:$0x5] =	wrdreg $0x9  }
0xb8: {  	_ =	task.clear_ibuf [dreg:s8], $0x6FFFF;
	_ =	strace $0x90000046  }
0xb9: {  	s29 =	simm.s32 $0x9;
	_ =	strace $0x80000048  }
0xba: {  	_ =	swait.ge [sflag:s29], $0x1  }
0xbb: {  	[sflag:s29] =	ssyncadd.s32 $0xFFFFFFFF  }
0xbc: {  	_ =	strace $0x90000048  }
0xbd: {  	_ =	sfence  }
0xbe: {  	s30 =	sld [smem:$0x0];
	_ =	sdelay $0x2  }
0xbf: {  	s31 =	sshll.u32 s1, $0xD;
	s1 =	sshrl.u32 s1, $0x2  }
0xc0: {  	s3 =	sand.u32 $0x4000, s31;
	s1 =	sadd.s32 s1, s30  }
0xc1: {  	s0 =	sor.u32 s3, s0;
	s1 =	sshll.u32 s1, $0x11  }
0xc2: {  	s0 =	sor.u32 s1, s0  }
0xc3: {  	s0 =	sadd.s32 $0x8F2B, s0  }
0xc4: {  	[sflag:s0] =	ssyncadd.remote.s32 $0x1  }
0xc5: {  	_ =	sfence.sel $0xFFFF  }
0xc6: {  	[dreg:$0x0] =	wrdreg $0xFFFFFFFF;
	(pc) =	sbr.abs _section_cstart, $3  }
0xc7: {  	[dreg:$0x1] =	wrdreg $0xFFFFFFFF  }
0xc8: {  	_ =	task.clear_ibuf [dreg:s8], $0x2FFFF;
	_ =	strace $0x9FFFFFFF  }
0xc9: {  	(tm) =	ssettm $0x7FFFFFFF  }
tec
execute0_lowered:
.L_overlay_start_1:
0x0: {  	(tag) =	ssettag $0x1  }
0x1: {  	s1 =	rddreg [dreg:$0x0]  }
0x2: {  	s2 =	srdreg.scid;
	s3 =	stileid.u32  }
0x3: {  	s0 =	rddreg [dreg:$0x1];
	s2 =	sand.u32 $0x1, s2;
	s5 =	sshll.u32 s3, $0x1  }
0x4: {  	s4 =	rddreg [dreg:$0x2];
	s3 =	simm.s32 $0x0;
	s5 =	sor.u32 s2, s5  }
0x5: {  	s30 =	simm.s32 $0x200;
	[smem:$0x7FF] =	sst s3;
	s6 =	sshll.u32 s5, $0x6  }
0x6: {  	_ =	strace $0x80000047;
	s7 =	sshll.u32 s5, $0x7;
	s8 =	sshll.u32 s5, $0xE  }
0x7: {  	[dreg:$0x11] =	wrdreg s30;
	s6 =	sadd.s32 s6, s0;
	s18 =	sadd.s32 s4, s8  }
0x8: {  	s7 =	sadd.s32 s7, s0;
	s6 =	sadd.s32 $0x4800, s6;
	[dreg:$0x12] =	wrdreg s18  }
0x9: {  	s17 =	sadd.s32 $0x3800, s7;
	[dreg:$0x4] =	wrdreg s6  }
0xa: {  	s4 =	sadd.s32 $0x1000, s18;
	[dreg:$0x5] =	wrdreg s17  }
0xb: {  	s5 =	sshll.u32 s5, $0xF;
	s19 =	sadd.s32 $0x2000, s18;
	[dreg:$0x6] =	wrdreg s4  }
0xc: {  	s0 =	sadd.s32 s5, s0;
	s20 =	sadd.s32 $0x3000, s18;
	[dreg:$0x7] =	wrdreg s19  }
0xd: {  	s21 =	sadd.s32 $0x5000, s0;
	[dreg:$0x8] =	wrdreg s20  }
0xe: {  	s22 =	sadd.s32 $0x6000, s0;
	[dreg:$0x9] =	wrdreg s21  }
0xf: {  	s31 =	simm.s32 $0x1;
	s23 =	sadd.s32 $0x7000, s0;
	[dreg:$0xa] =	wrdreg s22  }
0x10: {  	s2 =	ssub.s32 $0x2, s2;
	s24 =	sadd.s32 $0x8000, s0;
	[dreg:$0xb] =	wrdreg s23  }
0x11: {  	s29 =	sshrl.u32 s2, $0x1;
	s25 =	sadd.s32 $0x9000, s0;
	[dreg:$0xc] =	wrdreg s24  }
0x12: {  	s2 =	ssub.s32 s2, s29;
	s26 =	sadd.s32 $0xA000, s0;
	[dreg:$0xd] =	wrdreg s25  }
0x13: {  	s28 =	sadd.s32 $0xB000, s0;
	s0 =	sadd.s32 $0xC000, s0;
	[dreg:$0xe] =	wrdreg s26  }
0x14: {  	v2 =	vlaneseq.u32;
	s5 =	smax.u32 s2, $0x1;
	s2 =	simm.s32 $0x2;
	[dreg:$0xf] =	wrdreg s28  }
0x15: {  	vm0 =	vmmov $0xffff;
	v1 =	vshrl.u32 v2, $0x3;
	s7 =	simm.s32 $0x8600;
	[dreg:$0x10] =	wrdreg s0;
	s6 =	simm.s32 $0x4  }
0x16: {  	v0 =	vand.u32 $0x7, v2;
	v2 =	vor.u32 $0x8, v2;
	v1 =	vmul.u32 $0x8, v1;
	s24 =	simm.s32 $0x10600;
	s0 =	simm.s32 $0x3;
	s23 =	simm.s32 $0x600  }
.LBB2_1:
0x17: {  	s4 =	rddreg [dreg:$0x4]  }
0x18: {  	[tilespmem:s3], [sflag:$0x4] =	stream.linear.gather [hbm4b:s4+s3], $0x200, $0x38;
	[tilespmem:$0x18600] =	vst v63  }
0x19: {  	_ =	swait.ge [sflag:s6], $0x200  }
0x1a: {  	s16 =	rddreg [dreg:$0x5];
	[sflag:s6] =	ssyncset.done $0x0  }
0x1b: {  	s8 =	rddreg [dreg:$0x11];
	[sflag:s6] =	ssyncadd.s32 $0xFFFFFE00  }
0x1c: {  	[tilespmem:s8], [sflag:$0x4] =	stream.linear.gather [hbm4b:s16+s3], $0x400, $0x38;
	[tilespmem:$0x18600] =	vst v63  }
0x1d: {  	_ =	swait.ge [sflag:s6], $0x400  }
0x1e: {  	[sflag:s6] =	ssyncset.done $0x0  }
0x1f: {  	[sflag:s6] =	ssyncadd.s32 $0xFFFFFC00  }
0x20: {  	v3 =	vld [tilespmem:$0x0];
	_ =	sdelay $0x4  }
0x21: {  	v4 =	vshll.u32 v3, $0x1  }
0x22: {  	v3 =	vand.u32 $0x7, v3;
	v4 =	vand.u32 $0xFFFFFFF0, v4  }
0x23: {  	v3 =	vor.u32 v3, v4  }
0x24: {  	v4 =	vperm.xlane v3, v0;
	_ =	sdelay $0x1  }
0x25: {  	v3 =	vperm.xlane v3, v2;
	v4 =	vadd.s32 v1, v4;
	_ =	sdelay $0x1  }
0x26: {  	v3 =	vadd.s32 v1, v3;
	_ =	sdelay $0x2  }
0x27: {  	[tilespmem:s23], [sflag:$0x1] =	stream.indirect_vreg.gather [hbm4b:s1+s3], $0x80, v4, vm0, $0xb8;
	[tilespmem:$0x18600] =	vst v63  }
0x28: {  	s17 =	simm.s32 $0xE00  }
0x29: {  	[tilespmem:s17], [sflag:$0x1] =	stream.indirect_vreg.gather [hbm4b:s1+s3], $0x80, v3, vm0, $0xb8;
	[tilespmem:$0x18600] =	vst v63  }
0x2a: {  	v3 =	vld [tilespmem:$0x10];
	_ =	sdelay $0x4  }
0x2b: {  	v25 =	vshll.u32 v3, $0x1  }
0x2c: {  	v3 =	vand.u32 $0x7, v3;
	v4 =	vand.u32 $0xFFFFFFF0, v25  }
0x2d: {  	v3 =	vor.u32 v3, v4  }
0x2e: {  	v4 =	vperm.xlane v3, v0;
	_ =	sdelay $0x1  }
0x2f: {  	v3 =	vperm.xlane v3, v2;
	v4 =	vadd.s32 v1, v4;
	_ =	sdelay $0x1  }
0x30: {  	v3 =	vadd.s32 v1, v3;
	_ =	sdelay $0x1  }
0x31: {  	s18 =	simm.s32 $0x1600  }
0x32: {  	[tilespmem:s18], [sflag:$0x1] =	stream.indirect_vreg.gather [hbm4b:s1+s3], $0x80, v4, vm0, $0xb8;
	[tilespmem:$0x18600] =	vst v63  }
0x33: {  	s19 =	simm.s32 $0x1E00  }
0x34: {  	[tilespmem:s19], [sflag:$0x1] =	stream.indirect_vreg.gather [hbm4b:s1+s3], $0x80, v3, vm0, $0xb8;
	[tilespmem:$0x18600] =	vst v63  }
0x35: {  	v3 =	vld [tilespmem:$0x20];
	_ =	sdelay $0x4  }
0x36: {  	v26 =	vshll.u32 v3, $0x1  }
0x37: {  	v3 =	vand.u32 $0x7, v3;
	v4 =	vand.u32 $0xFFFFFFF0, v26  }
0x38: {  	v3 =	vor.u32 v3, v4  }
0x39: {  	v4 =	vperm.xlane v3, v0;
	_ =	sdelay $0x1  }
0x3a: {  	v3 =	vperm.xlane v3, v2;
	v4 =	vadd.s32 v1, v4;
	_ =	sdelay $0x1  }
0x3b: {  	v3 =	vadd.s32 v1, v3;
	_ =	sdelay $0x1  }
0x3c: {  	s20 =	simm.s32 $0x2600  }
0x3d: {  	[tilespmem:s20], [sflag:$0x1] =	stream.indirect_vreg.gather [hbm4b:s1+s3], $0x80, v4, vm0, $0xb8;
	[tilespmem:$0x18600] =	vst v63  }
0x3e: {  	s21 =	simm.s32 $0x2E00  }
0x3f: {  	[tilespmem:s21], [sflag:$0x1] =	stream.indirect_vreg.gather [hbm4b:s1+s3], $0x80, v3, vm0, $0xb8;
	[tilespmem:$0x18600] =	vst v63  }
0x40: {  	v3 =	vld [tilespmem:$0x30];
	_ =	sdelay $0x4  }
0x41: {  	v27 =	vshll.u32 v3, $0x1  }
0x42: {  	v3 =	vand.u32 $0x7, v3;
	v4 =	vand.u32 $0xFFFFFFF0, v27  }
0x43: {  	v3 =	vor.u32 v3, v4  }
0x44: {  	v4 =	vperm.xlane v3, v0;
	_ =	sdelay $0x1  }
0x45: {  	v3 =	vperm.xlane v3, v2;
	v4 =	vadd.s32 v1, v4;
	_ =	sdelay $0x1  }
0x46: {  	v3 =	vadd.s32 v1, v3;
	_ =	sdelay $0x1  }
0x47: {  	s22 =	simm.s32 $0x3600  }
0x48: {  	[tilespmem:s22], [sflag:$0x1] =	stream.indirect_vreg.gather [hbm4b:s1+s3], $0x80, v4, vm0, $0xb8;
	[tilespmem:$0x18600] =	vst v63  }
0x49: {  	s25 =	simm.s32 $0x3E00  }
0x4a: {  	[tilespmem:s25], [sflag:$0x1] =	stream.indirect_vreg.gather [hbm4b:s1+s3], $0x80, v3, vm0, $0xb8;
	[tilespmem:$0x18600] =	vst v63  }
0x4b: {  	v3 =	vld [tilespmem:$0x40];
	_ =	sdelay $0x4  }
0x4c: {  	v28 =	vshll.u32 v3, $0x1  }
0x4d: {  	v3 =	vand.u32 $0x7, v3;
	v4 =	vand.u32 $0xFFFFFFF0, v28  }
0x4e: {  	v3 =	vor.u32 v3, v4  }
0x4f: {  	v4 =	vperm.xlane v3, v0;
	_ =	sdelay $0x1  }
0x50: {  	v3 =	vperm.xlane v3, v2;
	v4 =	vadd.s32 v1, v4;
	_ =	sdelay $0x1  }
0x51: {  	v3 =	vadd.s32 v1, v3;
	_ =	sdelay $0x1  }
0x52: {  	s26 =	simm.s32 $0x4600  }
0x53: {  	[tilespmem:s26], [sflag:$0x1] =	stream.indirect_vreg.gather [hbm4b:s1+s3], $0x80, v4, vm0, $0xb8;
	[tilespmem:$0x18600] =	vst v63  }
0x54: {  	s28 =	simm.s32 $0x4E00  }
0x55: {  	[tilespmem:s28], [sflag:$0x1] =	stream.indirect_vreg.gather [hbm4b:s1+s3], $0x80, v3, vm0, $0xb8;
	[tilespmem:$0x18600] =	vst v63  }
0x56: {  	v3 =	vld [tilespmem:$0x50];
	_ =	sdelay $0x4  }
0x57: {  	v29 =	vshll.u32 v3, $0x1  }
0x58: {  	v3 =	vand.u32 $0x7, v3;
	v4 =	vand.u32 $0xFFFFFFF0, v29  }
0x59: {  	v3 =	vor.u32 v3, v4  }
0x5a: {  	v4 =	vperm.xlane v3, v0;
	_ =	sdelay $0x1  }
0x5b: {  	v3 =	vperm.xlane v3, v2;
	v4 =	vadd.s32 v1, v4;
	_ =	sdelay $0x1  }
0x5c: {  	v3 =	vadd.s32 v1, v3;
	_ =	sdelay $0x1  }
0x5d: {  	s29 =	simm.s32 $0x5600  }
0x5e: {  	[tilespmem:s29], [sflag:$0x1] =	stream.indirect_vreg.gather [hbm4b:s1+s3], $0x80, v4, vm0, $0xb8;
	[tilespmem:$0x18600] =	vst v63  }
0x5f: {  	s30 =	simm.s32 $0x5E00  }
0x60: {  	[tilespmem:s30], [sflag:$0x1] =	stream.indirect_vreg.gather [hbm4b:s1+s3], $0x80, v3, vm0, $0xb8;
	[tilespmem:$0x18600] =	vst v63  }
0x61: {  	v3 =	vld [tilespmem:$0x60];
	_ =	sdelay $0x4  }
0x62: {  	v30 =	vshll.u32 v3, $0x1  }
0x63: {  	v3 =	vand.u32 $0x7, v3;
	v4 =	vand.u32 $0xFFFFFFF0, v30  }
0x64: {  	v3 =	vor.u32 v3, v4  }
0x65: {  	v4 =	vperm.xlane v3, v0;
	_ =	sdelay $0x1  }
0x66: {  	v3 =	vperm.xlane v3, v2;
	v4 =	vadd.s32 v1, v4;
	_ =	sdelay $0x1  }
0x67: {  	v3 =	vadd.s32 v1, v3;
	_ =	sdelay $0x1  }
0x68: {  	s8 =	simm.s32 $0x6600  }
0x69: {  	[tilespmem:s8], [sflag:$0x1] =	stream.indirect_vreg.gather [hbm4b:s1+s3], $0x80, v4, vm0, $0xb8;
	[tilespmem:$0x18600] =	vst v63  }
0x6a: {  	s15 =	simm.s32 $0x6E00  }
0x6b: {  	[tilespmem:s15], [sflag:$0x1] =	stream.indirect_vreg.gather [hbm4b:s1+s3], $0x80, v3, vm0, $0xb8;
	[tilespmem:$0x18600] =	vst v63  }
0x6c: {  	v3 =	vld [tilespmem:$0x70];
	_ =	sdelay $0x4  }
0x6d: {  	v31 =	vshll.u32 v3, $0x1  }
0x6e: {  	v3 =	vand.u32 $0x7, v3;
	v4 =	vand.u32 $0xFFFFFFF0, v31  }
0x6f: {  	v3 =	vor.u32 v3, v4  }
0x70: {  	v4 =	vperm.xlane v3, v0;
	_ =	sdelay $0x1  }
0x71: {  	v3 =	vperm.xlane v3, v2;
	v4 =	vadd.s32 v1, v4;
	_ =	sdelay $0x1  }
0x72: {  	v3 =	vadd.s32 v1, v3;
	_ =	sdelay $0x1  }
0x73: {  	s16 =	simm.s32 $0x7600  }
0x74: {  	[tilespmem:s16], [sflag:$0x1] =	stream.indirect_vreg.gather [hbm4b:s1+s3], $0x80, v4, vm0, $0xb8;
	[tilespmem:$0x18600] =	vst v63  }
0x75: {  	s25 =	simm.s32 $0x7E00  }
0x76: {  	[tilespmem:s25], [sflag:$0x1] =	stream.indirect_vreg.gather [hbm4b:s1+s3], $0x80, v3, vm0, $0xb8;
	[tilespmem:$0x18600] =	vst v63  }
0x77: {  	v3 =	vld [tilespmem:$0x80];
	_ =	sdelay $0x4  }
0x78: {  	v32 =	vshll.u32 v3, $0x1  }
0x79: {  	v3 =	vand.u32 $0x7, v3;
	v4 =	vand.u32 $0xFFFFFFF0, v32  }
0x7a: {  	v3 =	vor.u32 v3, v4  }
0x7b: {  	v4 =	vperm.xlane v3, v0;
	_ =	sdelay $0x1  }
0x7c: {  	v3 =	vperm.xlane v3, v2;
	v4 =	vadd.s32 v1, v4;
	_ =	sdelay $0x1  }
0x7d: {  	v3 =	vadd.s32 v1, v3;
	_ =	sdelay $0x2  }
0x7e: {  	[tilespmem:s7], [sflag:$0x2] =	stream.indirect_vreg.gather [hbm4b:s1+s3], $0x80, v4, vm0, $0xb8;
	[tilespmem:$0x18600] =	vst v63  }
0x7f: {  	s26 =	simm.s32 $0x8E00  }
0x80: {  	[tilespmem:s26], [sflag:$0x2] =	stream.indirect_vreg.gather [hbm4b:s1+s3], $0x80, v3, vm0, $0xb8;
	[tilespmem:$0x18600] =	vst v63  }
0x81: {  	v3 =	vld [tilespmem:$0x90];
	_ =	sdelay $0x4  }
0x82: {  	v33 =	vshll.u32 v3, $0x1  }
0x83: {  	v3 =	vand.u32 $0x7, v3;
	v4 =	vand.u32 $0xFFFFFFF0, v33  }
0x84: {  	v3 =	vor.u32 v3, v4  }
0x85: {  	v4 =	vperm.xlane v3, v0;
	_ =	sdelay $0x1  }
0x86: {  	v3 =	vperm.xlane v3, v2;
	v4 =	vadd.s32 v1, v4;
	_ =	sdelay $0x1  }
0x87: {  	v3 =	vadd.s32 v1, v3;
	_ =	sdelay $0x1  }
0x88: {  	s28 =	simm.s32 $0x9600  }
0x89: {  	[tilespmem:s28], [sflag:$0x2] =	stream.indirect_vreg.gather [hbm4b:s1+s3], $0x80, v4, vm0, $0xb8;
	[tilespmem:$0x18600] =	vst v63  }
0x8a: {  	s29 =	simm.s32 $0x9E00  }
0x8b: {  	[tilespmem:s29], [sflag:$0x2] =	stream.indirect_vreg.gather [hbm4b:s1+s3], $0x80, v3, vm0, $0xb8;
	[tilespmem:$0x18600] =	vst v63  }
0x8c: {  	v3 =	vld [tilespmem:$0xA0];
	_ =	sdelay $0x4  }
0x8d: {  	v34 =	vshll.u32 v3, $0x1  }
0x8e: {  	v3 =	vand.u32 $0x7, v3;
	v4 =	vand.u32 $0xFFFFFFF0, v34  }
0x8f: {  	v3 =	vor.u32 v3, v4  }
0x90: {  	v4 =	vperm.xlane v3, v0;
	_ =	sdelay $0x1  }
0x91: {  	v3 =	vperm.xlane v3, v2;
	v4 =	vadd.s32 v1, v4;
	_ =	sdelay $0x1  }
0x92: {  	v3 =	vadd.s32 v1, v3;
	_ =	sdelay $0x1  }
0x93: {  	s30 =	simm.s32 $0xA600  }
0x94: {  	[tilespmem:s30], [sflag:$0x2] =	stream.indirect_vreg.gather [hbm4b:s1+s3], $0x80, v4, vm0, $0xb8;
	[tilespmem:$0x18600] =	vst v63  }
0x95: {  	s26 =	simm.s32 $0xAE00  }
0x96: {  	[tilespmem:s26], [sflag:$0x2] =	stream.indirect_vreg.gather [hbm4b:s1+s3], $0x80, v3, vm0, $0xb8;
	[tilespmem:$0x18600] =	vst v63  }
0x97: {  	v3 =	vld [tilespmem:$0xB0];
	_ =	sdelay $0x4  }
0x98: {  	v35 =	vshll.u32 v3, $0x1  }
0x99: {  	v3 =	vand.u32 $0x7, v3;
	v4 =	vand.u32 $0xFFFFFFF0, v35  }
0x9a: {  	v3 =	vor.u32 v3, v4  }
0x9b: {  	v4 =	vperm.xlane v3, v0;
	_ =	sdelay $0x1  }
0x9c: {  	v3 =	vperm.xlane v3, v2;
	v4 =	vadd.s32 v1, v4;
	_ =	sdelay $0x1  }
0x9d: {  	v3 =	vadd.s32 v1, v3;
	_ =	sdelay $0x1  }
0x9e: {  	s28 =	simm.s32 $0xB600  }
0x9f: {  	[tilespmem:s28], [sflag:$0x2] =	stream.indirect_vreg.gather [hbm4b:s1+s3], $0x80, v4, vm0, $0xb8;
	[tilespmem:$0x18600] =	vst v63  }
0xa0: {  	s29 =	simm.s32 $0xBE00  }
0xa1: {  	[tilespmem:s29], [sflag:$0x2] =	stream.indirect_vreg.gather [hbm4b:s1+s3], $0x80, v3, vm0, $0xb8;
	[tilespmem:$0x18600] =	vst v63  }
0xa2: {  	v3 =	vld [tilespmem:$0xC0];
	_ =	sdelay $0x4  }
0xa3: {  	v36 =	vshll.u32 v3, $0x1  }
0xa4: {  	v3 =	vand.u32 $0x7, v3;
	v4 =	vand.u32 $0xFFFFFFF0, v36  }
0xa5: {  	v3 =	vor.u32 v3, v4  }
0xa6: {  	v4 =	vperm.xlane v3, v0;
	_ =	sdelay $0x1  }
0xa7: {  	v3 =	vperm.xlane v3, v2;
	v4 =	vadd.s32 v1, v4;
	_ =	sdelay $0x1  }
0xa8: {  	v3 =	vadd.s32 v1, v3;
	_ =	sdelay $0x1  }
0xa9: {  	s30 =	simm.s32 $0xC600  }
0xaa: {  	[tilespmem:s30], [sflag:$0x2] =	stream.indirect_vreg.gather [hbm4b:s1+s3], $0x80, v4, vm0, $0xb8;
	[tilespmem:$0x18600] =	vst v63  }
0xab: {  	s29 =	simm.s32 $0xCE00  }
0xac: {  	[tilespmem:s29], [sflag:$0x2] =	stream.indirect_vreg.gather [hbm4b:s1+s3], $0x80, v3, vm0, $0xb8;
	[tilespmem:$0x18600] =	vst v63  }
0xad: {  	v3 =	vld [tilespmem:$0xD0];
	_ =	sdelay $0x4  }
0xae: {  	v37 =	vshll.u32 v3, $0x1  }
0xaf: {  	v3 =	vand.u32 $0x7, v3;
	v4 =	vand.u32 $0xFFFFFFF0, v37  }
0xb0: {  	v3 =	vor.u32 v3, v4  }
0xb1: {  	v4 =	vperm.xlane v3, v0;
	_ =	sdelay $0x1  }
0xb2: {  	v3 =	vperm.xlane v3, v2;
	v4 =	vadd.s32 v1, v4;
	_ =	sdelay $0x1  }
0xb3: {  	v3 =	vadd.s32 v1, v3;
	_ =	sdelay $0x1  }
0xb4: {  	s30 =	simm.s32 $0xD600  }
0xb5: {  	[tilespmem:s30], [sflag:$0x2] =	stream.indirect_vreg.gather [hbm4b:s1+s3], $0x80, v4, vm0, $0xb8;
	[tilespmem:$0x18600] =	vst v63  }
0xb6: {  	s30 =	simm.s32 $0xDE00  }
0xb7: {  	[tilespmem:s30], [sflag:$0x2] =	stream.indirect_vreg.gather [hbm4b:s1+s3], $0x80, v3, vm0, $0xb8;
	[tilespmem:$0x18600] =	vst v63  }
0xb8: {  	v3 =	vld [tilespmem:$0xE0];
	_ =	sdelay $0x4  }
0xb9: {  	v38 =	vshll.u32 v3, $0x1  }
0xba: {  	v3 =	vand.u32 $0x7, v3;
	v4 =	vand.u32 $0xFFFFFFF0, v38  }
0xbb: {  	v3 =	vor.u32 v3, v4  }
0xbc: {  	v4 =	vperm.xlane v3, v0;
	_ =	sdelay $0x1  }
0xbd: {  	v3 =	vperm.xlane v3, v2;
	v4 =	vadd.s32 v1, v4;
	_ =	sdelay $0x1  }
0xbe: {  	v3 =	vadd.s32 v1, v3;
	_ =	sdelay $0x1  }
0xbf: {  	s4 =	simm.s32 $0xE600  }
0xc0: {  	[tilespmem:s4], [sflag:$0x2] =	stream.indirect_vreg.gather [hbm4b:s1+s3], $0x80, v4, vm0, $0xb8;
	[tilespmem:$0x18600] =	vst v63  }
0xc1: {  	s4 =	simm.s32 $0xEE00  }
0xc2: {  	[tilespmem:s4], [sflag:$0x2] =	stream.indirect_vreg.gather [hbm4b:s1+s3], $0x80, v3, vm0, $0xb8;
	[tilespmem:$0x18600] =	vst v63  }
0xc3: {  	v3 =	vld [tilespmem:$0xF0];
	_ =	sdelay $0x4  }
0xc4: {  	v39 =	vshll.u32 v3, $0x1  }
0xc5: {  	v3 =	vand.u32 $0x7, v3;
	v4 =	vand.u32 $0xFFFFFFF0, v39  }
0xc6: {  	v3 =	vor.u32 v3, v4  }
0xc7: {  	v4 =	vperm.xlane v3, v0;
	_ =	sdelay $0x1  }
0xc8: {  	v3 =	vperm.xlane v3, v2;
	v4 =	vadd.s32 v1, v4;
	_ =	sdelay $0x1  }
0xc9: {  	v3 =	vadd.s32 v1, v3;
	_ =	sdelay $0x1  }
0xca: {  	s4 =	simm.s32 $0xF600  }
0xcb: {  	[tilespmem:s4], [sflag:$0x2] =	stream.indirect_vreg.gather [hbm4b:s1+s3], $0x80, v4, vm0, $0xb8;
	[tilespmem:$0x18600] =	vst v63  }
0xcc: {  	s4 =	simm.s32 $0xFE00  }
0xcd: {  	[tilespmem:s4], [sflag:$0x2] =	stream.indirect_vreg.gather [hbm4b:s1+s3], $0x80, v3, vm0, $0xb8;
	[tilespmem:$0x18600] =	vst v63  }
0xce: {  	v3 =	vld [tilespmem:$0x100];
	_ =	sdelay $0x4  }
0xcf: {  	v40 =	vshll.u32 v3, $0x1  }
0xd0: {  	v3 =	vand.u32 $0x7, v3;
	v4 =	vand.u32 $0xFFFFFFF0, v40  }
0xd1: {  	v3 =	vor.u32 v3, v4  }
0xd2: {  	v4 =	vperm.xlane v3, v0;
	_ =	sdelay $0x1  }
0xd3: {  	v3 =	vperm.xlane v3, v2;
	v4 =	vadd.s32 v1, v4;
	_ =	sdelay $0x1  }
0xd4: {  	v3 =	vadd.s32 v1, v3;
	_ =	sdelay $0x2  }
0xd5: {  	[tilespmem:s24], [sflag:$0x3] =	stream.indirect_vreg.gather [hbm4b:s1+s3], $0x80, v4, vm0, $0xb8;
	[tilespmem:$0x18600] =	vst v63  }
0xd6: {  	s4 =	simm.s32 $0x10E00  }
0xd7: {  	[tilespmem:s4], [sflag:$0x3] =	stream.indirect_vreg.gather [hbm4b:s1+s3], $0x80, v3, vm0, $0xb8;
	[tilespmem:$0x18600] =	vst v63  }
0xd8: {  	v3 =	vld [tilespmem:$0x110];
	_ =	sdelay $0x4  }
0xd9: {  	v41 =	vshll.u32 v3, $0x1  }
0xda: {  	v3 =	vand.u32 $0x7, v3;
	v4 =	vand.u32 $0xFFFFFFF0, v41  }
0xdb: {  	v3 =	vor.u32 v3, v4  }
0xdc: {  	v4 =	vperm.xlane v3, v0;
	_ =	sdelay $0x1  }
0xdd: {  	v3 =	vperm.xlane v3, v2;
	v4 =	vadd.s32 v1, v4;
	_ =	sdelay $0x1  }
0xde: {  	v3 =	vadd.s32 v1, v3;
	_ =	sdelay $0x1  }
0xdf: {  	s4 =	simm.s32 $0x11600  }
0xe0: {  	[tilespmem:s4], [sflag:$0x3] =	stream.indirect_vreg.gather [hbm4b:s1+s3], $0x80, v4, vm0, $0xb8;
	[tilespmem:$0x18600] =	vst v63  }
0xe1: {  	s4 =	simm.s32 $0x11E00  }
0xe2: {  	[tilespmem:s4], [sflag:$0x3] =	stream.indirect_vreg.gather [hbm4b:s1+s3], $0x80, v3, vm0, $0xb8;
	[tilespmem:$0x18600] =	vst v63  }
0xe3: {  	v3 =	vld [tilespmem:$0x120];
	_ =	sdelay $0x4  }
0xe4: {  	v42 =	vshll.u32 v3, $0x1  }
0xe5: {  	v3 =	vand.u32 $0x7, v3;
	v4 =	vand.u32 $0xFFFFFFF0, v42  }
0xe6: {  	v3 =	vor.u32 v3, v4  }
0xe7: {  	v4 =	vperm.xlane v3, v0;
	_ =	sdelay $0x1  }
0xe8: {  	v3 =	vperm.xlane v3, v2;
	v4 =	vadd.s32 v1, v4;
	_ =	sdelay $0x1  }
0xe9: {  	v3 =	vadd.s32 v1, v3;
	_ =	sdelay $0x1  }
0xea: {  	s4 =	simm.s32 $0x12600  }
0xeb: {  	[tilespmem:s4], [sflag:$0x3] =	stream.indirect_vreg.gather [hbm4b:s1+s3], $0x80, v4, vm0, $0xb8;
	[tilespmem:$0x18600] =	vst v63  }
0xec: {  	s4 =	simm.s32 $0x12E00  }
0xed: {  	[tilespmem:s4], [sflag:$0x3] =	stream.indirect_vreg.gather [hbm4b:s1+s3], $0x80, v3, vm0, $0xb8;
	[tilespmem:$0x18600] =	vst v63  }
0xee: {  	v3 =	vld [tilespmem:$0x130];
	_ =	sdelay $0x4  }
0xef: {  	v43 =	vshll.u32 v3, $0x1  }
0xf0: {  	v3 =	vand.u32 $0x7, v3;
	v4 =	vand.u32 $0xFFFFFFF0, v43  }
0xf1: {  	v3 =	vor.u32 v3, v4  }
0xf2: {  	v4 =	vperm.xlane v3, v0;
	_ =	sdelay $0x1  }
0xf3: {  	v3 =	vperm.xlane v3, v2;
	v4 =	vadd.s32 v1, v4;
	_ =	sdelay $0x1  }
0xf4: {  	v3 =	vadd.s32 v1, v3;
	_ =	sdelay $0x1  }
0xf5: {  	s4 =	simm.s32 $0x13600  }
0xf6: {  	[tilespmem:s4], [sflag:$0x3] =	stream.indirect_vreg.gather [hbm4b:s1+s3], $0x80, v4, vm0, $0xb8;
	[tilespmem:$0x18600] =	vst v63  }
0xf7: {  	s4 =	simm.s32 $0x13E00  }
0xf8: {  	[tilespmem:s4], [sflag:$0x3] =	stream.indirect_vreg.gather [hbm4b:s1+s3], $0x80, v3, vm0, $0xb8;
	[tilespmem:$0x18600] =	vst v63  }
0xf9: {  	v3 =	vld [tilespmem:$0x140];
	_ =	sdelay $0x4  }
0xfa: {  	v44 =	vshll.u32 v3, $0x1  }
0xfb: {  	v3 =	vand.u32 $0x7, v3;
	v4 =	vand.u32 $0xFFFFFFF0, v44  }
0xfc: {  	v3 =	vor.u32 v3, v4  }
0xfd: {  	v4 =	vperm.xlane v3, v0;
	_ =	sdelay $0x1  }
0xfe: {  	v3 =	vperm.xlane v3, v2;
	v4 =	vadd.s32 v1, v4;
	_ =	sdelay $0x1  }
0xff: {  	v3 =	vadd.s32 v1, v3;
	_ =	sdelay $0x1  }
0x100: {  	s4 =	simm.s32 $0x14600  }
0x101: {  	[tilespmem:s4], [sflag:$0x3] =	stream.indirect_vreg.gather [hbm4b:s1+s3], $0x80, v4, vm0, $0xb8;
	[tilespmem:$0x18600] =	vst v63  }
0x102: {  	s4 =	simm.s32 $0x14E00  }
0x103: {  	[tilespmem:s4], [sflag:$0x3] =	stream.indirect_vreg.gather [hbm4b:s1+s3], $0x80, v3, vm0, $0xb8;
	[tilespmem:$0x18600] =	vst v63  }
0x104: {  	v3 =	vld [tilespmem:$0x150];
	_ =	sdelay $0x4  }
0x105: {  	v45 =	vshll.u32 v3, $0x1  }
0x106: {  	v3 =	vand.u32 $0x7, v3;
	v4 =	vand.u32 $0xFFFFFFF0, v45  }
0x107: {  	v3 =	vor.u32 v3, v4  }
0x108: {  	v4 =	vperm.xlane v3, v0;
	_ =	sdelay $0x1  }
0x109: {  	v3 =	vperm.xlane v3, v2;
	v4 =	vadd.s32 v1, v4;
	_ =	sdelay $0x1  }
0x10a: {  	v3 =	vadd.s32 v1, v3;
	_ =	sdelay $0x1  }
0x10b: {  	s4 =	simm.s32 $0x15600  }
0x10c: {  	[tilespmem:s4], [sflag:$0x3] =	stream.indirect_vreg.gather [hbm4b:s1+s3], $0x80, v4, vm0, $0xb8;
	[tilespmem:$0x18600] =	vst v63  }
0x10d: {  	s4 =	simm.s32 $0x15E00  }
0x10e: {  	[tilespmem:s4], [sflag:$0x3] =	stream.indirect_vreg.gather [hbm4b:s1+s3], $0x80, v3, vm0, $0xb8;
	[tilespmem:$0x18600] =	vst v63  }
0x10f: {  	v3 =	vld [tilespmem:$0x160];
	_ =	sdelay $0x4  }
0x110: {  	v46 =	vshll.u32 v3, $0x1  }
0x111: {  	v3 =	vand.u32 $0x7, v3;
	v4 =	vand.u32 $0xFFFFFFF0, v46  }
0x112: {  	v3 =	vor.u32 v3, v4  }
0x113: {  	v4 =	vperm.xlane v3, v0;
	_ =	sdelay $0x1  }
0x114: {  	v3 =	vperm.xlane v3, v2;
	v4 =	vadd.s32 v1, v4;
	_ =	sdelay $0x1  }
0x115: {  	v3 =	vadd.s32 v1, v3;
	_ =	sdelay $0x1  }
0x116: {  	s4 =	simm.s32 $0x16600  }
0x117: {  	[tilespmem:s4], [sflag:$0x3] =	stream.indirect_vreg.gather [hbm4b:s1+s3], $0x80, v4, vm0, $0xb8;
	[tilespmem:$0x18600] =	vst v63  }
0x118: {  	s4 =	simm.s32 $0x16E00  }
0x119: {  	[tilespmem:s4], [sflag:$0x3] =	stream.indirect_vreg.gather [hbm4b:s1+s3], $0x80, v3, vm0, $0xb8;
	[tilespmem:$0x18600] =	vst v63  }
0x11a: {  	v3 =	vld [tilespmem:$0x170];
	_ =	sdelay $0x4  }
0x11b: {  	v47 =	vshll.u32 v3, $0x1  }
0x11c: {  	v3 =	vand.u32 $0x7, v3;
	v4 =	vand.u32 $0xFFFFFFF0, v47  }
0x11d: {  	v3 =	vor.u32 v3, v4  }
0x11e: {  	v4 =	vperm.xlane v3, v0;
	_ =	sdelay $0x1  }
0x11f: {  	v3 =	vperm.xlane v3, v2;
	v4 =	vadd.s32 v1, v4;
	_ =	sdelay $0x1  }
0x120: {  	v3 =	vadd.s32 v1, v3;
	_ =	sdelay $0x1  }
0x121: {  	s4 =	simm.s32 $0x17600  }
0x122: {  	[tilespmem:s4], [sflag:$0x3] =	stream.indirect_vreg.gather [hbm4b:s1+s3], $0x80, v4, vm0, $0xb8;
	[tilespmem:$0x18600] =	vst v63  }
0x123: {  	s4 =	simm.s32 $0x17E00  }
0x124: {  	[tilespmem:s4], [sflag:$0x3] =	stream.indirect_vreg.gather [hbm4b:s1+s3], $0x80, v3, vm0, $0xb8;
	[tilespmem:$0x18600] =	vst v63  }
0x125: {  	_ =	swait.ge [sflag:s31], $0x8000  }
0x126: {  	[sflag:s31] =	ssyncset.done $0x0  }
0x127: {  	s4 =	rddreg [dreg:$0x12];
	[sflag:s31] =	ssyncadd.s32 $0xFFFF8000  }
0x128: {  	[hbm4b:s4+s3] =	stream.linear.scatter [tilespmem:s23], [sflag:$0x4], $0x8000, $0x38;
	[tilespmem:$0x18600] =	vst v63  }
0x129: {  	_ =	swait.ge [sflag:s6], $0x8000  }
0x12a: {  	[sflag:s6] =	ssyncset.done $0x0  }
0x12b: {  	[sflag:s6] =	ssyncadd.s32 $0xFFFF8000  }
0x12c: {  	v3 =	vld [tilespmem:$0x180];
	_ =	sdelay $0x4  }
0x12d: {  	v48 =	vshll.u32 v3, $0x1  }
0x12e: {  	v3 =	vand.u32 $0x7, v3;
	v4 =	vand.u32 $0xFFFFFFF0, v48  }
0x12f: {  	v3 =	vor.u32 v3, v4  }
0x130: {  	v4 =	vperm.xlane v3, v0;
	_ =	sdelay $0x1  }
0x131: {  	v3 =	vperm.xlane v3, v2;
	v4 =	vadd.s32 v1, v4;
	_ =	sdelay $0x1  }
0x132: {  	v3 =	vadd.s32 v1, v3;
	_ =	sdelay $0x2  }
0x133: {  	[tilespmem:s23], [sflag:$0x1] =	stream.indirect_vreg.gather [hbm4b:s1+s3], $0x80, v4, vm0, $0xb8;
	[tilespmem:$0x18600] =	vst v63  }
0x134: {  	s13 =	simm.s32 $0xE00  }
0x135: {  	[tilespmem:s13], [sflag:$0x1] =	stream.indirect_vreg.gather [hbm4b:s1+s3], $0x80, v3, vm0, $0xb8;
	[tilespmem:$0x18600] =	vst v63  }
0x136: {  	v3 =	vld [tilespmem:$0x190];
	_ =	sdelay $0x4  }
0x137: {  	v49 =	vshll.u32 v3, $0x1  }
0x138: {  	v3 =	vand.u32 $0x7, v3;
	v4 =	vand.u32 $0xFFFFFFF0, v49  }
0x139: {  	v3 =	vor.u32 v3, v4  }
0x13a: {  	v4 =	vperm.xlane v3, v0;
	_ =	sdelay $0x1  }
0x13b: {  	v3 =	vperm.xlane v3, v2;
	v4 =	vadd.s32 v1, v4;
	_ =	sdelay $0x1  }
0x13c: {  	v3 =	vadd.s32 v1, v3;
	_ =	sdelay $0x1  }
0x13d: {  	s17 =	simm.s32 $0x1600  }
0x13e: {  	[tilespmem:s17], [sflag:$0x1] =	stream.indirect_vreg.gather [hbm4b:s1+s3], $0x80, v4, vm0, $0xb8;
	[tilespmem:$0x18600] =	vst v63  }
0x13f: {  	s9 =	simm.s32 $0x1E00  }
0x140: {  	[tilespmem:s9], [sflag:$0x1] =	stream.indirect_vreg.gather [hbm4b:s1+s3], $0x80, v3, vm0, $0xb8;
	[tilespmem:$0x18600] =	vst v63  }
0x141: {  	v3 =	vld [tilespmem:$0x1A0];
	_ =	sdelay $0x4  }
0x142: {  	v50 =	vshll.u32 v3, $0x1  }
0x143: {  	v3 =	vand.u32 $0x7, v3;
	v4 =	vand.u32 $0xFFFFFFF0, v50  }
0x144: {  	v3 =	vor.u32 v3, v4  }
0x145: {  	v4 =	vperm.xlane v3, v0;
	_ =	sdelay $0x1  }
0x146: {  	v3 =	vperm.xlane v3, v2;
	v4 =	vadd.s32 v1, v4;
	_ =	sdelay $0x1  }
0x147: {  	v3 =	vadd.s32 v1, v3;
	_ =	sdelay $0x1  }
0x148: {  	s18 =	simm.s32 $0x2600  }
0x149: {  	[tilespmem:s18], [sflag:$0x1] =	stream.indirect_vreg.gather [hbm4b:s1+s3], $0x80, v4, vm0, $0xb8;
	[tilespmem:$0x18600] =	vst v63  }
0x14a: {  	s10 =	simm.s32 $0x2E00  }
0x14b: {  	[tilespmem:s10], [sflag:$0x1] =	stream.indirect_vreg.gather [hbm4b:s1+s3], $0x80, v3, vm0, $0xb8;
	[tilespmem:$0x18600] =	vst v63  }
0x14c: {  	v3 =	vld [tilespmem:$0x1B0];
	_ =	sdelay $0x4  }
0x14d: {  	v51 =	vshll.u32 v3, $0x1  }
0x14e: {  	v3 =	vand.u32 $0x7, v3;
	v4 =	vand.u32 $0xFFFFFFF0, v51  }
0x14f: {  	v3 =	vor.u32 v3, v4  }
0x150: {  	v4 =	vperm.xlane v3, v0;
	_ =	sdelay $0x1  }
0x151: {  	v3 =	vperm.xlane v3, v2;
	v4 =	vadd.s32 v1, v4;
	_ =	sdelay $0x1  }
0x152: {  	v3 =	vadd.s32 v1, v3;
	_ =	sdelay $0x1  }
0x153: {  	s19 =	simm.s32 $0x3600  }
0x154: {  	[tilespmem:s19], [sflag:$0x1] =	stream.indirect_vreg.gather [hbm4b:s1+s3], $0x80, v4, vm0, $0xb8;
	[tilespmem:$0x18600] =	vst v63  }
0x155: {  	s11 =	simm.s32 $0x3E00  }
0x156: {  	[tilespmem:s11], [sflag:$0x1] =	stream.indirect_vreg.gather [hbm4b:s1+s3], $0x80, v3, vm0, $0xb8;
	[tilespmem:$0x18600] =	vst v63  }
0x157: {  	v3 =	vld [tilespmem:$0x1C0];
	_ =	sdelay $0x4  }
0x158: {  	v52 =	vshll.u32 v3, $0x1  }
0x159: {  	v3 =	vand.u32 $0x7, v3;
	v4 =	vand.u32 $0xFFFFFFF0, v52  }
0x15a: {  	v3 =	vor.u32 v3, v4  }
0x15b: {  	v4 =	vperm.xlane v3, v0;
	_ =	sdelay $0x1  }
0x15c: {  	v3 =	vperm.xlane v3, v2;
	v4 =	vadd.s32 v1, v4;
	_ =	sdelay $0x1  }
0x15d: {  	v3 =	vadd.s32 v1, v3;
	_ =	sdelay $0x1  }
0x15e: {  	s20 =	simm.s32 $0x4600  }
0x15f: {  	[tilespmem:s20], [sflag:$0x1] =	stream.indirect_vreg.gather [hbm4b:s1+s3], $0x80, v4, vm0, $0xb8;
	[tilespmem:$0x18600] =	vst v63  }
0x160: {  	s12 =	simm.s32 $0x4E00  }
0x161: {  	[tilespmem:s12], [sflag:$0x1] =	stream.indirect_vreg.gather [hbm4b:s1+s3], $0x80, v3, vm0, $0xb8;
	[tilespmem:$0x18600] =	vst v63  }
0x162: {  	v3 =	vld [tilespmem:$0x1D0];
	_ =	sdelay $0x4  }
0x163: {  	v53 =	vshll.u32 v3, $0x1  }
0x164: {  	v3 =	vand.u32 $0x7, v3;
	v4 =	vand.u32 $0xFFFFFFF0, v53  }
0x165: {  	v3 =	vor.u32 v3, v4  }
0x166: {  	v4 =	vperm.xlane v3, v0;
	_ =	sdelay $0x1  }
0x167: {  	v3 =	vperm.xlane v3, v2;
	v4 =	vadd.s32 v1, v4;
	_ =	sdelay $0x1  }
0x168: {  	v3 =	vadd.s32 v1, v3;
	_ =	sdelay $0x1  }
0x169: {  	s21 =	simm.s32 $0x5600  }
0x16a: {  	[tilespmem:s21], [sflag:$0x1] =	stream.indirect_vreg.gather [hbm4b:s1+s3], $0x80, v4, vm0, $0xb8;
	[tilespmem:$0x18600] =	vst v63  }
0x16b: {  	s14 =	simm.s32 $0x5E00  }
0x16c: {  	[tilespmem:s14], [sflag:$0x1] =	stream.indirect_vreg.gather [hbm4b:s1+s3], $0x80, v3, vm0, $0xb8;
	[tilespmem:$0x18600] =	vst v63  }
0x16d: {  	v3 =	vld [tilespmem:$0x1E0];
	_ =	sdelay $0x4  }
0x16e: {  	v54 =	vshll.u32 v3, $0x1  }
0x16f: {  	v3 =	vand.u32 $0x7, v3;
	v4 =	vand.u32 $0xFFFFFFF0, v54  }
0x170: {  	v3 =	vor.u32 v3, v4  }
0x171: {  	v4 =	vperm.xlane v3, v0;
	_ =	sdelay $0x1  }
0x172: {  	v3 =	vperm.xlane v3, v2;
	v4 =	vadd.s32 v1, v4;
	_ =	sdelay $0x1  }
0x173: {  	v3 =	vadd.s32 v1, v3;
	_ =	sdelay $0x1  }
0x174: {  	s22 =	simm.s32 $0x6600  }
0x175: {  	[tilespmem:s22], [sflag:$0x1] =	stream.indirect_vreg.gather [hbm4b:s1+s3], $0x80, v4, vm0, $0xb8;
	[tilespmem:$0x18600] =	vst v63  }
0x176: {  	s15 =	simm.s32 $0x6E00  }
0x177: {  	[tilespmem:s15], [sflag:$0x1] =	stream.indirect_vreg.gather [hbm4b:s1+s3], $0x80, v3, vm0, $0xb8;
	[tilespmem:$0x18600] =	vst v63  }
0x178: {  	v3 =	vld [tilespmem:$0x1F0];
	_ =	sdelay $0x4  }
0x179: {  	v55 =	vshll.u32 v3, $0x1  }
0x17a: {  	v3 =	vand.u32 $0x7, v3;
	v4 =	vand.u32 $0xFFFFFFF0, v55  }
0x17b: {  	v3 =	vor.u32 v3, v4  }
0x17c: {  	v4 =	vperm.xlane v3, v0;
	_ =	sdelay $0x1  }
0x17d: {  	v3 =	vperm.xlane v3, v2;
	v4 =	vadd.s32 v1, v4;
	_ =	sdelay $0x1  }
0x17e: {  	v3 =	vadd.s32 v1, v3;
	_ =	sdelay $0x1  }
0x17f: {  	s8 =	simm.s32 $0x7600  }
0x180: {  	[tilespmem:s8], [sflag:$0x1] =	stream.indirect_vreg.gather [hbm4b:s1+s3], $0x80, v4, vm0, $0xb8;
	[tilespmem:$0x18600] =	vst v63  }
0x181: {  	s16 =	simm.s32 $0x7E00  }
0x182: {  	[tilespmem:s16], [sflag:$0x1] =	stream.indirect_vreg.gather [hbm4b:s1+s3], $0x80, v3, vm0, $0xb8;
	[tilespmem:$0x18600] =	vst v63  }
0x183: {  	_ =	swait.ge [sflag:s2], $0x8000  }
0x184: {  	[sflag:s2] =	ssyncset.done $0x0  }
0x185: {  	s22 =	rddreg [dreg:$0x6];
	[sflag:s2] =	ssyncadd.s32 $0xFFFF8000  }
0x186: {  	[hbm4b:s22+s3] =	stream.linear.scatter [tilespmem:s7], [sflag:$0x4], $0x8000, $0x38;
	[tilespmem:$0x18600] =	vst v63  }
0x187: {  	_ =	swait.ge [sflag:s6], $0x8000  }
0x188: {  	[sflag:s6] =	ssyncset.done $0x0  }
0x189: {  	[sflag:s6] =	ssyncadd.s32 $0xFFFF8000  }
0x18a: {  	v3 =	vld [tilespmem:$0x200];
	_ =	sdelay $0x4  }
0x18b: {  	v56 =	vshll.u32 v3, $0x1  }
0x18c: {  	v3 =	vand.u32 $0x7, v3;
	v4 =	vand.u32 $0xFFFFFFF0, v56  }
0x18d: {  	v3 =	vor.u32 v3, v4  }
0x18e: {  	v4 =	vperm.xlane v3, v0;
	_ =	sdelay $0x1  }
0x18f: {  	v3 =	vperm.xlane v3, v2;
	v4 =	vadd.s32 v1, v4;
	_ =	sdelay $0x1  }
0x190: {  	v3 =	vadd.s32 v1, v3;
	_ =	sdelay $0x2  }
0x191: {  	[tilespmem:s7], [sflag:$0x2] =	stream.indirect_vreg.gather [hbm4b:s1+s3], $0x80, v4, vm0, $0xb8;
	[tilespmem:$0x18600] =	vst v63  }
0x192: {  	s25 =	simm.s32 $0x8E00  }
0x193: {  	[tilespmem:s25], [sflag:$0x2] =	stream.indirect_vreg.gather [hbm4b:s1+s3], $0x80, v3, vm0, $0xb8;
	[tilespmem:$0x18600] =	vst v63  }
0x194: {  	v3 =	vld [tilespmem:$0x210];
	_ =	sdelay $0x4  }
0x195: {  	v57 =	vshll.u32 v3, $0x1  }
0x196: {  	v3 =	vand.u32 $0x7, v3;
	v4 =	vand.u32 $0xFFFFFFF0, v57  }
0x197: {  	v3 =	vor.u32 v3, v4  }
0x198: {  	v4 =	vperm.xlane v3, v0;
	_ =	sdelay $0x1  }
0x199: {  	v3 =	vperm.xlane v3, v2;
	v4 =	vadd.s32 v1, v4;
	_ =	sdelay $0x1  }
0x19a: {  	v3 =	vadd.s32 v1, v3;
	_ =	sdelay $0x1  }
0x19b: {  	s25 =	simm.s32 $0x9600  }
0x19c: {  	[tilespmem:s25], [sflag:$0x2] =	stream.indirect_vreg.gather [hbm4b:s1+s3], $0x80, v4, vm0, $0xb8;
	[tilespmem:$0x18600] =	vst v63  }
0x19d: {  	s8 =	simm.s32 $0x9E00  }
0x19e: {  	[tilespmem:s8], [sflag:$0x2] =	stream.indirect_vreg.gather [hbm4b:s1+s3], $0x80, v3, vm0, $0xb8;
	[tilespmem:$0x18600] =	vst v63  }
0x19f: {  	v3 =	vld [tilespmem:$0x220];
	_ =	sdelay $0x4  }
0x1a0: {  	v58 =	vshll.u32 v3, $0x1  }
0x1a1: {  	v3 =	vand.u32 $0x7, v3;
	v4 =	vand.u32 $0xFFFFFFF0, v58  }
0x1a2: {  	v3 =	vor.u32 v3, v4  }
0x1a3: {  	v4 =	vperm.xlane v3, v0;
	_ =	sdelay $0x1  }
0x1a4: {  	v3 =	vperm.xlane v3, v2;
	v4 =	vadd.s32 v1, v4;
	_ =	sdelay $0x1  }
0x1a5: {  	v3 =	vadd.s32 v1, v3;
	_ =	sdelay $0x1  }
0x1a6: {  	s9 =	simm.s32 $0xA600  }
0x1a7: {  	[tilespmem:s9], [sflag:$0x2] =	stream.indirect_vreg.gather [hbm4b:s1+s3], $0x80, v4, vm0, $0xb8;
	[tilespmem:$0x18600] =	vst v63  }
0x1a8: {  	s26 =	simm.s32 $0xAE00  }
0x1a9: {  	[tilespmem:s26], [sflag:$0x2] =	stream.indirect_vreg.gather [hbm4b:s1+s3], $0x80, v3, vm0, $0xb8;
	[tilespmem:$0x18600] =	vst v63  }
0x1aa: {  	v3 =	vld [tilespmem:$0x230];
	_ =	sdelay $0x4  }
0x1ab: {  	v59 =	vshll.u32 v3, $0x1  }
0x1ac: {  	v3 =	vand.u32 $0x7, v3;
	v4 =	vand.u32 $0xFFFFFFF0, v59  }
0x1ad: {  	v3 =	vor.u32 v3, v4  }
0x1ae: {  	v4 =	vperm.xlane v3, v0;
	_ =	sdelay $0x1  }
0x1af: {  	v3 =	vperm.xlane v3, v2;
	v4 =	vadd.s32 v1, v4;
	_ =	sdelay $0x1  }
0x1b0: {  	v3 =	vadd.s32 v1, v3;
	_ =	sdelay $0x1  }
0x1b1: {  	s10 =	simm.s32 $0xB600  }
0x1b2: {  	[tilespmem:s10], [sflag:$0x2] =	stream.indirect_vreg.gather [hbm4b:s1+s3], $0x80, v4, vm0, $0xb8;
	[tilespmem:$0x18600] =	vst v63  }
0x1b3: {  	s28 =	simm.s32 $0xBE00  }
0x1b4: {  	[tilespmem:s28], [sflag:$0x2] =	stream.indirect_vreg.gather [hbm4b:s1+s3], $0x80, v3, vm0, $0xb8;
	[tilespmem:$0x18600] =	vst v63  }
0x1b5: {  	v3 =	vld [tilespmem:$0x240];
	_ =	sdelay $0x4  }
0x1b6: {  	v60 =	vshll.u32 v3, $0x1  }
0x1b7: {  	v3 =	vand.u32 $0x7, v3;
	v4 =	vand.u32 $0xFFFFFFF0, v60  }
0x1b8: {  	v3 =	vor.u32 v3, v4  }
0x1b9: {  	v4 =	vperm.xlane v3, v0;
	_ =	sdelay $0x1  }
0x1ba: {  	v3 =	vperm.xlane v3, v2;
	v4 =	vadd.s32 v1, v4;
	_ =	sdelay $0x1  }
0x1bb: {  	v3 =	vadd.s32 v1, v3;
	_ =	sdelay $0x1  }
0x1bc: {  	s11 =	simm.s32 $0xC600  }
0x1bd: {  	[tilespmem:s11], [sflag:$0x2] =	stream.indirect_vreg.gather [hbm4b:s1+s3], $0x80, v4, vm0, $0xb8;
	[tilespmem:$0x18600] =	vst v63  }
0x1be: {  	s29 =	simm.s32 $0xCE00  }
0x1bf: {  	[tilespmem:s29], [sflag:$0x2] =	stream.indirect_vreg.gather [hbm4b:s1+s3], $0x80, v3, vm0, $0xb8;
	[tilespmem:$0x18600] =	vst v63  }
0x1c0: {  	v3 =	vld [tilespmem:$0x250];
	_ =	sdelay $0x4  }
0x1c1: {  	v61 =	vshll.u32 v3, $0x1  }
0x1c2: {  	v3 =	vand.u32 $0x7, v3;
	v4 =	vand.u32 $0xFFFFFFF0, v61  }
0x1c3: {  	v3 =	vor.u32 v3, v4  }
0x1c4: {  	v4 =	vperm.xlane v3, v0;
	_ =	sdelay $0x1  }
0x1c5: {  	v3 =	vperm.xlane v3, v2;
	v4 =	vadd.s32 v1, v4;
	_ =	sdelay $0x1  }
0x1c6: {  	v3 =	vadd.s32 v1, v3;
	_ =	sdelay $0x1  }
0x1c7: {  	s12 =	simm.s32 $0xD600  }
0x1c8: {  	[tilespmem:s12], [sflag:$0x2] =	stream.indirect_vreg.gather [hbm4b:s1+s3], $0x80, v4, vm0, $0xb8;
	[tilespmem:$0x18600] =	vst v63  }
0x1c9: {  	s30 =	simm.s32 $0xDE00  }
0x1ca: {  	[tilespmem:s30], [sflag:$0x2] =	stream.indirect_vreg.gather [hbm4b:s1+s3], $0x80, v3, vm0, $0xb8;
	[tilespmem:$0x18600] =	vst v63  }
0x1cb: {  	v3 =	vld [tilespmem:$0x260];
	_ =	sdelay $0x4  }
0x1cc: {  	v62 =	vshll.u32 v3, $0x1  }
0x1cd: {  	v3 =	vand.u32 $0x7, v3;
	v4 =	vand.u32 $0xFFFFFFF0, v62  }
0x1ce: {  	v3 =	vor.u32 v3, v4  }
0x1cf: {  	v4 =	vperm.xlane v3, v0;
	_ =	sdelay $0x1  }
0x1d0: {  	v3 =	vperm.xlane v3, v2;
	v4 =	vadd.s32 v1, v4;
	_ =	sdelay $0x1  }
0x1d1: {  	v3 =	vadd.s32 v1, v3;
	_ =	sdelay $0x1  }
0x1d2: {  	s13 =	simm.s32 $0xE600  }
0x1d3: {  	[tilespmem:s13], [sflag:$0x2] =	stream.indirect_vreg.gather [hbm4b:s1+s3], $0x80, v4, vm0, $0xb8;
	[tilespmem:$0x18600] =	vst v63  }
0x1d4: {  	s14 =	simm.s32 $0xEE00  }
0x1d5: {  	[tilespmem:s14], [sflag:$0x2] =	stream.indirect_vreg.gather [hbm4b:s1+s3], $0x80, v3, vm0, $0xb8;
	[tilespmem:$0x18600] =	vst v63  }
0x1d6: {  	v3 =	vld [tilespmem:$0x270];
	_ =	sdelay $0x4  }
0x1d7: {  	v63 =	vshll.u32 v3, $0x1  }
0x1d8: {  	v3 =	vand.u32 $0x7, v3;
	v4 =	vand.u32 $0xFFFFFFF0, v63  }
0x1d9: {  	v3 =	vor.u32 v3, v4  }
0x1da: {  	v4 =	vperm.xlane v3, v0;
	_ =	sdelay $0x1  }
0x1db: {  	v3 =	vperm.xlane v3, v2;
	v4 =	vadd.s32 v1, v4;
	_ =	sdelay $0x1  }
0x1dc: {  	v3 =	vadd.s32 v1, v3;
	_ =	sdelay $0x1  }
0x1dd: {  	s15 =	simm.s32 $0xF600  }
0x1de: {  	[tilespmem:s15], [sflag:$0x2] =	stream.indirect_vreg.gather [hbm4b:s1+s3], $0x80, v4, vm0, $0xb8;
	[tilespmem:$0x18600] =	vst v63  }
0x1df: {  	s16 =	simm.s32 $0xFE00  }
0x1e0: {  	[tilespmem:s16], [sflag:$0x2] =	stream.indirect_vreg.gather [hbm4b:s1+s3], $0x80, v3, vm0, $0xb8;
	[tilespmem:$0x18600] =	vst v63  }
0x1e1: {  	_ =	swait.ge [sflag:s0], $0x8000  }
0x1e2: {  	[sflag:s0] =	ssyncset.done $0x0  }
0x1e3: {  	s17 =	rddreg [dreg:$0x7];
	[sflag:s0] =	ssyncadd.s32 $0xFFFF8000  }
0x1e4: {  	[hbm4b:s17+s3] =	stream.linear.scatter [tilespmem:s24], [sflag:$0x4], $0x8000, $0x38;
	[tilespmem:$0x18600] =	vst v63  }
0x1e5: {  	_ =	swait.ge [sflag:s6], $0x8000  }
0x1e6: {  	[sflag:s6] =	ssyncset.done $0x0  }
0x1e7: {  	[sflag:s6] =	ssyncadd.s32 $0xFFFF8000  }
0x1e8: {  	v3 =	vld [tilespmem:$0x280];
	_ =	sdelay $0x4  }
0x1e9: {  	v8 =	vshll.u32 v3, $0x1  }
0x1ea: {  	v3 =	vand.u32 $0x7, v3;
	v4 =	vand.u32 $0xFFFFFFF0, v8  }
0x1eb: {  	v3 =	vor.u32 v3, v4  }
0x1ec: {  	v4 =	vperm.xlane v3, v0;
	_ =	sdelay $0x1  }
0x1ed: {  	v3 =	vperm.xlane v3, v2;
	v4 =	vadd.s32 v1, v4;
	_ =	sdelay $0x1  }
0x1ee: {  	v3 =	vadd.s32 v1, v3;
	_ =	sdelay $0x2  }
0x1ef: {  	[tilespmem:s24], [sflag:$0x3] =	stream.indirect_vreg.gather [hbm4b:s1+s3], $0x80, v4, vm0, $0xb8;
	[tilespmem:$0x18600] =	vst v63  }
0x1f0: {  	s18 =	simm.s32 $0x10E00  }
0x1f1: {  	[tilespmem:s18], [sflag:$0x3] =	stream.indirect_vreg.gather [hbm4b:s1+s3], $0x80, v3, vm0, $0xb8;
	[tilespmem:$0x18600] =	vst v63  }
0x1f2: {  	v3 =	vld [tilespmem:$0x290];
	_ =	sdelay $0x4  }
0x1f3: {  	v9 =	vshll.u32 v3, $0x1  }
0x1f4: {  	v3 =	vand.u32 $0x7, v3;
	v4 =	vand.u32 $0xFFFFFFF0, v9  }
0x1f5: {  	v3 =	vor.u32 v3, v4  }
0x1f6: {  	v4 =	vperm.xlane v3, v0;
	_ =	sdelay $0x1  }
0x1f7: {  	v3 =	vperm.xlane v3, v2;
	v4 =	vadd.s32 v1, v4;
	_ =	sdelay $0x1  }
0x1f8: {  	v3 =	vadd.s32 v1, v3;
	_ =	sdelay $0x1  }
0x1f9: {  	s19 =	simm.s32 $0x11600  }
0x1fa: {  	[tilespmem:s19], [sflag:$0x3] =	stream.indirect_vreg.gather [hbm4b:s1+s3], $0x80, v4, vm0, $0xb8;
	[tilespmem:$0x18600] =	vst v63  }
0x1fb: {  	s20 =	simm.s32 $0x11E00  }
0x1fc: {  	[tilespmem:s20], [sflag:$0x3] =	stream.indirect_vreg.gather [hbm4b:s1+s3], $0x80, v3, vm0, $0xb8;
	[tilespmem:$0x18600] =	vst v63  }
0x1fd: {  	v3 =	vld [tilespmem:$0x2A0];
	_ =	sdelay $0x4  }
0x1fe: {  	v10 =	vshll.u32 v3, $0x1  }
0x1ff: {  	v3 =	vand.u32 $0x7, v3;
	v4 =	vand.u32 $0xFFFFFFF0, v10  }
0x200: {  	v3 =	vor.u32 v3, v4  }
0x201: {  	v4 =	vperm.xlane v3, v0;
	_ =	sdelay $0x1  }
0x202: {  	v3 =	vperm.xlane v3, v2;
	v4 =	vadd.s32 v1, v4;
	_ =	sdelay $0x1  }
0x203: {  	v3 =	vadd.s32 v1, v3;
	_ =	sdelay $0x1  }
0x204: {  	s21 =	simm.s32 $0x12600  }
0x205: {  	[tilespmem:s21], [sflag:$0x3] =	stream.indirect_vreg.gather [hbm4b:s1+s3], $0x80, v4, vm0, $0xb8;
	[tilespmem:$0x18600] =	vst v63  }
0x206: {  	s22 =	simm.s32 $0x12E00  }
0x207: {  	[tilespmem:s22], [sflag:$0x3] =	stream.indirect_vreg.gather [hbm4b:s1+s3], $0x80, v3, vm0, $0xb8;
	[tilespmem:$0x18600] =	vst v63  }
0x208: {  	v3 =	vld [tilespmem:$0x2B0];
	_ =	sdelay $0x4  }
0x209: {  	v11 =	vshll.u32 v3, $0x1  }
0x20a: {  	v3 =	vand.u32 $0x7, v3;
	v4 =	vand.u32 $0xFFFFFFF0, v11  }
0x20b: {  	v3 =	vor.u32 v3, v4  }
0x20c: {  	v4 =	vperm.xlane v3, v0;
	_ =	sdelay $0x1  }
0x20d: {  	v3 =	vperm.xlane v3, v2;
	v4 =	vadd.s32 v1, v4;
	_ =	sdelay $0x1  }
0x20e: {  	v3 =	vadd.s32 v1, v3;
	_ =	sdelay $0x1  }
0x20f: {  	s26 =	simm.s32 $0x13600  }
0x210: {  	[tilespmem:s26], [sflag:$0x3] =	stream.indirect_vreg.gather [hbm4b:s1+s3], $0x80, v4, vm0, $0xb8;
	[tilespmem:$0x18600] =	vst v63  }
0x211: {  	s28 =	simm.s32 $0x13E00  }
0x212: {  	[tilespmem:s28], [sflag:$0x3] =	stream.indirect_vreg.gather [hbm4b:s1+s3], $0x80, v3, vm0, $0xb8;
	[tilespmem:$0x18600] =	vst v63  }
0x213: {  	v3 =	vld [tilespmem:$0x2C0];
	_ =	sdelay $0x4  }
0x214: {  	v12 =	vshll.u32 v3, $0x1  }
0x215: {  	v3 =	vand.u32 $0x7, v3;
	v4 =	vand.u32 $0xFFFFFFF0, v12  }
0x216: {  	v3 =	vor.u32 v3, v4  }
0x217: {  	v4 =	vperm.xlane v3, v0;
	_ =	sdelay $0x1  }
0x218: {  	v3 =	vperm.xlane v3, v2;
	v4 =	vadd.s32 v1, v4;
	_ =	sdelay $0x1  }
0x219: {  	v3 =	vadd.s32 v1, v3;
	_ =	sdelay $0x1  }
0x21a: {  	s29 =	simm.s32 $0x14600  }
0x21b: {  	[tilespmem:s29], [sflag:$0x3] =	stream.indirect_vreg.gather [hbm4b:s1+s3], $0x80, v4, vm0, $0xb8;
	[tilespmem:$0x18600] =	vst v63  }
0x21c: {  	s30 =	simm.s32 $0x14E00  }
0x21d: {  	[tilespmem:s30], [sflag:$0x3] =	stream.indirect_vreg.gather [hbm4b:s1+s3], $0x80, v3, vm0, $0xb8;
	[tilespmem:$0x18600] =	vst v63  }
0x21e: {  	v3 =	vld [tilespmem:$0x2D0];
	_ =	sdelay $0x4  }
0x21f: {  	v13 =	vshll.u32 v3, $0x1  }
0x220: {  	v3 =	vand.u32 $0x7, v3;
	v4 =	vand.u32 $0xFFFFFFF0, v13  }
0x221: {  	v3 =	vor.u32 v3, v4  }
0x222: {  	v4 =	vperm.xlane v3, v0;
	_ =	sdelay $0x1  }
0x223: {  	v3 =	vperm.xlane v3, v2;
	v4 =	vadd.s32 v1, v4;
	_ =	sdelay $0x1  }
0x224: {  	v3 =	vadd.s32 v1, v3;
	_ =	sdelay $0x1  }
0x225: {  	s11 =	simm.s32 $0x15600  }
0x226: {  	[tilespmem:s11], [sflag:$0x3] =	stream.indirect_vreg.gather [hbm4b:s1+s3], $0x80, v4, vm0, $0xb8;
	[tilespmem:$0x18600] =	vst v63  }
0x227: {  	s12 =	simm.s32 $0x15E00  }
0x228: {  	[tilespmem:s12], [sflag:$0x3] =	stream.indirect_vreg.gather [hbm4b:s1+s3], $0x80, v3, vm0, $0xb8;
	[tilespmem:$0x18600] =	vst v63  }
0x229: {  	v3 =	vld [tilespmem:$0x2E0];
	_ =	sdelay $0x4  }
0x22a: {  	v14 =	vshll.u32 v3, $0x1  }
0x22b: {  	v3 =	vand.u32 $0x7, v3;
	v4 =	vand.u32 $0xFFFFFFF0, v14  }
0x22c: {  	v3 =	vor.u32 v3, v4  }
0x22d: {  	v4 =	vperm.xlane v3, v0;
	_ =	sdelay $0x1  }
0x22e: {  	v3 =	vperm.xlane v3, v2;
	v4 =	vadd.s32 v1, v4;
	_ =	sdelay $0x1  }
0x22f: {  	v3 =	vadd.s32 v1, v3;
	_ =	sdelay $0x1  }
0x230: {  	s13 =	simm.s32 $0x16600  }
0x231: {  	[tilespmem:s13], [sflag:$0x3] =	stream.indirect_vreg.gather [hbm4b:s1+s3], $0x80, v4, vm0, $0xb8;
	[tilespmem:$0x18600] =	vst v63  }
0x232: {  	s21 =	simm.s32 $0x16E00  }
0x233: {  	[tilespmem:s21], [sflag:$0x3] =	stream.indirect_vreg.gather [hbm4b:s1+s3], $0x80, v3, vm0, $0xb8;
	[tilespmem:$0x18600] =	vst v63  }
0x234: {  	v3 =	vld [tilespmem:$0x2F0];
	_ =	sdelay $0x4  }
0x235: {  	v15 =	vshll.u32 v3, $0x1  }
0x236: {  	v3 =	vand.u32 $0x7, v3;
	v4 =	vand.u32 $0xFFFFFFF0, v15  }
0x237: {  	v3 =	vor.u32 v3, v4  }
0x238: {  	v4 =	vperm.xlane v3, v0;
	_ =	sdelay $0x1  }
0x239: {  	v3 =	vperm.xlane v3, v2;
	v4 =	vadd.s32 v1, v4;
	_ =	sdelay $0x1  }
0x23a: {  	v3 =	vadd.s32 v1, v3;
	_ =	sdelay $0x1  }
0x23b: {  	s22 =	simm.s32 $0x17600  }
0x23c: {  	[tilespmem:s22], [sflag:$0x3] =	stream.indirect_vreg.gather [hbm4b:s1+s3], $0x80, v4, vm0, $0xb8;
	[tilespmem:$0x18600] =	vst v63  }
0x23d: {  	s26 =	simm.s32 $0x17E00  }
0x23e: {  	[tilespmem:s26], [sflag:$0x3] =	stream.indirect_vreg.gather [hbm4b:s1+s3], $0x80, v3, vm0, $0xb8;
	[tilespmem:$0x18600] =	vst v63  }
0x23f: {  	_ =	swait.ge [sflag:s31], $0x8000  }
0x240: {  	[sflag:s31] =	ssyncset.done $0x0  }
0x241: {  	s28 =	rddreg [dreg:$0x8];
	[sflag:s31] =	ssyncadd.s32 $0xFFFF8000  }
0x242: {  	[hbm4b:s28+s3] =	stream.linear.scatter [tilespmem:s23], [sflag:$0x4], $0x8000, $0x38;
	[tilespmem:$0x18600] =	vst v63  }
0x243: {  	_ =	swait.ge [sflag:s6], $0x8000  }
0x244: {  	[sflag:s6] =	ssyncset.done $0x0  }
0x245: {  	[sflag:s6] =	ssyncadd.s32 $0xFFFF8000  }
0x246: {  	v3 =	vld [tilespmem:$0x300];
	_ =	sdelay $0x4  }
0x247: {  	v16 =	vshll.u32 v3, $0x1  }
0x248: {  	v3 =	vand.u32 $0x7, v3;
	v4 =	vand.u32 $0xFFFFFFF0, v16  }
0x249: {  	v3 =	vor.u32 v3, v4  }
0x24a: {  	v4 =	vperm.xlane v3, v0;
	_ =	sdelay $0x1  }
0x24b: {  	v3 =	vperm.xlane v3, v2;
	v4 =	vadd.s32 v1, v4;
	_ =	sdelay $0x1  }
0x24c: {  	v3 =	vadd.s32 v1, v3;
	_ =	sdelay $0x2  }
0x24d: {  	[tilespmem:s23], [sflag:$0x1] =	stream.indirect_vreg.gather [hbm4b:s1+s3], $0x80, v4, vm0, $0xb8;
	[tilespmem:$0x18600] =	vst v63  }
0x24e: {  	s29 =	simm.s32 $0xE00  }
0x24f: {  	[tilespmem:s29], [sflag:$0x1] =	stream.indirect_vreg.gather [hbm4b:s1+s3], $0x80, v3, vm0, $0xb8;
	[tilespmem:$0x18600] =	vst v63  }
0x250: {  	v3 =	vld [tilespmem:$0x310];
	_ =	sdelay $0x4  }
0x251: {  	v17 =	vshll.u32 v3, $0x1  }
0x252: {  	v3 =	vand.u32 $0x7, v3;
	v4 =	vand.u32 $0xFFFFFFF0, v17  }
0x253: {  	v3 =	vor.u32 v3, v4  }
0x254: {  	v4 =	vperm.xlane v3, v0;
	_ =	sdelay $0x1  }
0x255: {  	v3 =	vperm.xlane v3, v2;
	v4 =	vadd.s32 v1, v4;
	_ =	sdelay $0x1  }
0x256: {  	v3 =	vadd.s32 v1, v3;
	_ =	sdelay $0x1  }
0x257: {  	s30 =	simm.s32 $0x1600  }
0x258: {  	[tilespmem:s30], [sflag:$0x1] =	stream.indirect_vreg.gather [hbm4b:s1+s3], $0x80, v4, vm0, $0xb8;
	[tilespmem:$0x18600] =	vst v63  }
0x259: {  	s26 =	simm.s32 $0x1E00  }
0x25a: {  	[tilespmem:s26], [sflag:$0x1] =	stream.indirect_vreg.gather [hbm4b:s1+s3], $0x80, v3, vm0, $0xb8;
	[tilespmem:$0x18600] =	vst v63  }
0x25b: {  	v3 =	vld [tilespmem:$0x320];
	_ =	sdelay $0x4  }
0x25c: {  	v18 =	vshll.u32 v3, $0x1  }
0x25d: {  	v3 =	vand.u32 $0x7, v3;
	v4 =	vand.u32 $0xFFFFFFF0, v18  }
0x25e: {  	v3 =	vor.u32 v3, v4  }
0x25f: {  	v4 =	vperm.xlane v3, v0;
	_ =	sdelay $0x1  }
0x260: {  	v3 =	vperm.xlane v3, v2;
	v4 =	vadd.s32 v1, v4;
	_ =	sdelay $0x1  }
0x261: {  	v3 =	vadd.s32 v1, v3;
	_ =	sdelay $0x1  }
0x262: {  	s28 =	simm.s32 $0x2600  }
0x263: {  	[tilespmem:s28], [sflag:$0x1] =	stream.indirect_vreg.gather [hbm4b:s1+s3], $0x80, v4, vm0, $0xb8;
	[tilespmem:$0x18600] =	vst v63  }
0x264: {  	s29 =	simm.s32 $0x2E00  }
0x265: {  	[tilespmem:s29], [sflag:$0x1] =	stream.indirect_vreg.gather [hbm4b:s1+s3], $0x80, v3, vm0, $0xb8;
	[tilespmem:$0x18600] =	vst v63  }
0x266: {  	v3 =	vld [tilespmem:$0x330];
	_ =	sdelay $0x4  }
0x267: {  	v19 =	vshll.u32 v3, $0x1  }
0x268: {  	v3 =	vand.u32 $0x7, v3;
	v4 =	vand.u32 $0xFFFFFFF0, v19  }
0x269: {  	v3 =	vor.u32 v3, v4  }
0x26a: {  	v4 =	vperm.xlane v3, v0;
	_ =	sdelay $0x1  }
0x26b: {  	v3 =	vperm.xlane v3, v2;
	v4 =	vadd.s32 v1, v4;
	_ =	sdelay $0x1  }
0x26c: {  	v3 =	vadd.s32 v1, v3;
	_ =	sdelay $0x1  }
0x26d: {  	s30 =	simm.s32 $0x3600  }
0x26e: {  	[tilespmem:s30], [sflag:$0x1] =	stream.indirect_vreg.gather [hbm4b:s1+s3], $0x80, v4, vm0, $0xb8;
	[tilespmem:$0x18600] =	vst v63  }
0x26f: {  	s26 =	simm.s32 $0x3E00  }
0x270: {  	[tilespmem:s26], [sflag:$0x1] =	stream.indirect_vreg.gather [hbm4b:s1+s3], $0x80, v3, vm0, $0xb8;
	[tilespmem:$0x18600] =	vst v63  }
0x271: {  	v3 =	vld [tilespmem:$0x340];
	_ =	sdelay $0x4  }
0x272: {  	v20 =	vshll.u32 v3, $0x1  }
0x273: {  	v3 =	vand.u32 $0x7, v3;
	v4 =	vand.u32 $0xFFFFFFF0, v20  }
0x274: {  	v3 =	vor.u32 v3, v4  }
0x275: {  	v4 =	vperm.xlane v3, v0;
	_ =	sdelay $0x1  }
0x276: {  	v3 =	vperm.xlane v3, v2;
	v4 =	vadd.s32 v1, v4;
	_ =	sdelay $0x1  }
0x277: {  	v3 =	vadd.s32 v1, v3;
	_ =	sdelay $0x1  }
0x278: {  	s28 =	simm.s32 $0x4600  }
0x279: {  	[tilespmem:s28], [sflag:$0x1] =	stream.indirect_vreg.gather [hbm4b:s1+s3], $0x80, v4, vm0, $0xb8;
	[tilespmem:$0x18600] =	vst v63  }
0x27a: {  	s29 =	simm.s32 $0x4E00  }
0x27b: {  	[tilespmem:s29], [sflag:$0x1] =	stream.indirect_vreg.gather [hbm4b:s1+s3], $0x80, v3, vm0, $0xb8;
	[tilespmem:$0x18600] =	vst v63  }
0x27c: {  	v3 =	vld [tilespmem:$0x350];
	_ =	sdelay $0x4  }
0x27d: {  	v21 =	vshll.u32 v3, $0x1  }
0x27e: {  	v3 =	vand.u32 $0x7, v3;
	v4 =	vand.u32 $0xFFFFFFF0, v21  }
0x27f: {  	v3 =	vor.u32 v3, v4  }
0x280: {  	v4 =	vperm.xlane v3, v0;
	_ =	sdelay $0x1  }
0x281: {  	v3 =	vperm.xlane v3, v2;
	v4 =	vadd.s32 v1, v4;
	_ =	sdelay $0x1  }
0x282: {  	v3 =	vadd.s32 v1, v3;
	_ =	sdelay $0x1  }
0x283: {  	s30 =	simm.s32 $0x5600  }
0x284: {  	[tilespmem:s30], [sflag:$0x1] =	stream.indirect_vreg.gather [hbm4b:s1+s3], $0x80, v4, vm0, $0xb8;
	[tilespmem:$0x18600] =	vst v63  }
0x285: {  	s26 =	simm.s32 $0x5E00  }
0x286: {  	[tilespmem:s26], [sflag:$0x1] =	stream.indirect_vreg.gather [hbm4b:s1+s3], $0x80, v3, vm0, $0xb8;
	[tilespmem:$0x18600] =	vst v63  }
0x287: {  	v3 =	vld [tilespmem:$0x360];
	_ =	sdelay $0x4  }
0x288: {  	v22 =	vshll.u32 v3, $0x1  }
0x289: {  	v3 =	vand.u32 $0x7, v3;
	v4 =	vand.u32 $0xFFFFFFF0, v22  }
0x28a: {  	v3 =	vor.u32 v3, v4  }
0x28b: {  	v4 =	vperm.xlane v3, v0;
	_ =	sdelay $0x1  }
0x28c: {  	v3 =	vperm.xlane v3, v2;
	v4 =	vadd.s32 v1, v4;
	_ =	sdelay $0x1  }
0x28d: {  	v3 =	vadd.s32 v1, v3;
	_ =	sdelay $0x1  }
0x28e: {  	s28 =	simm.s32 $0x6600  }
0x28f: {  	[tilespmem:s28], [sflag:$0x1] =	stream.indirect_vreg.gather [hbm4b:s1+s3], $0x80, v4, vm0, $0xb8;
	[tilespmem:$0x18600] =	vst v63  }
0x290: {  	s29 =	simm.s32 $0x6E00  }
0x291: {  	[tilespmem:s29], [sflag:$0x1] =	stream.indirect_vreg.gather [hbm4b:s1+s3], $0x80, v3, vm0, $0xb8;
	[tilespmem:$0x18600] =	vst v63  }
0x292: {  	v3 =	vld [tilespmem:$0x370];
	_ =	sdelay $0x4  }
0x293: {  	v23 =	vshll.u32 v3, $0x1  }
0x294: {  	v3 =	vand.u32 $0x7, v3;
	v4 =	vand.u32 $0xFFFFFFF0, v23  }
0x295: {  	v3 =	vor.u32 v3, v4  }
0x296: {  	v4 =	vperm.xlane v3, v0;
	_ =	sdelay $0x1  }
0x297: {  	v3 =	vperm.xlane v3, v2;
	v4 =	vadd.s32 v1, v4;
	_ =	sdelay $0x1  }
0x298: {  	v3 =	vadd.s32 v1, v3;
	_ =	sdelay $0x1  }
0x299: {  	s30 =	simm.s32 $0x7600  }
0x29a: {  	[tilespmem:s30], [sflag:$0x1] =	stream.indirect_vreg.gather [hbm4b:s1+s3], $0x80, v4, vm0, $0xb8;
	[tilespmem:$0x18600] =	vst v63  }
0x29b: {  	s26 =	simm.s32 $0x7E00  }
0x29c: {  	[tilespmem:s26], [sflag:$0x1] =	stream.indirect_vreg.gather [hbm4b:s1+s3], $0x80, v3, vm0, $0xb8;
	[tilespmem:$0x18600] =	vst v63  }
0x29d: {  	_ =	swait.ge [sflag:s2], $0x8000  }
0x29e: {  	[sflag:s2] =	ssyncset.done $0x0  }
0x29f: {  	s28 =	rddreg [dreg:$0x9];
	[sflag:s2] =	ssyncadd.s32 $0xFFFF8000  }
0x2a0: {  	[hbm4b:s28+s3] =	stream.linear.scatter [tilespmem:s7], [sflag:$0x4], $0x8000, $0x38;
	[tilespmem:$0x18600] =	vst v63  }
0x2a1: {  	_ =	swait.ge [sflag:s6], $0x8000  }
0x2a2: {  	[sflag:s6] =	ssyncset.done $0x0  }
0x2a3: {  	[sflag:s6] =	ssyncadd.s32 $0xFFFF8000  }
0x2a4: {  	v3 =	vld [tilespmem:$0x380];
	_ =	sdelay $0x4  }
0x2a5: {  	v24 =	vshll.u32 v3, $0x1  }
0x2a6: {  	v3 =	vand.u32 $0x7, v3;
	v4 =	vand.u32 $0xFFFFFFF0, v24  }
0x2a7: {  	v3 =	vor.u32 v3, v4  }
0x2a8: {  	v4 =	vperm.xlane v3, v0;
	_ =	sdelay $0x1  }
0x2a9: {  	v3 =	vperm.xlane v3, v2;
	v4 =	vadd.s32 v1, v4;
	_ =	sdelay $0x1  }
0x2aa: {  	v3 =	vadd.s32 v1, v3;
	_ =	sdelay $0x2  }
0x2ab: {  	[tilespmem:s7], [sflag:$0x2] =	stream.indirect_vreg.gather [hbm4b:s1+s3], $0x80, v4, vm0, $0xb8;
	[tilespmem:$0x18600] =	vst v63  }
0x2ac: {  	s29 =	simm.s32 $0x8E00  }
0x2ad: {  	[tilespmem:s29], [sflag:$0x2] =	stream.indirect_vreg.gather [hbm4b:s1+s3], $0x80, v3, vm0, $0xb8;
	[tilespmem:$0x18600] =	vst v63  }
0x2ae: {  	v3 =	vld [tilespmem:$0x390];
	_ =	sdelay $0x4  }
0x2af: {  	v25 =	vshll.u32 v3, $0x1  }
0x2b0: {  	v3 =	vand.u32 $0x7, v3;
	v4 =	vand.u32 $0xFFFFFFF0, v25  }
0x2b1: {  	v3 =	vor.u32 v3, v4  }
0x2b2: {  	v4 =	vperm.xlane v3, v0;
	_ =	sdelay $0x1  }
0x2b3: {  	v3 =	vperm.xlane v3, v2;
	v4 =	vadd.s32 v1, v4;
	_ =	sdelay $0x1  }
0x2b4: {  	v3 =	vadd.s32 v1, v3;
	_ =	sdelay $0x1  }
0x2b5: {  	s25 =	simm.s32 $0x9600  }
0x2b6: {  	[tilespmem:s25], [sflag:$0x2] =	stream.indirect_vreg.gather [hbm4b:s1+s3], $0x80, v4, vm0, $0xb8;
	[tilespmem:$0x18600] =	vst v63  }
0x2b7: {  	s30 =	simm.s32 $0x9E00  }
0x2b8: {  	[tilespmem:s30], [sflag:$0x2] =	stream.indirect_vreg.gather [hbm4b:s1+s3], $0x80, v3, vm0, $0xb8;
	[tilespmem:$0x18600] =	vst v63  }
0x2b9: {  	v3 =	vld [tilespmem:$0x3A0];
	_ =	sdelay $0x4  }
0x2ba: {  	v26 =	vshll.u32 v3, $0x1  }
0x2bb: {  	v3 =	vand.u32 $0x7, v3;
	v4 =	vand.u32 $0xFFFFFFF0, v26  }
0x2bc: {  	v3 =	vor.u32 v3, v4  }
0x2bd: {  	v4 =	vperm.xlane v3, v0;
	_ =	sdelay $0x1  }
0x2be: {  	v3 =	vperm.xlane v3, v2;
	v4 =	vadd.s32 v1, v4;
	_ =	sdelay $0x1  }
0x2bf: {  	v3 =	vadd.s32 v1, v3;
	_ =	sdelay $0x1  }
0x2c0: {  	s26 =	simm.s32 $0xA600  }
0x2c1: {  	[tilespmem:s26], [sflag:$0x2] =	stream.indirect_vreg.gather [hbm4b:s1+s3], $0x80, v4, vm0, $0xb8;
	[tilespmem:$0x18600] =	vst v63  }
0x2c2: {  	s28 =	simm.s32 $0xAE00  }
0x2c3: {  	[tilespmem:s28], [sflag:$0x2] =	stream.indirect_vreg.gather [hbm4b:s1+s3], $0x80, v3, vm0, $0xb8;
	[tilespmem:$0x18600] =	vst v63  }
0x2c4: {  	v3 =	vld [tilespmem:$0x3B0];
	_ =	sdelay $0x4  }
0x2c5: {  	v27 =	vshll.u32 v3, $0x1  }
0x2c6: {  	v3 =	vand.u32 $0x7, v3;
	v4 =	vand.u32 $0xFFFFFFF0, v27  }
0x2c7: {  	v3 =	vor.u32 v3, v4  }
0x2c8: {  	v4 =	vperm.xlane v3, v0;
	_ =	sdelay $0x1  }
0x2c9: {  	v3 =	vperm.xlane v3, v2;
	v4 =	vadd.s32 v1, v4;
	_ =	sdelay $0x1  }
0x2ca: {  	v3 =	vadd.s32 v1, v3;
	_ =	sdelay $0x1  }
0x2cb: {  	s29 =	simm.s32 $0xB600  }
0x2cc: {  	[tilespmem:s29], [sflag:$0x2] =	stream.indirect_vreg.gather [hbm4b:s1+s3], $0x80, v4, vm0, $0xb8;
	[tilespmem:$0x18600] =	vst v63  }
0x2cd: {  	s30 =	simm.s32 $0xBE00  }
0x2ce: {  	[tilespmem:s30], [sflag:$0x2] =	stream.indirect_vreg.gather [hbm4b:s1+s3], $0x80, v3, vm0, $0xb8;
	[tilespmem:$0x18600] =	vst v63  }
0x2cf: {  	v3 =	vld [tilespmem:$0x3C0];
	_ =	sdelay $0x4  }
0x2d0: {  	v28 =	vshll.u32 v3, $0x1  }
0x2d1: {  	v3 =	vand.u32 $0x7, v3;
	v4 =	vand.u32 $0xFFFFFFF0, v28  }
0x2d2: {  	v3 =	vor.u32 v3, v4  }
0x2d3: {  	v4 =	vperm.xlane v3, v0;
	_ =	sdelay $0x1  }
0x2d4: {  	v3 =	vperm.xlane v3, v2;
	v4 =	vadd.s32 v1, v4;
	_ =	sdelay $0x1  }
0x2d5: {  	v3 =	vadd.s32 v1, v3;
	_ =	sdelay $0x1  }
0x2d6: {  	s29 =	simm.s32 $0xC600  }
0x2d7: {  	[tilespmem:s29], [sflag:$0x2] =	stream.indirect_vreg.gather [hbm4b:s1+s3], $0x80, v4, vm0, $0xb8;
	[tilespmem:$0x18600] =	vst v63  }
0x2d8: {  	s30 =	simm.s32 $0xCE00  }
0x2d9: {  	[tilespmem:s30], [sflag:$0x2] =	stream.indirect_vreg.gather [hbm4b:s1+s3], $0x80, v3, vm0, $0xb8;
	[tilespmem:$0x18600] =	vst v63  }
0x2da: {  	v3 =	vld [tilespmem:$0x3D0];
	_ =	sdelay $0x4  }
0x2db: {  	v29 =	vshll.u32 v3, $0x1  }
0x2dc: {  	v3 =	vand.u32 $0x7, v3;
	v4 =	vand.u32 $0xFFFFFFF0, v29  }
0x2dd: {  	v3 =	vor.u32 v3, v4  }
0x2de: {  	v4 =	vperm.xlane v3, v0;
	_ =	sdelay $0x1  }
0x2df: {  	v3 =	vperm.xlane v3, v2;
	v4 =	vadd.s32 v1, v4;
	_ =	sdelay $0x1  }
0x2e0: {  	v3 =	vadd.s32 v1, v3;
	_ =	sdelay $0x1  }
0x2e1: {  	s30 =	simm.s32 $0xD600  }
0x2e2: {  	[tilespmem:s30], [sflag:$0x2] =	stream.indirect_vreg.gather [hbm4b:s1+s3], $0x80, v4, vm0, $0xb8;
	[tilespmem:$0x18600] =	vst v63  }
0x2e3: {  	s4 =	simm.s32 $0xDE00  }
0x2e4: {  	[tilespmem:s4], [sflag:$0x2] =	stream.indirect_vreg.gather [hbm4b:s1+s3], $0x80, v3, vm0, $0xb8;
	[tilespmem:$0x18600] =	vst v63  }
0x2e5: {  	v3 =	vld [tilespmem:$0x3E0];
	_ =	sdelay $0x4  }
0x2e6: {  	v30 =	vshll.u32 v3, $0x1  }
0x2e7: {  	v3 =	vand.u32 $0x7, v3;
	v4 =	vand.u32 $0xFFFFFFF0, v30  }
0x2e8: {  	v3 =	vor.u32 v3, v4  }
0x2e9: {  	v4 =	vperm.xlane v3, v0;
	_ =	sdelay $0x1  }
0x2ea: {  	v3 =	vperm.xlane v3, v2;
	v4 =	vadd.s32 v1, v4;
	_ =	sdelay $0x1  }
0x2eb: {  	v3 =	vadd.s32 v1, v3;
	_ =	sdelay $0x1  }
0x2ec: {  	s4 =	simm.s32 $0xE600  }
0x2ed: {  	[tilespmem:s4], [sflag:$0x2] =	stream.indirect_vreg.gather [hbm4b:s1+s3], $0x80, v4, vm0, $0xb8;
	[tilespmem:$0x18600] =	vst v63  }
0x2ee: {  	s4 =	simm.s32 $0xEE00  }
0x2ef: {  	[tilespmem:s4], [sflag:$0x2] =	stream.indirect_vreg.gather [hbm4b:s1+s3], $0x80, v3, vm0, $0xb8;
	[tilespmem:$0x18600] =	vst v63  }
0x2f0: {  	v3 =	vld [tilespmem:$0x3F0];
	_ =	sdelay $0x4  }
0x2f1: {  	v31 =	vshll.u32 v3, $0x1  }
0x2f2: {  	v3 =	vand.u32 $0x7, v3;
	v4 =	vand.u32 $0xFFFFFFF0, v31  }
0x2f3: {  	v3 =	vor.u32 v3, v4  }
0x2f4: {  	v4 =	vperm.xlane v3, v0;
	_ =	sdelay $0x1  }
0x2f5: {  	v3 =	vperm.xlane v3, v2;
	v4 =	vadd.s32 v1, v4;
	_ =	sdelay $0x1  }
0x2f6: {  	v3 =	vadd.s32 v1, v3;
	_ =	sdelay $0x1  }
0x2f7: {  	s4 =	simm.s32 $0xF600  }
0x2f8: {  	[tilespmem:s4], [sflag:$0x2] =	stream.indirect_vreg.gather [hbm4b:s1+s3], $0x80, v4, vm0, $0xb8;
	[tilespmem:$0x18600] =	vst v63  }
0x2f9: {  	s4 =	simm.s32 $0xFE00  }
0x2fa: {  	[tilespmem:s4], [sflag:$0x2] =	stream.indirect_vreg.gather [hbm4b:s1+s3], $0x80, v3, vm0, $0xb8;
	[tilespmem:$0x18600] =	vst v63  }
0x2fb: {  	_ =	swait.ge [sflag:s0], $0x8000  }
0x2fc: {  	[sflag:s0] =	ssyncset.done $0x0  }
0x2fd: {  	s4 =	rddreg [dreg:$0xa];
	[sflag:s0] =	ssyncadd.s32 $0xFFFF8000  }
0x2fe: {  	[hbm4b:s4+s3] =	stream.linear.scatter [tilespmem:s24], [sflag:$0x4], $0x8000, $0x38;
	[tilespmem:$0x18600] =	vst v63  }
0x2ff: {  	_ =	swait.ge [sflag:s6], $0x8000  }
0x300: {  	[sflag:s6] =	ssyncset.done $0x0  }
0x301: {  	[sflag:s6] =	ssyncadd.s32 $0xFFFF8000  }
0x302: {  	v3 =	vld [tilespmem:$0x400];
	_ =	sdelay $0x4  }
0x303: {  	v32 =	vshll.u32 v3, $0x1  }
0x304: {  	v3 =	vand.u32 $0x7, v3;
	v4 =	vand.u32 $0xFFFFFFF0, v32  }
0x305: {  	v3 =	vor.u32 v3, v4  }
0x306: {  	v4 =	vperm.xlane v3, v0;
	_ =	sdelay $0x1  }
0x307: {  	v3 =	vperm.xlane v3, v2;
	v4 =	vadd.s32 v1, v4;
	_ =	sdelay $0x1  }
0x308: {  	v3 =	vadd.s32 v1, v3;
	_ =	sdelay $0x2  }
0x309: {  	[tilespmem:s24], [sflag:$0x3] =	stream.indirect_vreg.gather [hbm4b:s1+s3], $0x80, v4, vm0, $0xb8;
	[tilespmem:$0x18600] =	vst v63  }
0x30a: {  	s15 =	simm.s32 $0x10E00  }
0x30b: {  	[tilespmem:s15], [sflag:$0x3] =	stream.indirect_vreg.gather [hbm4b:s1+s3], $0x80, v3, vm0, $0xb8;
	[tilespmem:$0x18600] =	vst v63  }
0x30c: {  	v3 =	vld [tilespmem:$0x410];
	_ =	sdelay $0x4  }
0x30d: {  	v33 =	vshll.u32 v3, $0x1  }
0x30e: {  	v3 =	vand.u32 $0x7, v3;
	v4 =	vand.u32 $0xFFFFFFF0, v33  }
0x30f: {  	v3 =	vor.u32 v3, v4  }
0x310: {  	v4 =	vperm.xlane v3, v0;
	_ =	sdelay $0x1  }
0x311: {  	v3 =	vperm.xlane v3, v2;
	v4 =	vadd.s32 v1, v4;
	_ =	sdelay $0x1  }
0x312: {  	v3 =	vadd.s32 v1, v3;
	_ =	sdelay $0x1  }
0x313: {  	s8 =	simm.s32 $0x11600  }
0x314: {  	[tilespmem:s8], [sflag:$0x3] =	stream.indirect_vreg.gather [hbm4b:s1+s3], $0x80, v4, vm0, $0xb8;
	[tilespmem:$0x18600] =	vst v63  }
0x315: {  	s16 =	simm.s32 $0x11E00  }
0x316: {  	[tilespmem:s16], [sflag:$0x3] =	stream.indirect_vreg.gather [hbm4b:s1+s3], $0x80, v3, vm0, $0xb8;
	[tilespmem:$0x18600] =	vst v63  }
0x317: {  	v3 =	vld [tilespmem:$0x420];
	_ =	sdelay $0x4  }
0x318: {  	v34 =	vshll.u32 v3, $0x1  }
0x319: {  	v3 =	vand.u32 $0x7, v3;
	v4 =	vand.u32 $0xFFFFFFF0, v34  }
0x31a: {  	v3 =	vor.u32 v3, v4  }
0x31b: {  	v4 =	vperm.xlane v3, v0;
	_ =	sdelay $0x1  }
0x31c: {  	v3 =	vperm.xlane v3, v2;
	v4 =	vadd.s32 v1, v4;
	_ =	sdelay $0x1  }
0x31d: {  	v3 =	vadd.s32 v1, v3;
	_ =	sdelay $0x1  }
0x31e: {  	s9 =	simm.s32 $0x12600  }
0x31f: {  	[tilespmem:s9], [sflag:$0x3] =	stream.indirect_vreg.gather [hbm4b:s1+s3], $0x80, v4, vm0, $0xb8;
	[tilespmem:$0x18600] =	vst v63  }
0x320: {  	s17 =	simm.s32 $0x12E00  }
0x321: {  	[tilespmem:s17], [sflag:$0x3] =	stream.indirect_vreg.gather [hbm4b:s1+s3], $0x80, v3, vm0, $0xb8;
	[tilespmem:$0x18600] =	vst v63  }
0x322: {  	v3 =	vld [tilespmem:$0x430];
	_ =	sdelay $0x4  }
0x323: {  	v35 =	vshll.u32 v3, $0x1  }
0x324: {  	v3 =	vand.u32 $0x7, v3;
	v4 =	vand.u32 $0xFFFFFFF0, v35  }
0x325: {  	v3 =	vor.u32 v3, v4  }
0x326: {  	v4 =	vperm.xlane v3, v0;
	_ =	sdelay $0x1  }
0x327: {  	v3 =	vperm.xlane v3, v2;
	v4 =	vadd.s32 v1, v4;
	_ =	sdelay $0x1  }
0x328: {  	v3 =	vadd.s32 v1, v3;
	_ =	sdelay $0x1  }
0x329: {  	s14 =	simm.s32 $0x13600  }
0x32a: {  	[tilespmem:s14], [sflag:$0x3] =	stream.indirect_vreg.gather [hbm4b:s1+s3], $0x80, v4, vm0, $0xb8;
	[tilespmem:$0x18600] =	vst v63  }
0x32b: {  	s18 =	simm.s32 $0x13E00  }
0x32c: {  	[tilespmem:s18], [sflag:$0x3] =	stream.indirect_vreg.gather [hbm4b:s1+s3], $0x80, v3, vm0, $0xb8;
	[tilespmem:$0x18600] =	vst v63  }
0x32d: {  	v3 =	vld [tilespmem:$0x440];
	_ =	sdelay $0x4  }
0x32e: {  	v36 =	vshll.u32 v3, $0x1  }
0x32f: {  	v3 =	vand.u32 $0x7, v3;
	v4 =	vand.u32 $0xFFFFFFF0, v36  }
0x330: {  	v3 =	vor.u32 v3, v4  }
0x331: {  	v4 =	vperm.xlane v3, v0;
	_ =	sdelay $0x1  }
0x332: {  	v3 =	vperm.xlane v3, v2;
	v4 =	vadd.s32 v1, v4;
	_ =	sdelay $0x1  }
0x333: {  	v3 =	vadd.s32 v1, v3;
	_ =	sdelay $0x1  }
0x334: {  	s10 =	simm.s32 $0x14600  }
0x335: {  	[tilespmem:s10], [sflag:$0x3] =	stream.indirect_vreg.gather [hbm4b:s1+s3], $0x80, v4, vm0, $0xb8;
	[tilespmem:$0x18600] =	vst v63  }
0x336: {  	s19 =	simm.s32 $0x14E00  }
0x337: {  	[tilespmem:s19], [sflag:$0x3] =	stream.indirect_vreg.gather [hbm4b:s1+s3], $0x80, v3, vm0, $0xb8;
	[tilespmem:$0x18600] =	vst v63  }
0x338: {  	v3 =	vld [tilespmem:$0x450];
	_ =	sdelay $0x4  }
0x339: {  	v37 =	vshll.u32 v3, $0x1  }
0x33a: {  	v3 =	vand.u32 $0x7, v3;
	v4 =	vand.u32 $0xFFFFFFF0, v37  }
0x33b: {  	v3 =	vor.u32 v3, v4  }
0x33c: {  	v4 =	vperm.xlane v3, v0;
	_ =	sdelay $0x1  }
0x33d: {  	v3 =	vperm.xlane v3, v2;
	v4 =	vadd.s32 v1, v4;
	_ =	sdelay $0x1  }
0x33e: {  	v3 =	vadd.s32 v1, v3;
	_ =	sdelay $0x1  }
0x33f: {  	s11 =	simm.s32 $0x15600  }
0x340: {  	[tilespmem:s11], [sflag:$0x3] =	stream.indirect_vreg.gather [hbm4b:s1+s3], $0x80, v4, vm0, $0xb8;
	[tilespmem:$0x18600] =	vst v63  }
0x341: {  	s20 =	simm.s32 $0x15E00  }
0x342: {  	[tilespmem:s20], [sflag:$0x3] =	stream.indirect_vreg.gather [hbm4b:s1+s3], $0x80, v3, vm0, $0xb8;
	[tilespmem:$0x18600] =	vst v63  }
0x343: {  	v3 =	vld [tilespmem:$0x460];
	_ =	sdelay $0x4  }
0x344: {  	v38 =	vshll.u32 v3, $0x1  }
0x345: {  	v3 =	vand.u32 $0x7, v3;
	v4 =	vand.u32 $0xFFFFFFF0, v38  }
0x346: {  	v3 =	vor.u32 v3, v4  }
0x347: {  	v4 =	vperm.xlane v3, v0;
	_ =	sdelay $0x1  }
0x348: {  	v3 =	vperm.xlane v3, v2;
	v4 =	vadd.s32 v1, v4;
	_ =	sdelay $0x1  }
0x349: {  	v3 =	vadd.s32 v1, v3;
	_ =	sdelay $0x1  }
0x34a: {  	s12 =	simm.s32 $0x16600  }
0x34b: {  	[tilespmem:s12], [sflag:$0x3] =	stream.indirect_vreg.gather [hbm4b:s1+s3], $0x80, v4, vm0, $0xb8;
	[tilespmem:$0x18600] =	vst v63  }
0x34c: {  	s21 =	simm.s32 $0x16E00  }
0x34d: {  	[tilespmem:s21], [sflag:$0x3] =	stream.indirect_vreg.gather [hbm4b:s1+s3], $0x80, v3, vm0, $0xb8;
	[tilespmem:$0x18600] =	vst v63  }
0x34e: {  	v3 =	vld [tilespmem:$0x470];
	_ =	sdelay $0x4  }
0x34f: {  	v39 =	vshll.u32 v3, $0x1  }
0x350: {  	v3 =	vand.u32 $0x7, v3;
	v4 =	vand.u32 $0xFFFFFFF0, v39  }
0x351: {  	v3 =	vor.u32 v3, v4  }
0x352: {  	v4 =	vperm.xlane v3, v0;
	_ =	sdelay $0x1  }
0x353: {  	v3 =	vperm.xlane v3, v2;
	v4 =	vadd.s32 v1, v4;
	_ =	sdelay $0x1  }
0x354: {  	v3 =	vadd.s32 v1, v3;
	_ =	sdelay $0x1  }
0x355: {  	s13 =	simm.s32 $0x17600  }
0x356: {  	[tilespmem:s13], [sflag:$0x3] =	stream.indirect_vreg.gather [hbm4b:s1+s3], $0x80, v4, vm0, $0xb8;
	[tilespmem:$0x18600] =	vst v63  }
0x357: {  	s22 =	simm.s32 $0x17E00  }
0x358: {  	[tilespmem:s22], [sflag:$0x3] =	stream.indirect_vreg.gather [hbm4b:s1+s3], $0x80, v3, vm0, $0xb8;
	[tilespmem:$0x18600] =	vst v63  }
0x359: {  	_ =	swait.ge [sflag:s31], $0x8000  }
0x35a: {  	[sflag:s31] =	ssyncset.done $0x0  }
0x35b: {  	s4 =	rddreg [dreg:$0xb];
	[sflag:s31] =	ssyncadd.s32 $0xFFFF8000  }
0x35c: {  	[hbm4b:s4+s3] =	stream.linear.scatter [tilespmem:s23], [sflag:$0x4], $0x8000, $0x38;
	[tilespmem:$0x18600] =	vst v63  }
0x35d: {  	_ =	swait.ge [sflag:s6], $0x8000  }
0x35e: {  	[sflag:s6] =	ssyncset.done $0x0  }
0x35f: {  	[sflag:s6] =	ssyncadd.s32 $0xFFFF8000  }
0x360: {  	v3 =	vld [tilespmem:$0x480];
	_ =	sdelay $0x4  }
0x361: {  	v40 =	vshll.u32 v3, $0x1  }
0x362: {  	v3 =	vand.u32 $0x7, v3;
	v4 =	vand.u32 $0xFFFFFFF0, v40  }
0x363: {  	v3 =	vor.u32 v3, v4  }
0x364: {  	v4 =	vperm.xlane v3, v0;
	_ =	sdelay $0x1  }
0x365: {  	v3 =	vperm.xlane v3, v2;
	v4 =	vadd.s32 v1, v4;
	_ =	sdelay $0x1  }
0x366: {  	v3 =	vadd.s32 v1, v3;
	_ =	sdelay $0x2  }
0x367: {  	[tilespmem:s23], [sflag:$0x1] =	stream.indirect_vreg.gather [hbm4b:s1+s3], $0x80, v4, vm0, $0xb8;
	[tilespmem:$0x18600] =	vst v63  }
0x368: {  	s4 =	simm.s32 $0xE00  }
0x369: {  	[tilespmem:s4], [sflag:$0x1] =	stream.indirect_vreg.gather [hbm4b:s1+s3], $0x80, v3, vm0, $0xb8;
	[tilespmem:$0x18600] =	vst v63  }
0x36a: {  	v3 =	vld [tilespmem:$0x490];
	_ =	sdelay $0x4  }
0x36b: {  	v41 =	vshll.u32 v3, $0x1  }
0x36c: {  	v3 =	vand.u32 $0x7, v3;
	v4 =	vand.u32 $0xFFFFFFF0, v41  }
0x36d: {  	v3 =	vor.u32 v3, v4  }
0x36e: {  	v4 =	vperm.xlane v3, v0;
	_ =	sdelay $0x1  }
0x36f: {  	v3 =	vperm.xlane v3, v2;
	v4 =	vadd.s32 v1, v4;
	_ =	sdelay $0x1  }
0x370: {  	v3 =	vadd.s32 v1, v3;
	_ =	sdelay $0x1  }
0x371: {  	s4 =	simm.s32 $0x1600  }
0x372: {  	[tilespmem:s4], [sflag:$0x1] =	stream.indirect_vreg.gather [hbm4b:s1+s3], $0x80, v4, vm0, $0xb8;
	[tilespmem:$0x18600] =	vst v63  }
0x373: {  	s4 =	simm.s32 $0x1E00  }
0x374: {  	[tilespmem:s4], [sflag:$0x1] =	stream.indirect_vreg.gather [hbm4b:s1+s3], $0x80, v3, vm0, $0xb8;
	[tilespmem:$0x18600] =	vst v63  }
0x375: {  	v3 =	vld [tilespmem:$0x4A0];
	_ =	sdelay $0x4  }
0x376: {  	v42 =	vshll.u32 v3, $0x1  }
0x377: {  	v3 =	vand.u32 $0x7, v3;
	v4 =	vand.u32 $0xFFFFFFF0, v42  }
0x378: {  	v3 =	vor.u32 v3, v4  }
0x379: {  	v4 =	vperm.xlane v3, v0;
	_ =	sdelay $0x1  }
0x37a: {  	v3 =	vperm.xlane v3, v2;
	v4 =	vadd.s32 v1, v4;
	_ =	sdelay $0x1  }
0x37b: {  	v3 =	vadd.s32 v1, v3;
	_ =	sdelay $0x1  }
0x37c: {  	s4 =	simm.s32 $0x2600  }
0x37d: {  	[tilespmem:s4], [sflag:$0x1] =	stream.indirect_vreg.gather [hbm4b:s1+s3], $0x80, v4, vm0, $0xb8;
	[tilespmem:$0x18600] =	vst v63  }
0x37e: {  	s4 =	simm.s32 $0x2E00  }
0x37f: {  	[tilespmem:s4], [sflag:$0x1] =	stream.indirect_vreg.gather [hbm4b:s1+s3], $0x80, v3, vm0, $0xb8;
	[tilespmem:$0x18600] =	vst v63  }
0x380: {  	v3 =	vld [tilespmem:$0x4B0];
	_ =	sdelay $0x4  }
0x381: {  	v43 =	vshll.u32 v3, $0x1  }
0x382: {  	v3 =	vand.u32 $0x7, v3;
	v4 =	vand.u32 $0xFFFFFFF0, v43  }
0x383: {  	v3 =	vor.u32 v3, v4  }
0x384: {  	v4 =	vperm.xlane v3, v0;
	_ =	sdelay $0x1  }
0x385: {  	v3 =	vperm.xlane v3, v2;
	v4 =	vadd.s32 v1, v4;
	_ =	sdelay $0x1  }
0x386: {  	v3 =	vadd.s32 v1, v3;
	_ =	sdelay $0x1  }
0x387: {  	s4 =	simm.s32 $0x3600  }
0x388: {  	[tilespmem:s4], [sflag:$0x1] =	stream.indirect_vreg.gather [hbm4b:s1+s3], $0x80, v4, vm0, $0xb8;
	[tilespmem:$0x18600] =	vst v63  }
0x389: {  	s4 =	simm.s32 $0x3E00  }
0x38a: {  	[tilespmem:s4], [sflag:$0x1] =	stream.indirect_vreg.gather [hbm4b:s1+s3], $0x80, v3, vm0, $0xb8;
	[tilespmem:$0x18600] =	vst v63  }
0x38b: {  	v3 =	vld [tilespmem:$0x4C0];
	_ =	sdelay $0x4  }
0x38c: {  	v44 =	vshll.u32 v3, $0x1  }
0x38d: {  	v3 =	vand.u32 $0x7, v3;
	v4 =	vand.u32 $0xFFFFFFF0, v44  }
0x38e: {  	v3 =	vor.u32 v3, v4  }
0x38f: {  	v4 =	vperm.xlane v3, v0;
	_ =	sdelay $0x1  }
0x390: {  	v3 =	vperm.xlane v3, v2;
	v4 =	vadd.s32 v1, v4;
	_ =	sdelay $0x1  }
0x391: {  	v3 =	vadd.s32 v1, v3;
	_ =	sdelay $0x1  }
0x392: {  	s4 =	simm.s32 $0x4600  }
0x393: {  	[tilespmem:s4], [sflag:$0x1] =	stream.indirect_vreg.gather [hbm4b:s1+s3], $0x80, v4, vm0, $0xb8;
	[tilespmem:$0x18600] =	vst v63  }
0x394: {  	s4 =	simm.s32 $0x4E00  }
0x395: {  	[tilespmem:s4], [sflag:$0x1] =	stream.indirect_vreg.gather [hbm4b:s1+s3], $0x80, v3, vm0, $0xb8;
	[tilespmem:$0x18600] =	vst v63  }
0x396: {  	v3 =	vld [tilespmem:$0x4D0];
	_ =	sdelay $0x4  }
0x397: {  	v45 =	vshll.u32 v3, $0x1  }
0x398: {  	v3 =	vand.u32 $0x7, v3;
	v4 =	vand.u32 $0xFFFFFFF0, v45  }
0x399: {  	v3 =	vor.u32 v3, v4  }
0x39a: {  	v4 =	vperm.xlane v3, v0;
	_ =	sdelay $0x1  }
0x39b: {  	v3 =	vperm.xlane v3, v2;
	v4 =	vadd.s32 v1, v4;
	_ =	sdelay $0x1  }
0x39c: {  	v3 =	vadd.s32 v1, v3;
	_ =	sdelay $0x1  }
0x39d: {  	s4 =	simm.s32 $0x5600  }
0x39e: {  	[tilespmem:s4], [sflag:$0x1] =	stream.indirect_vreg.gather [hbm4b:s1+s3], $0x80, v4, vm0, $0xb8;
	[tilespmem:$0x18600] =	vst v63  }
0x39f: {  	s4 =	simm.s32 $0x5E00  }
0x3a0: {  	[tilespmem:s4], [sflag:$0x1] =	stream.indirect_vreg.gather [hbm4b:s1+s3], $0x80, v3, vm0, $0xb8;
	[tilespmem:$0x18600] =	vst v63  }
0x3a1: {  	v3 =	vld [tilespmem:$0x4E0];
	_ =	sdelay $0x4  }
0x3a2: {  	v46 =	vshll.u32 v3, $0x1  }
0x3a3: {  	v3 =	vand.u32 $0x7, v3;
	v4 =	vand.u32 $0xFFFFFFF0, v46  }
0x3a4: {  	v3 =	vor.u32 v3, v4  }
0x3a5: {  	v4 =	vperm.xlane v3, v0;
	_ =	sdelay $0x1  }
0x3a6: {  	v3 =	vperm.xlane v3, v2;
	v4 =	vadd.s32 v1, v4;
	_ =	sdelay $0x1  }
0x3a7: {  	v3 =	vadd.s32 v1, v3;
	_ =	sdelay $0x1  }
0x3a8: {  	s4 =	simm.s32 $0x6600  }
0x3a9: {  	[tilespmem:s4], [sflag:$0x1] =	stream.indirect_vreg.gather [hbm4b:s1+s3], $0x80, v4, vm0, $0xb8;
	[tilespmem:$0x18600] =	vst v63  }
0x3aa: {  	s4 =	simm.s32 $0x6E00  }
0x3ab: {  	[tilespmem:s4], [sflag:$0x1] =	stream.indirect_vreg.gather [hbm4b:s1+s3], $0x80, v3, vm0, $0xb8;
	[tilespmem:$0x18600] =	vst v63  }
0x3ac: {  	v3 =	vld [tilespmem:$0x4F0];
	_ =	sdelay $0x4  }
0x3ad: {  	v47 =	vshll.u32 v3, $0x1  }
0x3ae: {  	v3 =	vand.u32 $0x7, v3;
	v4 =	vand.u32 $0xFFFFFFF0, v47  }
0x3af: {  	v3 =	vor.u32 v3, v4  }
0x3b0: {  	v4 =	vperm.xlane v3, v0;
	_ =	sdelay $0x1  }
0x3b1: {  	v3 =	vperm.xlane v3, v2;
	v4 =	vadd.s32 v1, v4;
	_ =	sdelay $0x1  }
0x3b2: {  	v3 =	vadd.s32 v1, v3;
	_ =	sdelay $0x1  }
0x3b3: {  	s4 =	simm.s32 $0x7600  }
0x3b4: {  	[tilespmem:s4], [sflag:$0x1] =	stream.indirect_vreg.gather [hbm4b:s1+s3], $0x80, v4, vm0, $0xb8;
	[tilespmem:$0x18600] =	vst v63  }
0x3b5: {  	s4 =	simm.s32 $0x7E00  }
0x3b6: {  	[tilespmem:s4], [sflag:$0x1] =	stream.indirect_vreg.gather [hbm4b:s1+s3], $0x80, v3, vm0, $0xb8;
	[tilespmem:$0x18600] =	vst v63  }
0x3b7: {  	_ =	swait.ge [sflag:s2], $0x8000  }
0x3b8: {  	[sflag:s2] =	ssyncset.done $0x0  }
0x3b9: {  	s4 =	rddreg [dreg:$0xc];
	[sflag:s2] =	ssyncadd.s32 $0xFFFF8000  }
0x3ba: {  	[hbm4b:s4+s3] =	stream.linear.scatter [tilespmem:s7], [sflag:$0x4], $0x8000, $0x38;
	[tilespmem:$0x18600] =	vst v63  }
0x3bb: {  	_ =	swait.ge [sflag:s6], $0x8000  }
0x3bc: {  	[sflag:s6] =	ssyncset.done $0x0  }
0x3bd: {  	[sflag:s6] =	ssyncadd.s32 $0xFFFF8000  }
0x3be: {  	v3 =	vld [tilespmem:$0x500];
	_ =	sdelay $0x4  }
0x3bf: {  	v48 =	vshll.u32 v3, $0x1  }
0x3c0: {  	v3 =	vand.u32 $0x7, v3;
	v4 =	vand.u32 $0xFFFFFFF0, v48  }
0x3c1: {  	v3 =	vor.u32 v3, v4  }
0x3c2: {  	v4 =	vperm.xlane v3, v0;
	_ =	sdelay $0x1  }
0x3c3: {  	v3 =	vperm.xlane v3, v2;
	v4 =	vadd.s32 v1, v4;
	_ =	sdelay $0x1  }
0x3c4: {  	v3 =	vadd.s32 v1, v3;
	_ =	sdelay $0x2  }
0x3c5: {  	[tilespmem:s7], [sflag:$0x2] =	stream.indirect_vreg.gather [hbm4b:s1+s3], $0x80, v4, vm0, $0xb8;
	[tilespmem:$0x18600] =	vst v63  }
0x3c6: {  	s4 =	simm.s32 $0x8E00  }
0x3c7: {  	[tilespmem:s4], [sflag:$0x2] =	stream.indirect_vreg.gather [hbm4b:s1+s3], $0x80, v3, vm0, $0xb8;
	[tilespmem:$0x18600] =	vst v63  }
0x3c8: {  	v3 =	vld [tilespmem:$0x510];
	_ =	sdelay $0x4  }
0x3c9: {  	v49 =	vshll.u32 v3, $0x1  }
0x3ca: {  	v3 =	vand.u32 $0x7, v3;
	v4 =	vand.u32 $0xFFFFFFF0, v49  }
0x3cb: {  	v3 =	vor.u32 v3, v4  }
0x3cc: {  	v4 =	vperm.xlane v3, v0;
	_ =	sdelay $0x1  }
0x3cd: {  	v3 =	vperm.xlane v3, v2;
	v4 =	vadd.s32 v1, v4;
	_ =	sdelay $0x1  }
0x3ce: {  	v3 =	vadd.s32 v1, v3;
	_ =	sdelay $0x1  }
0x3cf: {  	s25 =	simm.s32 $0x9600  }
0x3d0: {  	[tilespmem:s25], [sflag:$0x2] =	stream.indirect_vreg.gather [hbm4b:s1+s3], $0x80, v4, vm0, $0xb8;
	[tilespmem:$0x18600] =	vst v63  }
0x3d1: {  	s25 =	simm.s32 $0x9E00  }
0x3d2: {  	[tilespmem:s25], [sflag:$0x2] =	stream.indirect_vreg.gather [hbm4b:s1+s3], $0x80, v3, vm0, $0xb8;
	[tilespmem:$0x18600] =	vst v63  }
0x3d3: {  	v3 =	vld [tilespmem:$0x520];
	_ =	sdelay $0x4  }
0x3d4: {  	v50 =	vshll.u32 v3, $0x1  }
0x3d5: {  	v3 =	vand.u32 $0x7, v3;
	v4 =	vand.u32 $0xFFFFFFF0, v50  }
0x3d6: {  	v3 =	vor.u32 v3, v4  }
0x3d7: {  	v4 =	vperm.xlane v3, v0;
	_ =	sdelay $0x1  }
0x3d8: {  	v3 =	vperm.xlane v3, v2;
	v4 =	vadd.s32 v1, v4;
	_ =	sdelay $0x1  }
0x3d9: {  	v3 =	vadd.s32 v1, v3;
	_ =	sdelay $0x1  }
0x3da: {  	s26 =	simm.s32 $0xA600  }
0x3db: {  	[tilespmem:s26], [sflag:$0x2] =	stream.indirect_vreg.gather [hbm4b:s1+s3], $0x80, v4, vm0, $0xb8;
	[tilespmem:$0x18600] =	vst v63  }
0x3dc: {  	s26 =	simm.s32 $0xAE00  }
0x3dd: {  	[tilespmem:s26], [sflag:$0x2] =	stream.indirect_vreg.gather [hbm4b:s1+s3], $0x80, v3, vm0, $0xb8;
	[tilespmem:$0x18600] =	vst v63  }
0x3de: {  	v3 =	vld [tilespmem:$0x530];
	_ =	sdelay $0x4  }
0x3df: {  	v51 =	vshll.u32 v3, $0x1  }
0x3e0: {  	v3 =	vand.u32 $0x7, v3;
	v4 =	vand.u32 $0xFFFFFFF0, v51  }
0x3e1: {  	v3 =	vor.u32 v3, v4  }
0x3e2: {  	v4 =	vperm.xlane v3, v0;
	_ =	sdelay $0x1  }
0x3e3: {  	v3 =	vperm.xlane v3, v2;
	v4 =	vadd.s32 v1, v4;
	_ =	sdelay $0x1  }
0x3e4: {  	v3 =	vadd.s32 v1, v3;
	_ =	sdelay $0x1  }
0x3e5: {  	s28 =	simm.s32 $0xB600  }
0x3e6: {  	[tilespmem:s28], [sflag:$0x2] =	stream.indirect_vreg.gather [hbm4b:s1+s3], $0x80, v4, vm0, $0xb8;
	[tilespmem:$0x18600] =	vst v63  }
0x3e7: {  	s28 =	simm.s32 $0xBE00  }
0x3e8: {  	[tilespmem:s28], [sflag:$0x2] =	stream.indirect_vreg.gather [hbm4b:s1+s3], $0x80, v3, vm0, $0xb8;
	[tilespmem:$0x18600] =	vst v63  }
0x3e9: {  	v3 =	vld [tilespmem:$0x540];
	_ =	sdelay $0x4  }
0x3ea: {  	v52 =	vshll.u32 v3, $0x1  }
0x3eb: {  	v3 =	vand.u32 $0x7, v3;
	v4 =	vand.u32 $0xFFFFFFF0, v52  }
0x3ec: {  	v3 =	vor.u32 v3, v4  }
0x3ed: {  	v4 =	vperm.xlane v3, v0;
	_ =	sdelay $0x1  }
0x3ee: {  	v3 =	vperm.xlane v3, v2;
	v4 =	vadd.s32 v1, v4;
	_ =	sdelay $0x1  }
0x3ef: {  	v3 =	vadd.s32 v1, v3;
	_ =	sdelay $0x1  }
0x3f0: {  	s29 =	simm.s32 $0xC600  }
0x3f1: {  	[tilespmem:s29], [sflag:$0x2] =	stream.indirect_vreg.gather [hbm4b:s1+s3], $0x80, v4, vm0, $0xb8;
	[tilespmem:$0x18600] =	vst v63  }
0x3f2: {  	s25 =	simm.s32 $0xCE00  }
0x3f3: {  	[tilespmem:s25], [sflag:$0x2] =	stream.indirect_vreg.gather [hbm4b:s1+s3], $0x80, v3, vm0, $0xb8;
	[tilespmem:$0x18600] =	vst v63  }
0x3f4: {  	v3 =	vld [tilespmem:$0x550];
	_ =	sdelay $0x4  }
0x3f5: {  	v53 =	vshll.u32 v3, $0x1  }
0x3f6: {  	v3 =	vand.u32 $0x7, v3;
	v4 =	vand.u32 $0xFFFFFFF0, v53  }
0x3f7: {  	v3 =	vor.u32 v3, v4  }
0x3f8: {  	v4 =	vperm.xlane v3, v0;
	_ =	sdelay $0x1  }
0x3f9: {  	v3 =	vperm.xlane v3, v2;
	v4 =	vadd.s32 v1, v4;
	_ =	sdelay $0x1  }
0x3fa: {  	v3 =	vadd.s32 v1, v3;
	_ =	sdelay $0x1  }
0x3fb: {  	s30 =	simm.s32 $0xD600  }
0x3fc: {  	[tilespmem:s30], [sflag:$0x2] =	stream.indirect_vreg.gather [hbm4b:s1+s3], $0x80, v4, vm0, $0xb8;
	[tilespmem:$0x18600] =	vst v63  }
0x3fd: {  	s26 =	simm.s32 $0xDE00  }
0x3fe: {  	[tilespmem:s26], [sflag:$0x2] =	stream.indirect_vreg.gather [hbm4b:s1+s3], $0x80, v3, vm0, $0xb8;
	[tilespmem:$0x18600] =	vst v63  }
0x3ff: {  	v3 =	vld [tilespmem:$0x560];
	_ =	sdelay $0x4  }
0x400: {  	v54 =	vshll.u32 v3, $0x1  }
0x401: {  	v3 =	vand.u32 $0x7, v3;
	v4 =	vand.u32 $0xFFFFFFF0, v54  }
0x402: {  	v3 =	vor.u32 v3, v4  }
0x403: {  	v4 =	vperm.xlane v3, v0;
	_ =	sdelay $0x1  }
0x404: {  	v3 =	vperm.xlane v3, v2;
	v4 =	vadd.s32 v1, v4;
	_ =	sdelay $0x1  }
0x405: {  	v3 =	vadd.s32 v1, v3;
	_ =	sdelay $0x1  }
0x406: {  	s28 =	simm.s32 $0xE600  }
0x407: {  	[tilespmem:s28], [sflag:$0x2] =	stream.indirect_vreg.gather [hbm4b:s1+s3], $0x80, v4, vm0, $0xb8;
	[tilespmem:$0x18600] =	vst v63  }
0x408: {  	s29 =	simm.s32 $0xEE00  }
0x409: {  	[tilespmem:s29], [sflag:$0x2] =	stream.indirect_vreg.gather [hbm4b:s1+s3], $0x80, v3, vm0, $0xb8;
	[tilespmem:$0x18600] =	vst v63  }
0x40a: {  	v3 =	vld [tilespmem:$0x570];
	_ =	sdelay $0x4  }
0x40b: {  	v55 =	vshll.u32 v3, $0x1  }
0x40c: {  	v3 =	vand.u32 $0x7, v3;
	v4 =	vand.u32 $0xFFFFFFF0, v55  }
0x40d: {  	v3 =	vor.u32 v3, v4  }
0x40e: {  	v4 =	vperm.xlane v3, v0;
	_ =	sdelay $0x1  }
0x40f: {  	v3 =	vperm.xlane v3, v2;
	v4 =	vadd.s32 v1, v4;
	_ =	sdelay $0x1  }
0x410: {  	v3 =	vadd.s32 v1, v3;
	_ =	sdelay $0x1  }
0x411: {  	s30 =	simm.s32 $0xF600  }
0x412: {  	[tilespmem:s30], [sflag:$0x2] =	stream.indirect_vreg.gather [hbm4b:s1+s3], $0x80, v4, vm0, $0xb8;
	[tilespmem:$0x18600] =	vst v63  }
0x413: {  	s25 =	simm.s32 $0xFE00  }
0x414: {  	[tilespmem:s25], [sflag:$0x2] =	stream.indirect_vreg.gather [hbm4b:s1+s3], $0x80, v3, vm0, $0xb8;
	[tilespmem:$0x18600] =	vst v63  }
0x415: {  	_ =	swait.ge [sflag:s0], $0x8000  }
0x416: {  	[sflag:s0] =	ssyncset.done $0x0  }
0x417: {  	s26 =	rddreg [dreg:$0xd];
	[sflag:s0] =	ssyncadd.s32 $0xFFFF8000  }
0x418: {  	[hbm4b:s26+s3] =	stream.linear.scatter [tilespmem:s24], [sflag:$0x4], $0x8000, $0x38;
	[tilespmem:$0x18600] =	vst v63  }
0x419: {  	_ =	swait.ge [sflag:s6], $0x8000  }
0x41a: {  	[sflag:s6] =	ssyncset.done $0x0  }
0x41b: {  	[sflag:s6] =	ssyncadd.s32 $0xFFFF8000  }
0x41c: {  	v3 =	vld [tilespmem:$0x580];
	_ =	sdelay $0x4  }
0x41d: {  	v56 =	vshll.u32 v3, $0x1  }
0x41e: {  	v3 =	vand.u32 $0x7, v3;
	v4 =	vand.u32 $0xFFFFFFF0, v56  }
0x41f: {  	v3 =	vor.u32 v3, v4  }
0x420: {  	v4 =	vperm.xlane v3, v0;
	_ =	sdelay $0x1  }
0x421: {  	v3 =	vperm.xlane v3, v2;
	v4 =	vadd.s32 v1, v4;
	_ =	sdelay $0x1  }
0x422: {  	v3 =	vadd.s32 v1, v3;
	_ =	sdelay $0x2  }
0x423: {  	[tilespmem:s24], [sflag:$0x3] =	stream.indirect_vreg.gather [hbm4b:s1+s3], $0x80, v4, vm0, $0xb8;
	[tilespmem:$0x18600] =	vst v63  }
0x424: {  	s15 =	simm.s32 $0x10E00  }
0x425: {  	[tilespmem:s15], [sflag:$0x3] =	stream.indirect_vreg.gather [hbm4b:s1+s3], $0x80, v3, vm0, $0xb8;
	[tilespmem:$0x18600] =	vst v63  }
0x426: {  	v3 =	vld [tilespmem:$0x590];
	_ =	sdelay $0x4  }
0x427: {  	v57 =	vshll.u32 v3, $0x1  }
0x428: {  	v3 =	vand.u32 $0x7, v3;
	v4 =	vand.u32 $0xFFFFFFF0, v57  }
0x429: {  	v3 =	vor.u32 v3, v4  }
0x42a: {  	v4 =	vperm.xlane v3, v0;
	_ =	sdelay $0x1  }
0x42b: {  	v3 =	vperm.xlane v3, v2;
	v4 =	vadd.s32 v1, v4;
	_ =	sdelay $0x1  }
0x42c: {  	v3 =	vadd.s32 v1, v3;
	_ =	sdelay $0x1  }
0x42d: {  	s8 =	simm.s32 $0x11600  }
0x42e: {  	[tilespmem:s8], [sflag:$0x3] =	stream.indirect_vreg.gather [hbm4b:s1+s3], $0x80, v4, vm0, $0xb8;
	[tilespmem:$0x18600] =	vst v63  }
0x42f: {  	s16 =	simm.s32 $0x11E00  }
0x430: {  	[tilespmem:s16], [sflag:$0x3] =	stream.indirect_vreg.gather [hbm4b:s1+s3], $0x80, v3, vm0, $0xb8;
	[tilespmem:$0x18600] =	vst v63  }
0x431: {  	v3 =	vld [tilespmem:$0x5A0];
	_ =	sdelay $0x4  }
0x432: {  	v58 =	vshll.u32 v3, $0x1  }
0x433: {  	v3 =	vand.u32 $0x7, v3;
	v4 =	vand.u32 $0xFFFFFFF0, v58  }
0x434: {  	v3 =	vor.u32 v3, v4  }
0x435: {  	v4 =	vperm.xlane v3, v0;
	_ =	sdelay $0x1  }
0x436: {  	v3 =	vperm.xlane v3, v2;
	v4 =	vadd.s32 v1, v4;
	_ =	sdelay $0x1  }
0x437: {  	v3 =	vadd.s32 v1, v3;
	_ =	sdelay $0x1  }
0x438: {  	s9 =	simm.s32 $0x12600  }
0x439: {  	[tilespmem:s9], [sflag:$0x3] =	stream.indirect_vreg.gather [hbm4b:s1+s3], $0x80, v4, vm0, $0xb8;
	[tilespmem:$0x18600] =	vst v63  }
0x43a: {  	s17 =	simm.s32 $0x12E00  }
0x43b: {  	[tilespmem:s17], [sflag:$0x3] =	stream.indirect_vreg.gather [hbm4b:s1+s3], $0x80, v3, vm0, $0xb8;
	[tilespmem:$0x18600] =	vst v63  }
0x43c: {  	v3 =	vld [tilespmem:$0x5B0];
	_ =	sdelay $0x4  }
0x43d: {  	v59 =	vshll.u32 v3, $0x1  }
0x43e: {  	v3 =	vand.u32 $0x7, v3;
	v4 =	vand.u32 $0xFFFFFFF0, v59  }
0x43f: {  	v3 =	vor.u32 v3, v4  }
0x440: {  	v4 =	vperm.xlane v3, v0;
	_ =	sdelay $0x1  }
0x441: {  	v3 =	vperm.xlane v3, v2;
	v4 =	vadd.s32 v1, v4;
	_ =	sdelay $0x1  }
0x442: {  	v3 =	vadd.s32 v1, v3;
	_ =	sdelay $0x1  }
0x443: {  	s14 =	simm.s32 $0x13600  }
0x444: {  	[tilespmem:s14], [sflag:$0x3] =	stream.indirect_vreg.gather [hbm4b:s1+s3], $0x80, v4, vm0, $0xb8;
	[tilespmem:$0x18600] =	vst v63  }
0x445: {  	s18 =	simm.s32 $0x13E00  }
0x446: {  	[tilespmem:s18], [sflag:$0x3] =	stream.indirect_vreg.gather [hbm4b:s1+s3], $0x80, v3, vm0, $0xb8;
	[tilespmem:$0x18600] =	vst v63  }
0x447: {  	v3 =	vld [tilespmem:$0x5C0];
	_ =	sdelay $0x4  }
0x448: {  	v60 =	vshll.u32 v3, $0x1  }
0x449: {  	v3 =	vand.u32 $0x7, v3;
	v4 =	vand.u32 $0xFFFFFFF0, v60  }
0x44a: {  	v3 =	vor.u32 v3, v4  }
0x44b: {  	v4 =	vperm.xlane v3, v0;
	_ =	sdelay $0x1  }
0x44c: {  	v3 =	vperm.xlane v3, v2;
	v4 =	vadd.s32 v1, v4;
	_ =	sdelay $0x1  }
0x44d: {  	v3 =	vadd.s32 v1, v3;
	_ =	sdelay $0x1  }
0x44e: {  	s10 =	simm.s32 $0x14600  }
0x44f: {  	[tilespmem:s10], [sflag:$0x3] =	stream.indirect_vreg.gather [hbm4b:s1+s3], $0x80, v4, vm0, $0xb8;
	[tilespmem:$0x18600] =	vst v63  }
0x450: {  	s19 =	simm.s32 $0x14E00  }
0x451: {  	[tilespmem:s19], [sflag:$0x3] =	stream.indirect_vreg.gather [hbm4b:s1+s3], $0x80, v3, vm0, $0xb8;
	[tilespmem:$0x18600] =	vst v63  }
0x452: {  	v3 =	vld [tilespmem:$0x5D0];
	_ =	sdelay $0x4  }
0x453: {  	v61 =	vshll.u32 v3, $0x1  }
0x454: {  	v3 =	vand.u32 $0x7, v3;
	v4 =	vand.u32 $0xFFFFFFF0, v61  }
0x455: {  	v3 =	vor.u32 v3, v4  }
0x456: {  	v4 =	vperm.xlane v3, v0;
	_ =	sdelay $0x1  }
0x457: {  	v3 =	vperm.xlane v3, v2;
	v4 =	vadd.s32 v1, v4;
	_ =	sdelay $0x1  }
0x458: {  	v3 =	vadd.s32 v1, v3;
	_ =	sdelay $0x1  }
0x459: {  	s11 =	simm.s32 $0x15600  }
0x45a: {  	[tilespmem:s11], [sflag:$0x3] =	stream.indirect_vreg.gather [hbm4b:s1+s3], $0x80, v4, vm0, $0xb8;
	[tilespmem:$0x18600] =	vst v63  }
0x45b: {  	s20 =	simm.s32 $0x15E00  }
0x45c: {  	[tilespmem:s20], [sflag:$0x3] =	stream.indirect_vreg.gather [hbm4b:s1+s3], $0x80, v3, vm0, $0xb8;
	[tilespmem:$0x18600] =	vst v63  }
0x45d: {  	v3 =	vld [tilespmem:$0x5E0];
	_ =	sdelay $0x4  }
0x45e: {  	v62 =	vshll.u32 v3, $0x1  }
0x45f: {  	v3 =	vand.u32 $0x7, v3;
	v4 =	vand.u32 $0xFFFFFFF0, v62  }
0x460: {  	v3 =	vor.u32 v3, v4  }
0x461: {  	v4 =	vperm.xlane v3, v0;
	_ =	sdelay $0x1  }
0x462: {  	v3 =	vperm.xlane v3, v2;
	v4 =	vadd.s32 v1, v4;
	_ =	sdelay $0x1  }
0x463: {  	v3 =	vadd.s32 v1, v3;
	_ =	sdelay $0x1  }
0x464: {  	s12 =	simm.s32 $0x16600  }
0x465: {  	[tilespmem:s12], [sflag:$0x3] =	stream.indirect_vreg.gather [hbm4b:s1+s3], $0x80, v4, vm0, $0xb8;
	[tilespmem:$0x18600] =	vst v63  }
0x466: {  	s21 =	simm.s32 $0x16E00  }
0x467: {  	[tilespmem:s21], [sflag:$0x3] =	stream.indirect_vreg.gather [hbm4b:s1+s3], $0x80, v3, vm0, $0xb8;
	[tilespmem:$0x18600] =	vst v63  }
0x468: {  	v3 =	vld [tilespmem:$0x5F0];
	_ =	sdelay $0x4  }
0x469: {  	v63 =	vshll.u32 v3, $0x1  }
0x46a: {  	v3 =	vand.u32 $0x7, v3;
	v4 =	vand.u32 $0xFFFFFFF0, v63  }
0x46b: {  	v3 =	vor.u32 v3, v4  }
0x46c: {  	v4 =	vperm.xlane v3, v0;
	_ =	sdelay $0x1  }
0x46d: {  	v3 =	vperm.xlane v3, v2;
	v4 =	vadd.s32 v1, v4;
	_ =	sdelay $0x1  }
0x46e: {  	v3 =	vadd.s32 v1, v3;
	_ =	sdelay $0x1  }
0x46f: {  	s13 =	simm.s32 $0x17600  }
0x470: {  	[tilespmem:s13], [sflag:$0x3] =	stream.indirect_vreg.gather [hbm4b:s1+s3], $0x80, v4, vm0, $0xb8;
	[tilespmem:$0x18600] =	vst v63  }
0x471: {  	s22 =	simm.s32 $0x17E00  }
0x472: {  	[tilespmem:s22], [sflag:$0x3] =	stream.indirect_vreg.gather [hbm4b:s1+s3], $0x80, v3, vm0, $0xb8;
	[tilespmem:$0x18600] =	vst v63  }
0x473: {  	_ =	swait.ge [sflag:s31], $0x8000  }
0x474: {  	[sflag:s31] =	ssyncset.done $0x0  }
0x475: {  	s28 =	rddreg [dreg:$0xe];
	[sflag:s31] =	ssyncadd.s32 $0xFFFF8000  }
0x476: {  	[hbm4b:s28+s3] =	stream.linear.scatter [tilespmem:s23], [sflag:$0x4], $0x8000, $0x38;
	[tilespmem:$0x18600] =	vst v63  }
0x477: {  	_ =	swait.ge [sflag:s6], $0x8000  }
0x478: {  	[sflag:s6] =	ssyncset.done $0x0  }
0x479: {  	[sflag:s6] =	ssyncadd.s32 $0xFFFF8000  }
0x47a: {  	_ =	swait.ge [sflag:s2], $0x8000  }
0x47b: {  	[sflag:s2] =	ssyncset.done $0x0  }
0x47c: {  	s29 =	rddreg [dreg:$0xf];
	[sflag:s2] =	ssyncadd.s32 $0xFFFF8000  }
0x47d: {  	[hbm4b:s29+s3] =	stream.linear.scatter [tilespmem:s7], [sflag:$0x4], $0x8000, $0x38;
	[tilespmem:$0x18600] =	vst v63  }
0x47e: {  	_ =	swait.ge [sflag:s6], $0x8000  }
0x47f: {  	[sflag:s6] =	ssyncset.done $0x0  }
0x480: {  	[sflag:s6] =	ssyncadd.s32 $0xFFFF8000  }
0x481: {  	_ =	swait.ge [sflag:s0], $0x8000  }
0x482: {  	p0 =	sne.s32 s5, $0x1;
	[sflag:s0] =	ssyncset.done $0x0  }
.Ltmp0:
0x483: {  	s30 =	rddreg [dreg:$0x10];
	[sflag:s0] =	ssyncadd.s32 $0xFFFF8000;
	(pc) =	sbr.rel @p0 .LBB2_1-.Ltmp0, $4  }
0x484: {  	[hbm4b:s30+s3] =	stream.linear.scatter [tilespmem:s24], [sflag:$0x4], $0x8000, $0x38;
	[tilespmem:$0x18600] =	vst v63  }
0x485: {  	_ =	swait.ge [sflag:s6], $0x8000  }
0x486: {  	[sflag:s6] =	ssyncset.done $0x0  }
0x487: {  	s5 =	sadd.s32 $0xFFFFFFFF, s5;
	[sflag:s6] =	ssyncadd.s32 $0xFFFF8000  }
0x488: {  	_ =	sfence.sel $0x180000  }
0x489: {  	[bflag:$0x0] =	sbarrier.arrive $0xFFFF  }
0x48a: {  	_ =	strace $0x90000047  }
0x48b: {  	s0 =	stileid.u32;
	[bflag:$0x2] =	sbarrier.arrive $0xFFFF  }
0x48c: {  	p0 =	sne.s32 s0, $0x0;
	s0 =	rddreg [dreg:$0x3]  }
0x48d: {  	s0 =	sadd.s32 @!p0 $0x100000, s0  }
0x48e: {  	[sflag:s0] =	ssyncadd.tile.s32 @!p0 $0x1;
	_ =	shalt  }
.Lfunc_end2:
_tile_overlayer_lowered:
.L_overlay_start_2:
0x48f: {  	(tag) =	ssettag $0x2  }
0x490: {  	s0 =	rddreg [dreg:$0x0];
	s2 =	stileid.u32  }
0x491: {  	s1 =	rddreg [dreg:$0x1];
	p0 =	sne.s32 s2, $0x0  }
0x492: {  	s3 =	rddreg [dreg:$0x2];
	[bflag:$0x3] =	sbarrier.arrive $0xFFFF;
	s2 =	simm.s32 @!p0 $0x1C04  }
0x493: {  	[timem:s3], [sflag:s2] =	dma.local @!p0 [hbm:s0], s1  }
0x494: {  	s0 =	simm.s32 @!p0 $0x4  }
0x495: {  	_ =	swait.ge @!p0 [sflag:s0], s1  }
0x496: {  	s1 =	ssub.s32 @!p0 $0x0, s1;
	[sflag:s0] =	ssyncset.done @!p0 $0x0  }
0x497: {  	[sflag:s0] =	ssyncadd.s32 @!p0 s1  }
0x498: {  	[bflag:$0x3] =	sbarrier.arrive $0xFFFF  }
0x499: {  	_ =	shalt  }

</sc_bundles>
